<compile_context>
chip_gen: v7x
topology: tpu7x:2x2x1
jax: 0.10.2.dev20260603
libtpu: 0.0.44.dev20260713+nightly
codegen_flags: <defaults>
</compile_context>

<pallas_src>
import jax
import jax.numpy as jnp
from jax import lax
from jax.experimental import pallas as pl
from jax.experimental.pallas import tpu as pltpu
from jax.experimental.pallas import tpu_sc as plsc

_ACTIONS = 100
_APAD = 104
_EMB = 32
_DELTA = 5000
_LANES = 16

_NC = 2
_NS = 16
_NW = _NC * _NS
_BLK = 128


def _permute_index(i):
    return ((i >> 12) * 4096 + (i & 1023) * 4 + ((i >> 10) & 3))


def _convert_body(bt_ref, out_ref):
    y = bt_ref[...]
    zs = [y[:, j * 1024:(j + 1) * 1024].T for j in range(4)]
    out_ref[...] = jnp.concatenate(zs, axis=1)


def _prelude_body(x_ref, gamma_ref, beta_ref, idxlo_ref, idxhi_ref,
                  wl_ref, wh_ref):
    x = x_ref[...]
    mean = jnp.mean(x, axis=1, keepdims=True)
    var = jnp.mean((x - mean) ** 2, axis=1, keepdims=True)
    xn = (x - mean) / jnp.sqrt(var + 1e-5) * gamma_ref[...] + beta_ref[...]
    xt = jnp.tanh(xn)
    xc = jnp.clip(xt, -1.0 + 1e-5, 1.0 - 1e-5)
    ind = lax.broadcasted_iota(jnp.int32, x.shape, 0)
    xl = jnp.floor(xc * _DELTA)
    xh = jnp.floor(xc * _DELTA + 1)
    xli = _permute_index(_ACTIONS * (xl.astype(jnp.int32) + _DELTA) + ind)
    xhi = _permute_index(_ACTIONS * (xh.astype(jnp.int32) + _DELTA) + ind)
    d = 1.0 / _DELTA
    wh = (xc - xl / _DELTA) / d
    wl = (xh / _DELTA - xc) / d
    pad = _APAD - _ACTIONS
    zi = jnp.zeros((pad, x.shape[1]), jnp.int32)
    zf = jnp.zeros((pad, x.shape[1]), jnp.float32)
    idxlo_ref[...] = jnp.concatenate([xli, zi], axis=0)
    idxhi_ref[...] = jnp.concatenate([xhi, zi], axis=0)
    wl_ref[...] = jnp.concatenate([wl, zf], axis=0)
    wh_ref[...] = jnp.concatenate([wh, zf], axis=0)


def _sc_body(idxlo_hbm, idxhi_hbm, wl_hbm, wh_hbm, table_hbm, out_hbm,
             il_v, ih_v, wl_v, wh_v, bl0_v, bl1_v, bh0_v, bh1_v,
             out0_v, out1_v, gsem0, gsem1, osem0, osem1):
    wid = lax.axis_index("s") * _NC + lax.axis_index("c")
    bs = wid * _BLK
    pltpu.sync_copy(idxlo_hbm.at[:_ACTIONS, pl.ds(bs, _BLK)], il_v)
    pltpu.sync_copy(idxhi_hbm.at[:_ACTIONS, pl.ds(bs, _BLK)], ih_v)
    pltpu.sync_copy(wl_hbm.at[:_ACTIONS, pl.ds(bs, _BLK)], wl_v)
    pltpu.sync_copy(wh_hbm.at[:_ACTIONS, pl.ds(bs, _BLK)], wh_v)

    bls = (bl0_v, bl1_v)
    bhs = (bh0_v, bh1_v)
    outs = (out0_v, out1_v)
    gsems = (gsem0, gsem1)
    osems = (osem0, osem1)

    def fire(a, slot):
        pltpu.async_copy(table_hbm.at[il_v.at[a]], bls[slot], gsems[slot])
        pltpu.async_copy(table_hbm.at[ih_v.at[a]], bhs[slot], gsems[slot])

    fire(0, 0)
    fire(1, 1)

    def body(i, carry):
        for slot in range(2):
            a = 2 * i + slot
            bl_v, bh_v, out_v = bls[slot], bhs[slot], outs[slot]
            pltpu.make_async_copy(
                table_hbm.at[il_v.at[a]], bl_v, gsems[slot]).wait()
            pltpu.make_async_copy(
                table_hbm.at[ih_v.at[a]], bh_v, gsems[slot]).wait()

            @pl.when(i > 0)
            def _():
                for eb in range(_EMB // 8):
                    pltpu.make_async_copy(
                        out_v.at[pl.ds(eb * 8, 8)],
                        out_hbm.at[a, eb, wid], osems[slot]).wait()

            ngrp = _BLK // _LANES
            wlgs = [wl_v[a, pl.ds(g * _LANES, _LANES)] for g in range(ngrp)]
            whgs = [wh_v[a, pl.ds(g * _LANES, _LANES)] for g in range(ngrp)]
            base = lax.iota(jnp.int32, _LANES)
            rowidxs = [base + g * _LANES for g in range(ngrp)]

            @plsc.parallel_loop(0, _EMB, unroll=4)
            def _(e):
                colidx = jnp.zeros((_LANES,), jnp.int32) + e
                for g in range(ngrp):
                    blv = plsc.load_gather(bl_v, [rowidxs[g], colidx])
                    bhv = plsc.load_gather(bh_v, [rowidxs[g], colidx])
                    out_v[e, pl.ds(g * _LANES, _LANES)] = (
                        blv * wlgs[g] + bhv * whgs[g])

            for eb in range(_EMB // 8):
                pltpu.async_copy(
                    out_v.at[pl.ds(eb * 8, 8)],
                    out_hbm.at[a, eb, wid], osems[slot])

            @pl.when(i < _ACTIONS // 2 - 1)
            def _():
                fire(a + 2, slot)
        return carry

    lax.fori_loop(0, _ACTIONS // 2, body, 0)
    for slot in range(2):
        a = _ACTIONS - 2 + slot
        for eb in range(_EMB // 8):
            pltpu.make_async_copy(
                outs[slot].at[pl.ds(eb * 8, 8)],
                out_hbm.at[a, eb, wid], osems[slot]).wait()


@jax.jit
def kernel(x, B, gamma, beta):
    n = x.shape[0]
    idxlo, idxhi, wl, wh = pl.pallas_call(
        _prelude_body,
        out_shape=[
            jax.ShapeDtypeStruct((_APAD, n), jnp.int32),
            jax.ShapeDtypeStruct((_APAD, n), jnp.int32),
            jax.ShapeDtypeStruct((_APAD, n), jnp.float32),
            jax.ShapeDtypeStruct((_APAD, n), jnp.float32),
        ],
    )(x.T, gamma.reshape(_ACTIONS, 1), beta.reshape(_ACTIONS, 1))

    nchunk = -(-B.shape[0] // 4096)
    b_blk = pl.pallas_call(
        _convert_body,
        grid=(nchunk,),
        in_specs=[pl.BlockSpec((_EMB, 4096), lambda g: (0, g))],
        out_specs=pl.BlockSpec((1024, 128), lambda g: (g, 0)),
        out_shape=jax.ShapeDtypeStruct((nchunk * 1024, 128), jnp.float32),
    )(B.T)
    b_rm = b_blk.reshape(nchunk * 4096, _EMB)

    mesh = plsc.VectorSubcoreMesh(core_axis_name="c", subcore_axis_name="s")
    sc = pl.kernel(
        _sc_body,
        out_type=jax.ShapeDtypeStruct(
            (_ACTIONS, _EMB // 8, n // _BLK, 8, _BLK), jnp.float32),
        mesh=mesh,
        compiler_params=pltpu.CompilerParams(
            needs_layout_passes=False, use_tc_tiling_on_sc=False),
        scratch_types=[
            pltpu.VMEM((_ACTIONS, _BLK), jnp.int32),
            pltpu.VMEM((_ACTIONS, _BLK), jnp.int32),
            pltpu.VMEM((_ACTIONS, _BLK), jnp.float32),
            pltpu.VMEM((_ACTIONS, _BLK), jnp.float32),
            pltpu.VMEM((_BLK, _EMB), jnp.float32),
            pltpu.VMEM((_BLK, _EMB), jnp.float32),
            pltpu.VMEM((_BLK, _EMB), jnp.float32),
            pltpu.VMEM((_BLK, _EMB), jnp.float32),
            pltpu.VMEM((_EMB, _BLK), jnp.float32),
            pltpu.VMEM((_EMB, _BLK), jnp.float32),
            pltpu.SemaphoreType.DMA,
            pltpu.SemaphoreType.DMA,
            pltpu.SemaphoreType.DMA,
            pltpu.SemaphoreType.DMA,
        ],
    )
    out = sc(idxlo, idxhi, wl, wh, b_rm)
    return jnp.transpose(out, (2, 4, 0, 1, 3)).reshape(n, _ACTIONS, _EMB)

# --- scband reference (transcript-rebuilt; emitter-appended) ---
"""Pipeline reference for scband-spline-embedding-61907658605068 (READ-ONLY COPY).

The authoritative reference and input builder live on the scoring server;
editing this copy changes nothing except your own understanding.
"""

import jax, jax.numpy as jnp
import numpy as np

ACTIONS = 100
EMB = 32
DELTA = 5000
BATCH = 4096


def setup_inputs(seed: int = 0) -> dict:
    key = jax.random.key(seed)
    k1, k2 = jax.random.split(key)
    x = jax.random.normal(k1, (BATCH, ACTIONS), dtype=jnp.float32)
    # nn.Embedding((2*delta+1)*actions, emb) weights ~ N(0, 1)
    B = jax.random.normal(k2, ((2 * DELTA + 1) * ACTIONS, EMB), dtype=jnp.float32)
    # BatchNorm1d affine params (default init: weight=1, bias=0)
    gamma = jnp.ones((ACTIONS,), dtype=jnp.float32)
    beta = jnp.zeros((ACTIONS,), dtype=jnp.float32)
    return {"x": x, "B": B, "gamma": gamma, "beta": beta}


def reference(x, B, gamma, beta):
    n = x.shape[0]
    # BatchNorm1d in training mode: batch statistics, biased variance
    mean = jnp.mean(x, axis=0)
    var = jnp.mean((x - mean) ** 2, axis=0)
    xn = (x - mean) / jnp.sqrt(var + 1e-5) * gamma + beta
    xt = jnp.tanh(xn)
    xc = jnp.clip(xt, -1.0 + 1e-5, 1.0 - 1e-5)
    ind_offset = jnp.arange(ACTIONS, dtype=jnp.int32)[None, :]
    xl = jnp.floor(xc * DELTA)
    xli = (ACTIONS * (xl.astype(jnp.int32) + DELTA) + ind_offset).reshape(-1)
    xlf = xl / DELTA
    xh = jnp.floor(xc * DELTA + 1)
    xhi = (ACTIONS * (xh.astype(jnp.int32) + DELTA) + ind_offset).reshape(-1)
    xhf = xh / DELTA
    bl = jnp.take(B, xli, axis=0).reshape(n, ACTIONS, EMB)
    bh = jnp.take(B, xhi, axis=0).reshape(n, ACTIONS, EMB)
    d = 1.0 / DELTA
    xe = xc[..., None]
    xle = xlf[..., None]
    xhe = xhf[..., None]
    h = bh / d * (xe - xle) + bl / d * (xhe - xe)
    return h

if __name__ == "__main__":
    import jax
    _d = setup_inputs()
    print(jax.jit(kernel)(*tuple(_d.values())))

</pallas_src>

<mosaic_0001>
#map = affine_map<(d0, d1) -> (0, 0)>
#map1 = affine_map<(d0, d1) -> (0, 0, 0, 0, 0)>
module attributes {stable_mosaic.version = 14 : i64} {
  func.func @_sc_body(%arg0: i32, %arg1: i32, %arg2: memref<104x4096xi32, #tpu.memory_space<hbm>>, %arg3: memref<104x4096xi32, #tpu.memory_space<hbm>>, %arg4: memref<104x4096xf32, #tpu.memory_space<hbm>>, %arg5: memref<104x4096xf32, #tpu.memory_space<hbm>>, %arg6: memref<1003520x32xf32, #tpu.memory_space<hbm>>, %arg7: memref<100x4x32x8x128xf32, #tpu.memory_space<hbm>>, %arg8: memref<100x128xi32, #tpu.memory_space<vmem>>, %arg9: memref<100x128xi32, #tpu.memory_space<vmem>>, %arg10: memref<100x128xf32, #tpu.memory_space<vmem>>, %arg11: memref<100x128xf32, #tpu.memory_space<vmem>>, %arg12: memref<128x32xf32, #tpu.memory_space<vmem>>, %arg13: memref<128x32xf32, #tpu.memory_space<vmem>>, %arg14: memref<128x32xf32, #tpu.memory_space<vmem>>, %arg15: memref<128x32xf32, #tpu.memory_space<vmem>>, %arg16: memref<32x128xf32, #tpu.memory_space<vmem>>, %arg17: memref<32x128xf32, #tpu.memory_space<vmem>>, %arg18: memref<!tpu.dma_semaphore, #tpu.memory_space<semaphore_mem>>, %arg19: memref<!tpu.dma_semaphore, #tpu.memory_space<semaphore_mem>>, %arg20: memref<!tpu.dma_semaphore, #tpu.memory_space<semaphore_mem>>, %arg21: memref<!tpu.dma_semaphore, #tpu.memory_space<semaphore_mem>>) attributes {dimension_semantics = [#tpu.dimension_semantics<core_parallel>, #tpu.dimension_semantics<subcore_parallel>], iteration_bounds = array<i64: 2, 16>, scalar_prefetch = 0 : i64, scratch_operands = 14 : i64, tpu.core_type = #tpu.core_type<sc_vector_subcore>, window_params = [{transform_indices = #map}, {transform_indices = #map}, {transform_indices = #map}, {transform_indices = #map}, {transform_indices = #map}, {transform_indices = #map1}]} {
    %mul3A = arith.constant 2 : i32
    %mul3A_0 = arith.muli %arg1, %mul3A : i32
    %add3A = arith.addi %mul3A_0, %arg0 : i32
    %mul3A_1 = arith.constant 128 : i32
    %mul3A_2 = arith.muli %add3A, %mul3A_1 : i32
    "tpu.region"() ({
      %run_scoped3A = tpu.sem_alloc : memref<!tpu.dma_semaphore, #tpu.memory_space<semaphore_mem>>
      %dma_start3A_162 = arith.constant 0 : i32
      %dma_start3A_163 = tpu.memref_slice %arg2[%dma_start3A_162, %mul3A_2] : memref<104x4096xi32, #tpu.memory_space<hbm>> -> memref<100x128xi32, #tpu.memory_space<hbm>>
      %dma_start3A_164 = arith.constant 0 : i32
      %dma_start3A_165 = tpu.memref_slice %arg2[%dma_start3A_164, %mul3A_2] : memref<104x4096xi32, #tpu.memory_space<hbm>> -> memref<100x128xi32, #tpu.memory_space<hbm>>
      tpu.enqueue_dma source(%dma_start3A_165 : memref<100x128xi32, #tpu.memory_space<hbm>>) target(%arg8 : memref<100x128xi32, #tpu.memory_space<vmem>>) target_semaphore(%run_scoped3A : memref<!tpu.dma_semaphore, #tpu.memory_space<semaphore_mem>>)
      %dma_wait3A_166 = arith.constant 0 : i32
      %dma_wait3A_167 = tpu.memref_slice %arg2[%dma_wait3A_166, %mul3A_2] : memref<104x4096xi32, #tpu.memory_space<hbm>> -> memref<100x128xi32, #tpu.memory_space<hbm>>
      %dma_wait3A_168 = arith.constant 0 : i32
      %dma_wait3A_169 = tpu.memref_slice %arg2[%dma_wait3A_168, %mul3A_2] : memref<104x4096xi32, #tpu.memory_space<hbm>> -> memref<100x128xi32, #tpu.memory_space<hbm>>
      tpu.wait_dma2 semaphore(%run_scoped3A : memref<!tpu.dma_semaphore, #tpu.memory_space<semaphore_mem>>) src(%dma_wait3A_169 : memref<100x128xi32, #tpu.memory_space<hbm>>) dst(%arg8 : memref<100x128xi32, #tpu.memory_space<vmem>>)
      tpu.yield
    }) : () -> ()
    "tpu.region"() ({
      %run_scoped3A = tpu.sem_alloc : memref<!tpu.dma_semaphore, #tpu.memory_space<semaphore_mem>>
      %dma_start3A_162 = arith.constant 0 : i32
      %dma_start3A_163 = tpu.memref_slice %arg3[%dma_start3A_162, %mul3A_2] : memref<104x4096xi32, #tpu.memory_space<hbm>> -> memref<100x128xi32, #tpu.memory_space<hbm>>
      %dma_start3A_164 = arith.constant 0 : i32
      %dma_start3A_165 = tpu.memref_slice %arg3[%dma_start3A_164, %mul3A_2] : memref<104x4096xi32, #tpu.memory_space<hbm>> -> memref<100x128xi32, #tpu.memory_space<hbm>>
      tpu.enqueue_dma source(%dma_start3A_165 : memref<100x128xi32, #tpu.memory_space<hbm>>) target(%arg9 : memref<100x128xi32, #tpu.memory_space<vmem>>) target_semaphore(%run_scoped3A : memref<!tpu.dma_semaphore, #tpu.memory_space<semaphore_mem>>)
      %dma_wait3A_166 = arith.constant 0 : i32
      %dma_wait3A_167 = tpu.memref_slice %arg3[%dma_wait3A_166, %mul3A_2] : memref<104x4096xi32, #tpu.memory_space<hbm>> -> memref<100x128xi32, #tpu.memory_space<hbm>>
      %dma_wait3A_168 = arith.constant 0 : i32
      %dma_wait3A_169 = tpu.memref_slice %arg3[%dma_wait3A_168, %mul3A_2] : memref<104x4096xi32, #tpu.memory_space<hbm>> -> memref<100x128xi32, #tpu.memory_space<hbm>>
      tpu.wait_dma2 semaphore(%run_scoped3A : memref<!tpu.dma_semaphore, #tpu.memory_space<semaphore_mem>>) src(%dma_wait3A_169 : memref<100x128xi32, #tpu.memory_space<hbm>>) dst(%arg9 : memref<100x128xi32, #tpu.memory_space<vmem>>)
      tpu.yield
    }) : () -> ()
    "tpu.region"() ({
      %run_scoped3A = tpu.sem_alloc : memref<!tpu.dma_semaphore, #tpu.memory_space<semaphore_mem>>
      %dma_start3A_162 = arith.constant 0 : i32
      %dma_start3A_163 = tpu.memref_slice %arg4[%dma_start3A_162, %mul3A_2] : memref<104x4096xf32, #tpu.memory_space<hbm>> -> memref<100x128xf32, #tpu.memory_space<hbm>>
      %dma_start3A_164 = arith.constant 0 : i32
      %dma_start3A_165 = tpu.memref_slice %arg4[%dma_start3A_164, %mul3A_2] : memref<104x4096xf32, #tpu.memory_space<hbm>> -> memref<100x128xf32, #tpu.memory_space<hbm>>
      tpu.enqueue_dma source(%dma_start3A_165 : memref<100x128xf32, #tpu.memory_space<hbm>>) target(%arg10 : memref<100x128xf32, #tpu.memory_space<vmem>>) target_semaphore(%run_scoped3A : memref<!tpu.dma_semaphore, #tpu.memory_space<semaphore_mem>>)
      %dma_wait3A_166 = arith.constant 0 : i32
      %dma_wait3A_167 = tpu.memref_slice %arg4[%dma_wait3A_166, %mul3A_2] : memref<104x4096xf32, #tpu.memory_space<hbm>> -> memref<100x128xf32, #tpu.memory_space<hbm>>
      %dma_wait3A_168 = arith.constant 0 : i32
      %dma_wait3A_169 = tpu.memref_slice %arg4[%dma_wait3A_168, %mul3A_2] : memref<104x4096xf32, #tpu.memory_space<hbm>> -> memref<100x128xf32, #tpu.memory_space<hbm>>
      tpu.wait_dma2 semaphore(%run_scoped3A : memref<!tpu.dma_semaphore, #tpu.memory_space<semaphore_mem>>) src(%dma_wait3A_169 : memref<100x128xf32, #tpu.memory_space<hbm>>) dst(%arg10 : memref<100x128xf32, #tpu.memory_space<vmem>>)
      tpu.yield
    }) : () -> ()
    "tpu.region"() ({
      %run_scoped3A = tpu.sem_alloc : memref<!tpu.dma_semaphore, #tpu.memory_space<semaphore_mem>>
      %dma_start3A_162 = arith.constant 0 : i32
      %dma_start3A_163 = tpu.memref_slice %arg5[%dma_start3A_162, %mul3A_2] : memref<104x4096xf32, #tpu.memory_space<hbm>> -> memref<100x128xf32, #tpu.memory_space<hbm>>
      %dma_start3A_164 = arith.constant 0 : i32
      %dma_start3A_165 = tpu.memref_slice %arg5[%dma_start3A_164, %mul3A_2] : memref<104x4096xf32, #tpu.memory_space<hbm>> -> memref<100x128xf32, #tpu.memory_space<hbm>>
      tpu.enqueue_dma source(%dma_start3A_165 : memref<100x128xf32, #tpu.memory_space<hbm>>) target(%arg11 : memref<100x128xf32, #tpu.memory_space<vmem>>) target_semaphore(%run_scoped3A : memref<!tpu.dma_semaphore, #tpu.memory_space<semaphore_mem>>)
      %dma_wait3A_166 = arith.constant 0 : i32
      %dma_wait3A_167 = tpu.memref_slice %arg5[%dma_wait3A_166, %mul3A_2] : memref<104x4096xf32, #tpu.memory_space<hbm>> -> memref<100x128xf32, #tpu.memory_space<hbm>>
      %dma_wait3A_168 = arith.constant 0 : i32
      %dma_wait3A_169 = tpu.memref_slice %arg5[%dma_wait3A_168, %mul3A_2] : memref<104x4096xf32, #tpu.memory_space<hbm>> -> memref<100x128xf32, #tpu.memory_space<hbm>>
      tpu.wait_dma2 semaphore(%run_scoped3A : memref<!tpu.dma_semaphore, #tpu.memory_space<semaphore_mem>>) src(%dma_wait3A_169 : memref<100x128xf32, #tpu.memory_space<hbm>>) dst(%arg11 : memref<100x128xf32, #tpu.memory_space<vmem>>)
      tpu.yield
    }) : () -> ()
    %dma_start3A = arith.constant 0 : i32
    %dma_start3A_3 = arith.constant 0 : i32
    %dma_start3A_4 = tpu.memref_slice %arg8[%dma_start3A, %dma_start3A_3] : memref<100x128xi32, #tpu.memory_space<vmem>> -> memref<1x128xi32, #tpu.memory_space<vmem>>
    %dma_start3A_5 = tpu.memref_squeeze %dma_start3A_4 : memref<1x128xi32, #tpu.memory_space<vmem>> -> memref<128xi32, #tpu.memory_space<vmem>>
    %dma_start3A_6 = arith.constant 0 : i32
    %dma_start3A_7 = arith.constant 0 : i32
    %dma_start3A_8 = tpu.memref_slice %arg6[%dma_start3A_6, %dma_start3A_7] : memref<1003520x32xf32, #tpu.memory_space<hbm>> -> memref<1003520x32xf32, #tpu.memory_space<hbm>>
    tpu.enqueue_indirect_dma source(%dma_start3A_8 : memref<1003520x32xf32, #tpu.memory_space<hbm>>) target(%arg12 : memref<128x32xf32, #tpu.memory_space<vmem>>) offsets(%dma_start3A_5 : memref<128xi32, #tpu.memory_space<vmem>>) semaphore(%arg18 : memref<!tpu.dma_semaphore, #tpu.memory_space<semaphore_mem>>)
    %dma_start3A_9 = arith.constant 0 : i32
    %dma_start3A_10 = arith.constant 0 : i32
    %dma_start3A_11 = tpu.memref_slice %arg9[%dma_start3A_9, %dma_start3A_10] : memref<100x128xi32, #tpu.memory_space<vmem>> -> memref<1x128xi32, #tpu.memory_space<vmem>>
    %dma_start3A_12 = tpu.memref_squeeze %dma_start3A_11 : memref<1x128xi32, #tpu.memory_space<vmem>> -> memref<128xi32, #tpu.memory_space<vmem>>
    %dma_start3A_13 = arith.constant 0 : i32
    %dma_start3A_14 = arith.constant 0 : i32
    %dma_start3A_15 = tpu.memref_slice %arg6[%dma_start3A_13, %dma_start3A_14] : memref<1003520x32xf32, #tpu.memory_space<hbm>> -> memref<1003520x32xf32, #tpu.memory_space<hbm>>
    tpu.enqueue_indirect_dma source(%dma_start3A_15 : memref<1003520x32xf32, #tpu.memory_space<hbm>>) target(%arg14 : memref<128x32xf32, #tpu.memory_space<vmem>>) offsets(%dma_start3A_12 : memref<128xi32, #tpu.memory_space<vmem>>) semaphore(%arg18 : memref<!tpu.dma_semaphore, #tpu.memory_space<semaphore_mem>>)
    %dma_start3A_16 = arith.constant 1 : i32
    %dma_start3A_17 = arith.constant 0 : i32
    %dma_start3A_18 = tpu.memref_slice %arg8[%dma_start3A_16, %dma_start3A_17] : memref<100x128xi32, #tpu.memory_space<vmem>> -> memref<1x128xi32, #tpu.memory_space<vmem>>
    %dma_start3A_19 = tpu.memref_squeeze %dma_start3A_18 : memref<1x128xi32, #tpu.memory_space<vmem>> -> memref<128xi32, #tpu.memory_space<vmem>>
    %dma_start3A_20 = arith.constant 0 : i32
    %dma_start3A_21 = arith.constant 0 : i32
    %dma_start3A_22 = tpu.memref_slice %arg6[%dma_start3A_20, %dma_start3A_21] : memref<1003520x32xf32, #tpu.memory_space<hbm>> -> memref<1003520x32xf32, #tpu.memory_space<hbm>>
    tpu.enqueue_indirect_dma source(%dma_start3A_22 : memref<1003520x32xf32, #tpu.memory_space<hbm>>) target(%arg13 : memref<128x32xf32, #tpu.memory_space<vmem>>) offsets(%dma_start3A_19 : memref<128xi32, #tpu.memory_space<vmem>>) semaphore(%arg19 : memref<!tpu.dma_semaphore, #tpu.memory_space<semaphore_mem>>)
    %dma_start3A_23 = arith.constant 1 : i32
    %dma_start3A_24 = arith.constant 0 : i32
    %dma_start3A_25 = tpu.memref_slice %arg9[%dma_start3A_23, %dma_start3A_24] : memref<100x128xi32, #tpu.memory_space<vmem>> -> memref<1x128xi32, #tpu.memory_space<vmem>>
    %dma_start3A_26 = tpu.memref_squeeze %dma_start3A_25 : memref<1x128xi32, #tpu.memory_space<vmem>> -> memref<128xi32, #tpu.memory_space<vmem>>
    %dma_start3A_27 = arith.constant 0 : i32
    %dma_start3A_28 = arith.constant 0 : i32
    %dma_start3A_29 = tpu.memref_slice %arg6[%dma_start3A_27, %dma_start3A_28] : memref<1003520x32xf32, #tpu.memory_space<hbm>> -> memref<1003520x32xf32, #tpu.memory_space<hbm>>
    tpu.enqueue_indirect_dma source(%dma_start3A_29 : memref<1003520x32xf32, #tpu.memory_space<hbm>>) target(%arg15 : memref<128x32xf32, #tpu.memory_space<vmem>>) offsets(%dma_start3A_26 : memref<128xi32, #tpu.memory_space<vmem>>) semaphore(%arg19 : memref<!tpu.dma_semaphore, #tpu.memory_space<semaphore_mem>>)
    %scan3A = arith.constant 0 : i32
    %scan3A_30 = arith.constant 0 : i32
    %scan3A_31 = arith.constant 50 : i32
    %scan3A_32 = arith.addi %scan3A_30, %scan3A_31 : i32
    %scan3A_33 = arith.constant 1 : i32
    scf.for %scan3A_162 = %scan3A_30 to %scan3A_32 step %scan3A_33  : i32 {
      %mul3A_163 = arith.constant 2 : i32
      %mul3A_164 = arith.muli %mul3A_163, %scan3A_162 : i32
      %add3A_165 = arith.constant 0 : i32
      %add3A_166 = arith.addi %mul3A_164, %add3A_165 : i32
      %dma_wait3A_167 = arith.constant 0 : i32
      %dma_wait3A_168 = tpu.memref_slice %arg8[%add3A_166, %dma_wait3A_167] : memref<100x128xi32, #tpu.memory_space<vmem>> -> memref<1x128xi32, #tpu.memory_space<vmem>>
      %dma_wait3A_169 = tpu.memref_squeeze %dma_wait3A_168 : memref<1x128xi32, #tpu.memory_space<vmem>> -> memref<128xi32, #tpu.memory_space<vmem>>
      %dma_wait3A_170 = arith.constant 0 : i32
      %dma_wait3A_171 = arith.constant 0 : i32
      %dma_wait3A_172 = tpu.memref_slice %arg6[%dma_wait3A_170, %dma_wait3A_171] : memref<1003520x32xf32, #tpu.memory_space<hbm>> -> memref<1003520x32xf32, #tpu.memory_space<hbm>>
      tpu.wait_indirect_dma semaphore(%arg18 : memref<!tpu.dma_semaphore, #tpu.memory_space<semaphore_mem>>) src(%dma_wait3A_172 : memref<1003520x32xf32, #tpu.memory_space<hbm>>) dst(%arg12 : memref<128x32xf32, #tpu.memory_space<vmem>>)
      %dma_wait3A_173 = arith.constant 0 : i32
      %dma_wait3A_174 = tpu.memref_slice %arg9[%add3A_166, %dma_wait3A_173] : memref<100x128xi32, #tpu.memory_space<vmem>> -> memref<1x128xi32, #tpu.memory_space<vmem>>
      %dma_wait3A_175 = tpu.memref_squeeze %dma_wait3A_174 : memref<1x128xi32, #tpu.memory_space<vmem>> -> memref<128xi32, #tpu.memory_space<vmem>>
      %dma_wait3A_176 = arith.constant 0 : i32
      %dma_wait3A_177 = arith.constant 0 : i32
      %dma_wait3A_178 = tpu.memref_slice %arg6[%dma_wait3A_176, %dma_wait3A_177] : memref<1003520x32xf32, #tpu.memory_space<hbm>> -> memref<1003520x32xf32, #tpu.memory_space<hbm>>
      tpu.wait_indirect_dma semaphore(%arg18 : memref<!tpu.dma_semaphore, #tpu.memory_space<semaphore_mem>>) src(%dma_wait3A_178 : memref<1003520x32xf32, #tpu.memory_space<hbm>>) dst(%arg14 : memref<128x32xf32, #tpu.memory_space<vmem>>)
      %gt3A = arith.constant 0 : i32
      %gt3A_179 = arith.cmpi sgt, %scan3A_162, %gt3A : i32
      %convert_element_type3A = arith.extui %gt3A_179 : i1 to i32
      %cond3A = arith.constant 0 : i32
      %cond3A_180 = arith.cmpi ne, %convert_element_type3A, %cond3A : i32
      scf.if %cond3A_180 {
        %dma_wait3A_480 = arith.constant 0 : i32
        %dma_wait3A_481 = arith.constant 0 : i32
        %dma_wait3A_482 = arith.constant 0 : i32
        %dma_wait3A_483 = tpu.memref_slice %arg16[%dma_wait3A_481, %dma_wait3A_482] : memref<32x128xf32, #tpu.memory_space<vmem>> -> memref<8x128xf32, #tpu.memory_space<vmem>>
        %dma_wait3A_484 = arith.constant 0 : i32
        %dma_wait3A_485 = arith.constant 0 : i32
        %dma_wait3A_486 = tpu.memref_slice %arg7[%add3A_166, %dma_wait3A_480, %add3A, %dma_wait3A_484, %dma_wait3A_485] : memref<100x4x32x8x128xf32, #tpu.memory_space<hbm>> -> memref<1x1x1x8x128xf32, #tpu.memory_space<hbm>>
        %dma_wait3A_487 = tpu.memref_squeeze %dma_wait3A_486 : memref<1x1x1x8x128xf32, #tpu.memory_space<hbm>> -> memref<8x128xf32, #tpu.memory_space<hbm>>
        %dma_wait3A_488 = arith.constant 0 : i32
        %dma_wait3A_489 = arith.constant 0 : i32
        %dma_wait3A_490 = tpu.memref_slice %arg7[%add3A_166, %dma_wait3A_480, %add3A, %dma_wait3A_488, %dma_wait3A_489] : memref<100x4x32x8x128xf32, #tpu.memory_space<hbm>> -> memref<1x1x1x8x128xf32, #tpu.memory_space<hbm>>
        %dma_wait3A_491 = tpu.memref_squeeze %dma_wait3A_490 : memref<1x1x1x8x128xf32, #tpu.memory_space<hbm>> -> memref<8x128xf32, #tpu.memory_space<hbm>>
        %dma_wait3A_492 = arith.constant 0 : i32
        %dma_wait3A_493 = arith.constant 0 : i32
        %dma_wait3A_494 = tpu.memref_slice %arg16[%dma_wait3A_492, %dma_wait3A_493] : memref<32x128xf32, #tpu.memory_space<vmem>> -> memref<8x128xf32, #tpu.memory_space<vmem>>
        tpu.wait_dma2 semaphore(%arg20 : memref<!tpu.dma_semaphore, #tpu.memory_space<semaphore_mem>>) src(%dma_wait3A_494 : memref<8x128xf32, #tpu.memory_space<vmem>>) dst(%dma_wait3A_491 : memref<8x128xf32, #tpu.memory_space<hbm>>)
        %dma_wait3A_495 = arith.constant 1 : i32
        %dma_wait3A_496 = arith.constant 8 : i32
        %dma_wait3A_497 = arith.constant 0 : i32
        %dma_wait3A_498 = tpu.memref_slice %arg16[%dma_wait3A_496, %dma_wait3A_497] : memref<32x128xf32, #tpu.memory_space<vmem>> -> memref<8x128xf32, #tpu.memory_space<vmem>>
        %dma_wait3A_499 = arith.constant 0 : i32
        %dma_wait3A_500 = arith.constant 0 : i32
        %dma_wait3A_501 = tpu.memref_slice %arg7[%add3A_166, %dma_wait3A_495, %add3A, %dma_wait3A_499, %dma_wait3A_500] : memref<100x4x32x8x128xf32, #tpu.memory_space<hbm>> -> memref<1x1x1x8x128xf32, #tpu.memory_space<hbm>>
        %dma_wait3A_502 = tpu.memref_squeeze %dma_wait3A_501 : memref<1x1x1x8x128xf32, #tpu.memory_space<hbm>> -> memref<8x128xf32, #tpu.memory_space<hbm>>
        %dma_wait3A_503 = arith.constant 0 : i32
        %dma_wait3A_504 = arith.constant 0 : i32
        %dma_wait3A_505 = tpu.memref_slice %arg7[%add3A_166, %dma_wait3A_495, %add3A, %dma_wait3A_503, %dma_wait3A_504] : memref<100x4x32x8x128xf32, #tpu.memory_space<hbm>> -> memref<1x1x1x8x128xf32, #tpu.memory_space<hbm>>
        %dma_wait3A_506 = tpu.memref_squeeze %dma_wait3A_505 : memref<1x1x1x8x128xf32, #tpu.memory_space<hbm>> -> memref<8x128xf32, #tpu.memory_space<hbm>>
        %dma_wait3A_507 = arith.constant 8 : i32
        %dma_wait3A_508 = arith.constant 0 : i32
        %dma_wait3A_509 = tpu.memref_slice %arg16[%dma_wait3A_507, %dma_wait3A_508] : memref<32x128xf32, #tpu.memory_space<vmem>> -> memref<8x128xf32, #tpu.memory_space<vmem>>
        tpu.wait_dma2 semaphore(%arg20 : memref<!tpu.dma_semaphore, #tpu.memory_space<semaphore_mem>>) src(%dma_wait3A_509 : memref<8x128xf32, #tpu.memory_space<vmem>>) dst(%dma_wait3A_506 : memref<8x128xf32, #tpu.memory_space<hbm>>)
        %dma_wait3A_510 = arith.constant 2 : i32
        %dma_wait3A_511 = arith.constant 16 : i32
        %dma_wait3A_512 = arith.constant 0 : i32
        %dma_wait3A_513 = tpu.memref_slice %arg16[%dma_wait3A_511, %dma_wait3A_512] : memref<32x128xf32, #tpu.memory_space<vmem>> -> memref<8x128xf32, #tpu.memory_space<vmem>>
        %dma_wait3A_514 = arith.constant 0 : i32
        %dma_wait3A_515 = arith.constant 0 : i32
        %dma_wait3A_516 = tpu.memref_slice %arg7[%add3A_166, %dma_wait3A_510, %add3A, %dma_wait3A_514, %dma_wait3A_515] : memref<100x4x32x8x128xf32, #tpu.memory_space<hbm>> -> memref<1x1x1x8x128xf32, #tpu.memory_space<hbm>>
        %dma_wait3A_517 = tpu.memref_squeeze %dma_wait3A_516 : memref<1x1x1x8x128xf32, #tpu.memory_space<hbm>> -> memref<8x128xf32, #tpu.memory_space<hbm>>
        %dma_wait3A_518 = arith.constant 0 : i32
        %dma_wait3A_519 = arith.constant 0 : i32
        %dma_wait3A_520 = tpu.memref_slice %arg7[%add3A_166, %dma_wait3A_510, %add3A, %dma_wait3A_518, %dma_wait3A_519] : memref<100x4x32x8x128xf32, #tpu.memory_space<hbm>> -> memref<1x1x1x8x128xf32, #tpu.memory_space<hbm>>
        %dma_wait3A_521 = tpu.memref_squeeze %dma_wait3A_520 : memref<1x1x1x8x128xf32, #tpu.memory_space<hbm>> -> memref<8x128xf32, #tpu.memory_space<hbm>>
        %dma_wait3A_522 = arith.constant 16 : i32
        %dma_wait3A_523 = arith.constant 0 : i32
        %dma_wait3A_524 = tpu.memref_slice %arg16[%dma_wait3A_522, %dma_wait3A_523] : memref<32x128xf32, #tpu.memory_space<vmem>> -> memref<8x128xf32, #tpu.memory_space<vmem>>
        tpu.wait_dma2 semaphore(%arg20 : memref<!tpu.dma_semaphore, #tpu.memory_space<semaphore_mem>>) src(%dma_wait3A_524 : memref<8x128xf32, #tpu.memory_space<vmem>>) dst(%dma_wait3A_521 : memref<8x128xf32, #tpu.memory_space<hbm>>)
        %dma_wait3A_525 = arith.constant 3 : i32
        %dma_wait3A_526 = arith.constant 24 : i32
        %dma_wait3A_527 = arith.constant 0 : i32
        %dma_wait3A_528 = tpu.memref_slice %arg16[%dma_wait3A_526, %dma_wait3A_527] : memref<32x128xf32, #tpu.memory_space<vmem>> -> memref<8x128xf32, #tpu.memory_space<vmem>>
        %dma_wait3A_529 = arith.constant 0 : i32
        %dma_wait3A_530 = arith.constant 0 : i32
        %dma_wait3A_531 = tpu.memref_slice %arg7[%add3A_166, %dma_wait3A_525, %add3A, %dma_wait3A_529, %dma_wait3A_530] : memref<100x4x32x8x128xf32, #tpu.memory_space<hbm>> -> memref<1x1x1x8x128xf32, #tpu.memory_space<hbm>>
        %dma_wait3A_532 = tpu.memref_squeeze %dma_wait3A_531 : memref<1x1x1x8x128xf32, #tpu.memory_space<hbm>> -> memref<8x128xf32, #tpu.memory_space<hbm>>
        %dma_wait3A_533 = arith.constant 0 : i32
        %dma_wait3A_534 = arith.constant 0 : i32
        %dma_wait3A_535 = tpu.memref_slice %arg7[%add3A_166, %dma_wait3A_525, %add3A, %dma_wait3A_533, %dma_wait3A_534] : memref<100x4x32x8x128xf32, #tpu.memory_space<hbm>> -> memref<1x1x1x8x128xf32, #tpu.memory_space<hbm>>
        %dma_wait3A_536 = tpu.memref_squeeze %dma_wait3A_535 : memref<1x1x1x8x128xf32, #tpu.memory_space<hbm>> -> memref<8x128xf32, #tpu.memory_space<hbm>>
        %dma_wait3A_537 = arith.constant 24 : i32
        %dma_wait3A_538 = arith.constant 0 : i32
        %dma_wait3A_539 = tpu.memref_slice %arg16[%dma_wait3A_537, %dma_wait3A_538] : memref<32x128xf32, #tpu.memory_space<vmem>> -> memref<8x128xf32, #tpu.memory_space<vmem>>
        tpu.wait_dma2 semaphore(%arg20 : memref<!tpu.dma_semaphore, #tpu.memory_space<semaphore_mem>>) src(%dma_wait3A_539 : memref<8x128xf32, #tpu.memory_space<vmem>>) dst(%dma_wait3A_536 : memref<8x128xf32, #tpu.memory_space<hbm>>)
      } else {
      }
      %get3A = arith.index_cast %add3A_166 : i32 to index
      %get3A_181 = arith.constant 0 : index
      %get3A_182 = tpu.vector_load %arg10[%get3A, %get3A_181] {strides = array<i32>} : memref<100x128xf32, #tpu.memory_space<vmem>>, vector<16xf32>,
      %get3A_183 = arith.index_cast %add3A_166 : i32 to index
      %get3A_184 = arith.constant 16 : index
      %get3A_185 = tpu.vector_load %arg10[%get3A_183, %get3A_184] {strides = array<i32>} : memref<100x128xf32, #tpu.memory_space<vmem>>, vector<16xf32>,
      %get3A_186 = arith.index_cast %add3A_166 : i32 to index
      %get3A_187 = arith.constant 32 : index
      %get3A_188 = tpu.vector_load %arg10[%get3A_186, %get3A_187] {strides = array<i32>} : memref<100x128xf32, #tpu.memory_space<vmem>>, vector<16xf32>,
      %get3A_189 = arith.index_cast %add3A_166 : i32 to index
      %get3A_190 = arith.constant 48 : index
      %get3A_191 = tpu.vector_load %arg10[%get3A_189, %get3A_190] {strides = array<i32>} : memref<100x128xf32, #tpu.memory_space<vmem>>, vector<16xf32>,
      %get3A_192 = arith.index_cast %add3A_166 : i32 to index
      %get3A_193 = arith.constant 64 : index
      %get3A_194 = tpu.vector_load %arg10[%get3A_192, %get3A_193] {strides = array<i32>} : memref<100x128xf32, #tpu.memory_space<vmem>>, vector<16xf32>,
      %get3A_195 = arith.index_cast %add3A_166 : i32 to index
      %get3A_196 = arith.constant 80 : index
      %get3A_197 = tpu.vector_load %arg10[%get3A_195, %get3A_196] {strides = array<i32>} : memref<100x128xf32, #tpu.memory_space<vmem>>, vector<16xf32>,
      %get3A_198 = arith.index_cast %add3A_166 : i32 to index
      %get3A_199 = arith.constant 96 : index
      %get3A_200 = tpu.vector_load %arg10[%get3A_198, %get3A_199] {strides = array<i32>} : memref<100x128xf32, #tpu.memory_space<vmem>>, vector<16xf32>,
      %get3A_201 = arith.index_cast %add3A_166 : i32 to index
      %get3A_202 = arith.constant 112 : index
      %get3A_203 = tpu.vector_load %arg10[%get3A_201, %get3A_202] {strides = array<i32>} : memref<100x128xf32, #tpu.memory_space<vmem>>, vector<16xf32>,
      %get3A_204 = arith.index_cast %add3A_166 : i32 to index
      %get3A_205 = arith.constant 0 : index
      %get3A_206 = tpu.vector_load %arg11[%get3A_204, %get3A_205] {strides = array<i32>} : memref<100x128xf32, #tpu.memory_space<vmem>>, vector<16xf32>,
      %get3A_207 = arith.index_cast %add3A_166 : i32 to index
      %get3A_208 = arith.constant 16 : index
      %get3A_209 = tpu.vector_load %arg11[%get3A_207, %get3A_208] {strides = array<i32>} : memref<100x128xf32, #tpu.memory_space<vmem>>, vector<16xf32>,
      %get3A_210 = arith.index_cast %add3A_166 : i32 to index
      %get3A_211 = arith.constant 32 : index
      %get3A_212 = tpu.vector_load %arg11[%get3A_210, %get3A_211] {strides = array<i32>} : memref<100x128xf32, #tpu.memory_space<vmem>>, vector<16xf32>,
      %get3A_213 = arith.index_cast %add3A_166 : i32 to index
      %get3A_214 = arith.constant 48 : index
      %get3A_215 = tpu.vector_load %arg11[%get3A_213, %get3A_214] {strides = array<i32>} : memref<100x128xf32, #tpu.memory_space<vmem>>, vector<16xf32>,
      %get3A_216 = arith.index_cast %add3A_166 : i32 to index
      %get3A_217 = arith.constant 64 : index
      %get3A_218 = tpu.vector_load %arg11[%get3A_216, %get3A_217] {strides = array<i32>} : memref<100x128xf32, #tpu.memory_space<vmem>>, vector<16xf32>,
      %get3A_219 = arith.index_cast %add3A_166 : i32 to index
      %get3A_220 = arith.constant 80 : index
      %get3A_221 = tpu.vector_load %arg11[%get3A_219, %get3A_220] {strides = array<i32>} : memref<100x128xf32, #tpu.memory_space<vmem>>, vector<16xf32>,
      %get3A_222 = arith.index_cast %add3A_166 : i32 to index
      %get3A_223 = arith.constant 96 : index
      %get3A_224 = tpu.vector_load %arg11[%get3A_222, %get3A_223] {strides = array<i32>} : memref<100x128xf32, #tpu.memory_space<vmem>>, vector<16xf32>,
      %get3A_225 = arith.index_cast %add3A_166 : i32 to index
      %get3A_226 = arith.constant 112 : index
      %get3A_227 = tpu.vector_load %arg11[%get3A_225, %get3A_226] {strides = array<i32>} : memref<100x128xf32, #tpu.memory_space<vmem>>, vector<16xf32>,
      %iota3A = tpu.iota {dimensions = array<i32: 0>} : vector<16xi32>
      %add3A_228 = arith.constant 0 : i32
      %add3A_229 = vector.broadcast %add3A_228 : i32 to vector<16xi32>
      %add3A_230 = arith.addi %iota3A, %add3A_229 : vector<16xi32>
      %add3A_231 = arith.constant 16 : i32
      %add3A_232 = vector.broadcast %add3A_231 : i32 to vector<16xi32>
      %add3A_233 = arith.addi %iota3A, %add3A_232 : vector<16xi32>
      %add3A_234 = arith.constant 32 : i32
      %add3A_235 = vector.broadcast %add3A_234 : i32 to vector<16xi32>
      %add3A_236 = arith.addi %iota3A, %add3A_235 : vector<16xi32>
      %add3A_237 = arith.constant 48 : i32
      %add3A_238 = vector.broadcast %add3A_237 : i32 to vector<16xi32>
      %add3A_239 = arith.addi %iota3A, %add3A_238 : vector<16xi32>
      %add3A_240 = arith.constant 64 : i32
      %add3A_241 = vector.broadcast %add3A_240 : i32 to vector<16xi32>
      %add3A_242 = arith.addi %iota3A, %add3A_241 : vector<16xi32>
      %add3A_243 = arith.constant 80 : i32
      %add3A_244 = vector.broadcast %add3A_243 : i32 to vector<16xi32>
      %add3A_245 = arith.addi %iota3A, %add3A_244 : vector<16xi32>
      %add3A_246 = arith.constant 96 : i32
      %add3A_247 = vector.broadcast %add3A_246 : i32 to vector<16xi32>
      %add3A_248 = arith.addi %iota3A, %add3A_247 : vector<16xi32>
      %add3A_249 = arith.constant 112 : i32
      %add3A_250 = vector.broadcast %add3A_249 : i32 to vector<16xi32>
      %add3A_251 = arith.addi %iota3A, %add3A_250 : vector<16xi32>
      %parallel_loop3A = arith.constant 0 : i32
      %parallel_loop3A_252 = arith.constant 32 : i32
      %parallel_loop3A_253 = arith.constant 1 : i32
      scf.for %parallel_loop3A_480 = %parallel_loop3A to %parallel_loop3A_252 step %parallel_loop3A_253  : i32 {
        %parallel_loop3A_481 = arith.constant 0 : i32
        %parallel_loop3A_482 = vector.broadcast %parallel_loop3A_481 : i32 to vector<16xi32>
        %parallel_loop3A_483 = vector.broadcast %parallel_loop3A_480 : i32 to vector<16xi32>
        %parallel_loop3A_484 = arith.addi %parallel_loop3A_482, %parallel_loop3A_483 : vector<16xi32>
        %parallel_loop3A_485 = tpu.vector_load_idx %arg12[%add3A_230, %parallel_loop3A_484] : memref<128x32xf32, #tpu.memory_space<vmem>>[vector<16xi32>, vector<16xi32>], vector<16xf32>,
        %parallel_loop3A_486 = tpu.vector_load_idx %arg14[%add3A_230, %parallel_loop3A_484] : memref<128x32xf32, #tpu.memory_space<vmem>>[vector<16xi32>, vector<16xi32>], vector<16xf32>,
        %parallel_loop3A_487 = arith.mulf %parallel_loop3A_485, %get3A_182 : vector<16xf32>
        %parallel_loop3A_488 = arith.mulf %parallel_loop3A_486, %get3A_206 : vector<16xf32>
        %parallel_loop3A_489 = arith.addf %parallel_loop3A_487, %parallel_loop3A_488 : vector<16xf32>
        %parallel_loop3A_490 = arith.index_cast %parallel_loop3A_480 : i32 to index
        %parallel_loop3A_491 = arith.constant 0 : index
        %parallel_loop3A_492 = tpu.vector_load %arg16[%parallel_loop3A_490, %parallel_loop3A_491] {strides = array<i32>} : memref<32x128xf32, #tpu.memory_space<vmem>>, vector<16xf32>,
        tpu.vector_store %arg16[%parallel_loop3A_490, %parallel_loop3A_491], %parallel_loop3A_489 {strides = array<i32>} : memref<32x128xf32, #tpu.memory_space<vmem>>, vector<16xf32>,
        %parallel_loop3A_493 = tpu.vector_load_idx %arg12[%add3A_233, %parallel_loop3A_484] : memref<128x32xf32, #tpu.memory_space<vmem>>[vector<16xi32>, vector<16xi32>], vector<16xf32>,
        %parallel_loop3A_494 = tpu.vector_load_idx %arg14[%add3A_233, %parallel_loop3A_484] : memref<128x32xf32, #tpu.memory_space<vmem>>[vector<16xi32>, vector<16xi32>], vector<16xf32>,
        %parallel_loop3A_495 = arith.mulf %parallel_loop3A_493, %get3A_185 : vector<16xf32>
        %parallel_loop3A_496 = arith.mulf %parallel_loop3A_494, %get3A_209 : vector<16xf32>
        %parallel_loop3A_497 = arith.addf %parallel_loop3A_495, %parallel_loop3A_496 : vector<16xf32>
        %parallel_loop3A_498 = arith.index_cast %parallel_loop3A_480 : i32 to index
        %parallel_loop3A_499 = arith.constant 16 : index
        %parallel_loop3A_500 = tpu.vector_load %arg16[%parallel_loop3A_498, %parallel_loop3A_499] {strides = array<i32>} : memref<32x128xf32, #tpu.memory_space<vmem>>, vector<16xf32>,
        tpu.vector_store %arg16[%parallel_loop3A_498, %parallel_loop3A_499], %parallel_loop3A_497 {strides = array<i32>} : memref<32x128xf32, #tpu.memory_space<vmem>>, vector<16xf32>,
        %parallel_loop3A_501 = tpu.vector_load_idx %arg12[%add3A_236, %parallel_loop3A_484] : memref<128x32xf32, #tpu.memory_space<vmem>>[vector<16xi32>, vector<16xi32>], vector<16xf32>,
        %parallel_loop3A_502 = tpu.vector_load_idx %arg14[%add3A_236, %parallel_loop3A_484] : memref<128x32xf32, #tpu.memory_space<vmem>>[vector<16xi32>, vector<16xi32>], vector<16xf32>,
        %parallel_loop3A_503 = arith.mulf %parallel_loop3A_501, %get3A_188 : vector<16xf32>
        %parallel_loop3A_504 = arith.mulf %parallel_loop3A_502, %get3A_212 : vector<16xf32>
        %parallel_loop3A_505 = arith.addf %parallel_loop3A_503, %parallel_loop3A_504 : vector<16xf32>
        %parallel_loop3A_506 = arith.index_cast %parallel_loop3A_480 : i32 to index
        %parallel_loop3A_507 = arith.constant 32 : index
        %parallel_loop3A_508 = tpu.vector_load %arg16[%parallel_loop3A_506, %parallel_loop3A_507] {strides = array<i32>} : memref<32x128xf32, #tpu.memory_space<vmem>>, vector<16xf32>,
        tpu.vector_store %arg16[%parallel_loop3A_506, %parallel_loop3A_507], %parallel_loop3A_505 {strides = array<i32>} : memref<32x128xf32, #tpu.memory_space<vmem>>, vector<16xf32>,
        %parallel_loop3A_509 = tpu.vector_load_idx %arg12[%add3A_239, %parallel_loop3A_484] : memref<128x32xf32, #tpu.memory_space<vmem>>[vector<16xi32>, vector<16xi32>], vector<16xf32>,
        %parallel_loop3A_510 = tpu.vector_load_idx %arg14[%add3A_239, %parallel_loop3A_484] : memref<128x32xf32, #tpu.memory_space<vmem>>[vector<16xi32>, vector<16xi32>], vector<16xf32>,
        %parallel_loop3A_511 = arith.mulf %parallel_loop3A_509, %get3A_191 : vector<16xf32>
        %parallel_loop3A_512 = arith.mulf %parallel_loop3A_510, %get3A_215 : vector<16xf32>
        %parallel_loop3A_513 = arith.addf %parallel_loop3A_511, %parallel_loop3A_512 : vector<16xf32>
        %parallel_loop3A_514 = arith.index_cast %parallel_loop3A_480 : i32 to index
        %parallel_loop3A_515 = arith.constant 48 : index
        %parallel_loop3A_516 = tpu.vector_load %arg16[%parallel_loop3A_514, %parallel_loop3A_515] {strides = array<i32>} : memref<32x128xf32, #tpu.memory_space<vmem>>, vector<16xf32>,
        tpu.vector_store %arg16[%parallel_loop3A_514, %parallel_loop3A_515], %parallel_loop3A_513 {strides = array<i32>} : memref<32x128xf32, #tpu.memory_space<vmem>>, vector<16xf32>,
        %parallel_loop3A_517 = tpu.vector_load_idx %arg12[%add3A_242, %parallel_loop3A_484] : memref<128x32xf32, #tpu.memory_space<vmem>>[vector<16xi32>, vector<16xi32>], vector<16xf32>,
        %parallel_loop3A_518 = tpu.vector_load_idx %arg14[%add3A_242, %parallel_loop3A_484] : memref<128x32xf32, #tpu.memory_space<vmem>>[vector<16xi32>, vector<16xi32>], vector<16xf32>,
        %parallel_loop3A_519 = arith.mulf %parallel_loop3A_517, %get3A_194 : vector<16xf32>
        %parallel_loop3A_520 = arith.mulf %parallel_loop3A_518, %get3A_218 : vector<16xf32>
        %parallel_loop3A_521 = arith.addf %parallel_loop3A_519, %parallel_loop3A_520 : vector<16xf32>
        %parallel_loop3A_522 = arith.index_cast %parallel_loop3A_480 : i32 to index
        %parallel_loop3A_523 = arith.constant 64 : index
        %parallel_loop3A_524 = tpu.vector_load %arg16[%parallel_loop3A_522, %parallel_loop3A_523] {strides = array<i32>} : memref<32x128xf32, #tpu.memory_space<vmem>>, vector<16xf32>,
        tpu.vector_store %arg16[%parallel_loop3A_522, %parallel_loop3A_523], %parallel_loop3A_521 {strides = array<i32>} : memref<32x128xf32, #tpu.memory_space<vmem>>, vector<16xf32>,
        %parallel_loop3A_525 = tpu.vector_load_idx %arg12[%add3A_245, %parallel_loop3A_484] : memref<128x32xf32, #tpu.memory_space<vmem>>[vector<16xi32>, vector<16xi32>], vector<16xf32>,
        %parallel_loop3A_526 = tpu.vector_load_idx %arg14[%add3A_245, %parallel_loop3A_484] : memref<128x32xf32, #tpu.memory_space<vmem>>[vector<16xi32>, vector<16xi32>], vector<16xf32>,
        %parallel_loop3A_527 = arith.mulf %parallel_loop3A_525, %get3A_197 : vector<16xf32>
        %parallel_loop3A_528 = arith.mulf %parallel_loop3A_526, %get3A_221 : vector<16xf32>
        %parallel_loop3A_529 = arith.addf %parallel_loop3A_527, %parallel_loop3A_528 : vector<16xf32>
        %parallel_loop3A_530 = arith.index_cast %parallel_loop3A_480 : i32 to index
        %parallel_loop3A_531 = arith.constant 80 : index
        %parallel_loop3A_532 = tpu.vector_load %arg16[%parallel_loop3A_530, %parallel_loop3A_531] {strides = array<i32>} : memref<32x128xf32, #tpu.memory_space<vmem>>, vector<16xf32>,
        tpu.vector_store %arg16[%parallel_loop3A_530, %parallel_loop3A_531], %parallel_loop3A_529 {strides = array<i32>} : memref<32x128xf32, #tpu.memory_space<vmem>>, vector<16xf32>,
        %parallel_loop3A_533 = tpu.vector_load_idx %arg12[%add3A_248, %parallel_loop3A_484] : memref<128x32xf32, #tpu.memory_space<vmem>>[vector<16xi32>, vector<16xi32>], vector<16xf32>,
        %parallel_loop3A_534 = tpu.vector_load_idx %arg14[%add3A_248, %parallel_loop3A_484] : memref<128x32xf32, #tpu.memory_space<vmem>>[vector<16xi32>, vector<16xi32>], vector<16xf32>,
        %parallel_loop3A_535 = arith.mulf %parallel_loop3A_533, %get3A_200 : vector<16xf32>
        %parallel_loop3A_536 = arith.mulf %parallel_loop3A_534, %get3A_224 : vector<16xf32>
        %parallel_loop3A_537 = arith.addf %parallel_loop3A_535, %parallel_loop3A_536 : vector<16xf32>
        %parallel_loop3A_538 = arith.index_cast %parallel_loop3A_480 : i32 to index
        %parallel_loop3A_539 = arith.constant 96 : index
        %parallel_loop3A_540 = tpu.vector_load %arg16[%parallel_loop3A_538, %parallel_loop3A_539] {strides = array<i32>} : memref<32x128xf32, #tpu.memory_space<vmem>>, vector<16xf32>,
        tpu.vector_store %arg16[%parallel_loop3A_538, %parallel_loop3A_539], %parallel_loop3A_537 {strides = array<i32>} : memref<32x128xf32, #tpu.memory_space<vmem>>, vector<16xf32>,
        %parallel_loop3A_541 = tpu.vector_load_idx %arg12[%add3A_251, %parallel_loop3A_484] : memref<128x32xf32, #tpu.memory_space<vmem>>[vector<16xi32>, vector<16xi32>], vector<16xf32>,
        %parallel_loop3A_542 = tpu.vector_load_idx %arg14[%add3A_251, %parallel_loop3A_484] : memref<128x32xf32, #tpu.memory_space<vmem>>[vector<16xi32>, vector<16xi32>], vector<16xf32>,
        %parallel_loop3A_543 = arith.mulf %parallel_loop3A_541, %get3A_203 : vector<16xf32>
        %parallel_loop3A_544 = arith.mulf %parallel_loop3A_542, %get3A_227 : vector<16xf32>
        %parallel_loop3A_545 = arith.addf %parallel_loop3A_543, %parallel_loop3A_544 : vector<16xf32>
        %parallel_loop3A_546 = arith.index_cast %parallel_loop3A_480 : i32 to index
        %parallel_loop3A_547 = arith.constant 112 : index
        %parallel_loop3A_548 = tpu.vector_load %arg16[%parallel_loop3A_546, %parallel_loop3A_547] {strides = array<i32>} : memref<32x128xf32, #tpu.memory_space<vmem>>, vector<16xf32>,
        tpu.vector_store %arg16[%parallel_loop3A_546, %parallel_loop3A_547], %parallel_loop3A_545 {strides = array<i32>} : memref<32x128xf32, #tpu.memory_space<vmem>>, vector<16xf32>,
      } {sc.loop_unroll_factor = 4 : i64, sc.parallel_access}
      %dma_start3A_254 = arith.constant 0 : i32
      %dma_start3A_255 = arith.constant 0 : i32
      %dma_start3A_256 = arith.constant 0 : i32
      %dma_start3A_257 = tpu.memref_slice %arg16[%dma_start3A_255, %dma_start3A_256] : memref<32x128xf32, #tpu.memory_space<vmem>> -> memref<8x128xf32, #tpu.memory_space<vmem>>
      %dma_start3A_258 = arith.constant 0 : i32
      %dma_start3A_259 = arith.constant 0 : i32
      %dma_start3A_260 = tpu.memref_slice %arg7[%add3A_166, %dma_start3A_254, %add3A, %dma_start3A_258, %dma_start3A_259] : memref<100x4x32x8x128xf32, #tpu.memory_space<hbm>> -> memref<1x1x1x8x128xf32, #tpu.memory_space<hbm>>
      %dma_start3A_261 = tpu.memref_squeeze %dma_start3A_260 : memref<1x1x1x8x128xf32, #tpu.memory_space<hbm>> -> memref<8x128xf32, #tpu.memory_space<hbm>>
      %dma_start3A_262 = arith.constant 0 : i32
      %dma_start3A_263 = arith.constant 0 : i32
      %dma_start3A_264 = tpu.memref_slice %arg7[%add3A_166, %dma_start3A_254, %add3A, %dma_start3A_262, %dma_start3A_263] : memref<100x4x32x8x128xf32, #tpu.memory_space<hbm>> -> memref<1x1x1x8x128xf32, #tpu.memory_space<hbm>>
      %dma_start3A_265 = tpu.memref_squeeze %dma_start3A_264 : memref<1x1x1x8x128xf32, #tpu.memory_space<hbm>> -> memref<8x128xf32, #tpu.memory_space<hbm>>
      %dma_start3A_266 = arith.constant 0 : i32
      %dma_start3A_267 = arith.constant 0 : i32
      %dma_start3A_268 = tpu.memref_slice %arg16[%dma_start3A_266, %dma_start3A_267] : memref<32x128xf32, #tpu.memory_space<vmem>> -> memref<8x128xf32, #tpu.memory_space<vmem>>
      tpu.enqueue_dma source(%dma_start3A_268 : memref<8x128xf32, #tpu.memory_space<vmem>>) target(%dma_start3A_265 : memref<8x128xf32, #tpu.memory_space<hbm>>) target_semaphore(%arg20 : memref<!tpu.dma_semaphore, #tpu.memory_space<semaphore_mem>>)
      %dma_start3A_269 = arith.constant 1 : i32
      %dma_start3A_270 = arith.constant 8 : i32
      %dma_start3A_271 = arith.constant 0 : i32
      %dma_start3A_272 = tpu.memref_slice %arg16[%dma_start3A_270, %dma_start3A_271] : memref<32x128xf32, #tpu.memory_space<vmem>> -> memref<8x128xf32, #tpu.memory_space<vmem>>
      %dma_start3A_273 = arith.constant 0 : i32
      %dma_start3A_274 = arith.constant 0 : i32
      %dma_start3A_275 = tpu.memref_slice %arg7[%add3A_166, %dma_start3A_269, %add3A, %dma_start3A_273, %dma_start3A_274] : memref<100x4x32x8x128xf32, #tpu.memory_space<hbm>> -> memref<1x1x1x8x128xf32, #tpu.memory_space<hbm>>
      %dma_start3A_276 = tpu.memref_squeeze %dma_start3A_275 : memref<1x1x1x8x128xf32, #tpu.memory_space<hbm>> -> memref<8x128xf32, #tpu.memory_space<hbm>>
      %dma_start3A_277 = arith.constant 0 : i32
      %dma_start3A_278 = arith.constant 0 : i32
      %dma_start3A_279 = tpu.memref_slice %arg7[%add3A_166, %dma_start3A_269, %add3A, %dma_start3A_277, %dma_start3A_278] : memref<100x4x32x8x128xf32, #tpu.memory_space<hbm>> -> memref<1x1x1x8x128xf32, #tpu.memory_space<hbm>>
      %dma_start3A_280 = tpu.memref_squeeze %dma_start3A_279 : memref<1x1x1x8x128xf32, #tpu.memory_space<hbm>> -> memref<8x128xf32, #tpu.memory_space<hbm>>
      %dma_start3A_281 = arith.constant 8 : i32
      %dma_start3A_282 = arith.constant 0 : i32
      %dma_start3A_283 = tpu.memref_slice %arg16[%dma_start3A_281, %dma_start3A_282] : memref<32x128xf32, #tpu.memory_space<vmem>> -> memref<8x128xf32, #tpu.memory_space<vmem>>
      tpu.enqueue_dma source(%dma_start3A_283 : memref<8x128xf32, #tpu.memory_space<vmem>>) target(%dma_start3A_280 : memref<8x128xf32, #tpu.memory_space<hbm>>) target_semaphore(%arg20 : memref<!tpu.dma_semaphore, #tpu.memory_space<semaphore_mem>>)
      %dma_start3A_284 = arith.constant 2 : i32
      %dma_start3A_285 = arith.constant 16 : i32
      %dma_start3A_286 = arith.constant 0 : i32
      %dma_start3A_287 = tpu.memref_slice %arg16[%dma_start3A_285, %dma_start3A_286] : memref<32x128xf32, #tpu.memory_space<vmem>> -> memref<8x128xf32, #tpu.memory_space<vmem>>
      %dma_start3A_288 = arith.constant 0 : i32
      %dma_start3A_289 = arith.constant 0 : i32
      %dma_start3A_290 = tpu.memref_slice %arg7[%add3A_166, %dma_start3A_284, %add3A, %dma_start3A_288, %dma_start3A_289] : memref<100x4x32x8x128xf32, #tpu.memory_space<hbm>> -> memref<1x1x1x8x128xf32, #tpu.memory_space<hbm>>
      %dma_start3A_291 = tpu.memref_squeeze %dma_start3A_290 : memref<1x1x1x8x128xf32, #tpu.memory_space<hbm>> -> memref<8x128xf32, #tpu.memory_space<hbm>>
      %dma_start3A_292 = arith.constant 0 : i32
      %dma_start3A_293 = arith.constant 0 : i32
      %dma_start3A_294 = tpu.memref_slice %arg7[%add3A_166, %dma_start3A_284, %add3A, %dma_start3A_292, %dma_start3A_293] : memref<100x4x32x8x128xf32, #tpu.memory_space<hbm>> -> memref<1x1x1x8x128xf32, #tpu.memory_space<hbm>>
      %dma_start3A_295 = tpu.memref_squeeze %dma_start3A_294 : memref<1x1x1x8x128xf32, #tpu.memory_space<hbm>> -> memref<8x128xf32, #tpu.memory_space<hbm>>
      %dma_start3A_296 = arith.constant 16 : i32
      %dma_start3A_297 = arith.constant 0 : i32
      %dma_start3A_298 = tpu.memref_slice %arg16[%dma_start3A_296, %dma_start3A_297] : memref<32x128xf32, #tpu.memory_space<vmem>> -> memref<8x128xf32, #tpu.memory_space<vmem>>
      tpu.enqueue_dma source(%dma_start3A_298 : memref<8x128xf32, #tpu.memory_space<vmem>>) target(%dma_start3A_295 : memref<8x128xf32, #tpu.memory_space<hbm>>) target_semaphore(%arg20 : memref<!tpu.dma_semaphore, #tpu.memory_space<semaphore_mem>>)
      %dma_start3A_299 = arith.constant 3 : i32
      %dma_start3A_300 = arith.constant 24 : i32
      %dma_start3A_301 = arith.constant 0 : i32
      %dma_start3A_302 = tpu.memref_slice %arg16[%dma_start3A_300, %dma_start3A_301] : memref<32x128xf32, #tpu.memory_space<vmem>> -> memref<8x128xf32, #tpu.memory_space<vmem>>
      %dma_start3A_303 = arith.constant 0 : i32
      %dma_start3A_304 = arith.constant 0 : i32
      %dma_start3A_305 = tpu.memref_slice %arg7[%add3A_166, %dma_start3A_299, %add3A, %dma_start3A_303, %dma_start3A_304] : memref<100x4x32x8x128xf32, #tpu.memory_space<hbm>> -> memref<1x1x1x8x128xf32, #tpu.memory_space<hbm>>
      %dma_start3A_306 = tpu.memref_squeeze %dma_start3A_305 : memref<1x1x1x8x128xf32, #tpu.memory_space<hbm>> -> memref<8x128xf32, #tpu.memory_space<hbm>>
      %dma_start3A_307 = arith.constant 0 : i32
      %dma_start3A_308 = arith.constant 0 : i32
      %dma_start3A_309 = tpu.memref_slice %arg7[%add3A_166, %dma_start3A_299, %add3A, %dma_start3A_307, %dma_start3A_308] : memref<100x4x32x8x128xf32, #tpu.memory_space<hbm>> -> memref<1x1x1x8x128xf32, #tpu.memory_space<hbm>>
      %dma_start3A_310 = tpu.memref_squeeze %dma_start3A_309 : memref<1x1x1x8x128xf32, #tpu.memory_space<hbm>> -> memref<8x128xf32, #tpu.memory_space<hbm>>
      %dma_start3A_311 = arith.constant 24 : i32
      %dma_start3A_312 = arith.constant 0 : i32
      %dma_start3A_313 = tpu.memref_slice %arg16[%dma_start3A_311, %dma_start3A_312] : memref<32x128xf32, #tpu.memory_space<vmem>> -> memref<8x128xf32, #tpu.memory_space<vmem>>
      tpu.enqueue_dma source(%dma_start3A_313 : memref<8x128xf32, #tpu.memory_space<vmem>>) target(%dma_start3A_310 : memref<8x128xf32, #tpu.memory_space<hbm>>) target_semaphore(%arg20 : memref<!tpu.dma_semaphore, #tpu.memory_space<semaphore_mem>>)
      %lt3A = arith.constant 49 : i32
      %lt3A_314 = arith.cmpi slt, %scan3A_162, %lt3A : i32
      %convert_element_type3A_315 = arith.extui %lt3A_314 : i1 to i32
      %cond3A_316 = arith.constant 0 : i32
      %cond3A_317 = arith.cmpi ne, %convert_element_type3A_315, %cond3A_316 : i32
      scf.if %cond3A_317 {
        %add3A_480 = arith.constant 2 : i32
        %add3A_481 = arith.addi %add3A_166, %add3A_480 : i32
        %dma_start3A_482 = arith.constant 0 : i32
        %dma_start3A_483 = tpu.memref_slice %arg8[%add3A_481, %dma_start3A_482] : memref<100x128xi32, #tpu.memory_space<vmem>> -> memref<1x128xi32, #tpu.memory_space<vmem>>
        %dma_start3A_484 = tpu.memref_squeeze %dma_start3A_483 : memref<1x128xi32, #tpu.memory_space<vmem>> -> memref<128xi32, #tpu.memory_space<vmem>>
        %dma_start3A_485 = arith.constant 0 : i32
        %dma_start3A_486 = arith.constant 0 : i32
        %dma_start3A_487 = tpu.memref_slice %arg6[%dma_start3A_485, %dma_start3A_486] : memref<1003520x32xf32, #tpu.memory_space<hbm>> -> memref<1003520x32xf32, #tpu.memory_space<hbm>>
        tpu.enqueue_indirect_dma source(%dma_start3A_487 : memref<1003520x32xf32, #tpu.memory_space<hbm>>) target(%arg12 : memref<128x32xf32, #tpu.memory_space<vmem>>) offsets(%dma_start3A_484 : memref<128xi32, #tpu.memory_space<vmem>>) semaphore(%arg18 : memref<!tpu.dma_semaphore, #tpu.memory_space<semaphore_mem>>)
        %dma_start3A_488 = arith.constant 0 : i32
        %dma_start3A_489 = tpu.memref_slice %arg9[%add3A_481, %dma_start3A_488] : memref<100x128xi32, #tpu.memory_space<vmem>> -> memref<1x128xi32, #tpu.memory_space<vmem>>
        %dma_start3A_490 = tpu.memref_squeeze %dma_start3A_489 : memref<1x128xi32, #tpu.memory_space<vmem>> -> memref<128xi32, #tpu.memory_space<vmem>>
        %dma_start3A_491 = arith.constant 0 : i32
        %dma_start3A_492 = arith.constant 0 : i32
        %dma_start3A_493 = tpu.memref_slice %arg6[%dma_start3A_491, %dma_start3A_492] : memref<1003520x32xf32, #tpu.memory_space<hbm>> -> memref<1003520x32xf32, #tpu.memory_space<hbm>>
        tpu.enqueue_indirect_dma source(%dma_start3A_493 : memref<1003520x32xf32, #tpu.memory_space<hbm>>) target(%arg14 : memref<128x32xf32, #tpu.memory_space<vmem>>) offsets(%dma_start3A_490 : memref<128xi32, #tpu.memory_space<vmem>>) semaphore(%arg18 : memref<!tpu.dma_semaphore, #tpu.memory_space<semaphore_mem>>)
      } else {
      }
      %mul3A_318 = arith.constant 2 : i32
      %mul3A_319 = arith.muli %mul3A_318, %scan3A_162 : i32
      %add3A_320 = arith.constant 1 : i32
      %add3A_321 = arith.addi %mul3A_319, %add3A_320 : i32
      %dma_wait3A_322 = arith.constant 0 : i32
      %dma_wait3A_323 = tpu.memref_slice %arg8[%add3A_321, %dma_wait3A_322] : memref<100x128xi32, #tpu.memory_space<vmem>> -> memref<1x128xi32, #tpu.memory_space<vmem>>
      %dma_wait3A_324 = tpu.memref_squeeze %dma_wait3A_323 : memref<1x128xi32, #tpu.memory_space<vmem>> -> memref<128xi32, #tpu.memory_space<vmem>>
      %dma_wait3A_325 = arith.constant 0 : i32
      %dma_wait3A_326 = arith.constant 0 : i32
      %dma_wait3A_327 = tpu.memref_slice %arg6[%dma_wait3A_325, %dma_wait3A_326] : memref<1003520x32xf32, #tpu.memory_space<hbm>> -> memref<1003520x32xf32, #tpu.memory_space<hbm>>
      tpu.wait_indirect_dma semaphore(%arg19 : memref<!tpu.dma_semaphore, #tpu.memory_space<semaphore_mem>>) src(%dma_wait3A_327 : memref<1003520x32xf32, #tpu.memory_space<hbm>>) dst(%arg13 : memref<128x32xf32, #tpu.memory_space<vmem>>)
      %dma_wait3A_328 = arith.constant 0 : i32
      %dma_wait3A_329 = tpu.memref_slice %arg9[%add3A_321, %dma_wait3A_328] : memref<100x128xi32, #tpu.memory_space<vmem>> -> memref<1x128xi32, #tpu.memory_space<vmem>>
      %dma_wait3A_330 = tpu.memref_squeeze %dma_wait3A_329 : memref<1x128xi32, #tpu.memory_space<vmem>> -> memref<128xi32, #tpu.memory_space<vmem>>
      %dma_wait3A_331 = arith.constant 0 : i32
      %dma_wait3A_332 = arith.constant 0 : i32
      %dma_wait3A_333 = tpu.memref_slice %arg6[%dma_wait3A_331, %dma_wait3A_332] : memref<1003520x32xf32, #tpu.memory_space<hbm>> -> memref<1003520x32xf32, #tpu.memory_space<hbm>>
      tpu.wait_indirect_dma semaphore(%arg19 : memref<!tpu.dma_semaphore, #tpu.memory_space<semaphore_mem>>) src(%dma_wait3A_333 : memref<1003520x32xf32, #tpu.memory_space<hbm>>) dst(%arg15 : memref<128x32xf32, #tpu.memory_space<vmem>>)
      %gt3A_334 = arith.constant 0 : i32
      %gt3A_335 = arith.cmpi sgt, %scan3A_162, %gt3A_334 : i32
      %convert_element_type3A_336 = arith.extui %gt3A_335 : i1 to i32
      %cond3A_337 = arith.constant 0 : i32
      %cond3A_338 = arith.cmpi ne, %convert_element_type3A_336, %cond3A_337 : i32
      scf.if %cond3A_338 {
        %dma_wait3A_480 = arith.constant 0 : i32
        %dma_wait3A_481 = arith.constant 0 : i32
        %dma_wait3A_482 = arith.constant 0 : i32
        %dma_wait3A_483 = tpu.memref_slice %arg17[%dma_wait3A_481, %dma_wait3A_482] : memref<32x128xf32, #tpu.memory_space<vmem>> -> memref<8x128xf32, #tpu.memory_space<vmem>>
        %dma_wait3A_484 = arith.constant 0 : i32
        %dma_wait3A_485 = arith.constant 0 : i32
        %dma_wait3A_486 = tpu.memref_slice %arg7[%add3A_321, %dma_wait3A_480, %add3A, %dma_wait3A_484, %dma_wait3A_485] : memref<100x4x32x8x128xf32, #tpu.memory_space<hbm>> -> memref<1x1x1x8x128xf32, #tpu.memory_space<hbm>>
        %dma_wait3A_487 = tpu.memref_squeeze %dma_wait3A_486 : memref<1x1x1x8x128xf32, #tpu.memory_space<hbm>> -> memref<8x128xf32, #tpu.memory_space<hbm>>
        %dma_wait3A_488 = arith.constant 0 : i32
        %dma_wait3A_489 = arith.constant 0 : i32
        %dma_wait3A_490 = tpu.memref_slice %arg7[%add3A_321, %dma_wait3A_480, %add3A, %dma_wait3A_488, %dma_wait3A_489] : memref<100x4x32x8x128xf32, #tpu.memory_space<hbm>> -> memref<1x1x1x8x128xf32, #tpu.memory_space<hbm>>
        %dma_wait3A_491 = tpu.memref_squeeze %dma_wait3A_490 : memref<1x1x1x8x128xf32, #tpu.memory_space<hbm>> -> memref<8x128xf32, #tpu.memory_space<hbm>>
        %dma_wait3A_492 = arith.constant 0 : i32
        %dma_wait3A_493 = arith.constant 0 : i32
        %dma_wait3A_494 = tpu.memref_slice %arg17[%dma_wait3A_492, %dma_wait3A_493] : memref<32x128xf32, #tpu.memory_space<vmem>> -> memref<8x128xf32, #tpu.memory_space<vmem>>
        tpu.wait_dma2 semaphore(%arg21 : memref<!tpu.dma_semaphore, #tpu.memory_space<semaphore_mem>>) src(%dma_wait3A_494 : memref<8x128xf32, #tpu.memory_space<vmem>>) dst(%dma_wait3A_491 : memref<8x128xf32, #tpu.memory_space<hbm>>)
        %dma_wait3A_495 = arith.constant 1 : i32
        %dma_wait3A_496 = arith.constant 8 : i32
        %dma_wait3A_497 = arith.constant 0 : i32
        %dma_wait3A_498 = tpu.memref_slice %arg17[%dma_wait3A_496, %dma_wait3A_497] : memref<32x128xf32, #tpu.memory_space<vmem>> -> memref<8x128xf32, #tpu.memory_space<vmem>>
        %dma_wait3A_499 = arith.constant 0 : i32
        %dma_wait3A_500 = arith.constant 0 : i32
        %dma_wait3A_501 = tpu.memref_slice %arg7[%add3A_321, %dma_wait3A_495, %add3A, %dma_wait3A_499, %dma_wait3A_500] : memref<100x4x32x8x128xf32, #tpu.memory_space<hbm>> -> memref<1x1x1x8x128xf32, #tpu.memory_space<hbm>>
        %dma_wait3A_502 = tpu.memref_squeeze %dma_wait3A_501 : memref<1x1x1x8x128xf32, #tpu.memory_space<hbm>> -> memref<8x128xf32, #tpu.memory_space<hbm>>
        %dma_wait3A_503 = arith.constant 0 : i32
        %dma_wait3A_504 = arith.constant 0 : i32
        %dma_wait3A_505 = tpu.memref_slice %arg7[%add3A_321, %dma_wait3A_495, %add3A, %dma_wait3A_503, %dma_wait3A_504] : memref<100x4x32x8x128xf32, #tpu.memory_space<hbm>> -> memref<1x1x1x8x128xf32, #tpu.memory_space<hbm>>
        %dma_wait3A_506 = tpu.memref_squeeze %dma_wait3A_505 : memref<1x1x1x8x128xf32, #tpu.memory_space<hbm>> -> memref<8x128xf32, #tpu.memory_space<hbm>>
        %dma_wait3A_507 = arith.constant 8 : i32
        %dma_wait3A_508 = arith.constant 0 : i32
        %dma_wait3A_509 = tpu.memref_slice %arg17[%dma_wait3A_507, %dma_wait3A_508] : memref<32x128xf32, #tpu.memory_space<vmem>> -> memref<8x128xf32, #tpu.memory_space<vmem>>
        tpu.wait_dma2 semaphore(%arg21 : memref<!tpu.dma_semaphore, #tpu.memory_space<semaphore_mem>>) src(%dma_wait3A_509 : memref<8x128xf32, #tpu.memory_space<vmem>>) dst(%dma_wait3A_506 : memref<8x128xf32, #tpu.memory_space<hbm>>)
        %dma_wait3A_510 = arith.constant 2 : i32
        %dma_wait3A_511 = arith.constant 16 : i32
        %dma_wait3A_512 = arith.constant 0 : i32
        %dma_wait3A_513 = tpu.memref_slice %arg17[%dma_wait3A_511, %dma_wait3A_512] : memref<32x128xf32, #tpu.memory_space<vmem>> -> memref<8x128xf32, #tpu.memory_space<vmem>>
        %dma_wait3A_514 = arith.constant 0 : i32
        %dma_wait3A_515 = arith.constant 0 : i32
        %dma_wait3A_516 = tpu.memref_slice %arg7[%add3A_321, %dma_wait3A_510, %add3A, %dma_wait3A_514, %dma_wait3A_515] : memref<100x4x32x8x128xf32, #tpu.memory_space<hbm>> -> memref<1x1x1x8x128xf32, #tpu.memory_space<hbm>>
        %dma_wait3A_517 = tpu.memref_squeeze %dma_wait3A_516 : memref<1x1x1x8x128xf32, #tpu.memory_space<hbm>> -> memref<8x128xf32, #tpu.memory_space<hbm>>
        %dma_wait3A_518 = arith.constant 0 : i32
        %dma_wait3A_519 = arith.constant 0 : i32
        %dma_wait3A_520 = tpu.memref_slice %arg7[%add3A_321, %dma_wait3A_510, %add3A, %dma_wait3A_518, %dma_wait3A_519] : memref<100x4x32x8x128xf32, #tpu.memory_space<hbm>> -> memref<1x1x1x8x128xf32, #tpu.memory_space<hbm>>
        %dma_wait3A_521 = tpu.memref_squeeze %dma_wait3A_520 : memref<1x1x1x8x128xf32, #tpu.memory_space<hbm>> -> memref<8x128xf32, #tpu.memory_space<hbm>>
        %dma_wait3A_522 = arith.constant 16 : i32
        %dma_wait3A_523 = arith.constant 0 : i32
        %dma_wait3A_524 = tpu.memref_slice %arg17[%dma_wait3A_522, %dma_wait3A_523] : memref<32x128xf32, #tpu.memory_space<vmem>> -> memref<8x128xf32, #tpu.memory_space<vmem>>
        tpu.wait_dma2 semaphore(%arg21 : memref<!tpu.dma_semaphore, #tpu.memory_space<semaphore_mem>>) src(%dma_wait3A_524 : memref<8x128xf32, #tpu.memory_space<vmem>>) dst(%dma_wait3A_521 : memref<8x128xf32, #tpu.memory_space<hbm>>)
        %dma_wait3A_525 = arith.constant 3 : i32
        %dma_wait3A_526 = arith.constant 24 : i32
        %dma_wait3A_527 = arith.constant 0 : i32
        %dma_wait3A_528 = tpu.memref_slice %arg17[%dma_wait3A_526, %dma_wait3A_527] : memref<32x128xf32, #tpu.memory_space<vmem>> -> memref<8x128xf32, #tpu.memory_space<vmem>>
        %dma_wait3A_529 = arith.constant 0 : i32
        %dma_wait3A_530 = arith.constant 0 : i32
        %dma_wait3A_531 = tpu.memref_slice %arg7[%add3A_321, %dma_wait3A_525, %add3A, %dma_wait3A_529, %dma_wait3A_530] : memref<100x4x32x8x128xf32, #tpu.memory_space<hbm>> -> memref<1x1x1x8x128xf32, #tpu.memory_space<hbm>>
        %dma_wait3A_532 = tpu.memref_squeeze %dma_wait3A_531 : memref<1x1x1x8x128xf32, #tpu.memory_space<hbm>> -> memref<8x128xf32, #tpu.memory_space<hbm>>
        %dma_wait3A_533 = arith.constant 0 : i32
        %dma_wait3A_534 = arith.constant 0 : i32
        %dma_wait3A_535 = tpu.memref_slice %arg7[%add3A_321, %dma_wait3A_525, %add3A, %dma_wait3A_533, %dma_wait3A_534] : memref<100x4x32x8x128xf32, #tpu.memory_space<hbm>> -> memref<1x1x1x8x128xf32, #tpu.memory_space<hbm>>
        %dma_wait3A_536 = tpu.memref_squeeze %dma_wait3A_535 : memref<1x1x1x8x128xf32, #tpu.memory_space<hbm>> -> memref<8x128xf32, #tpu.memory_space<hbm>>
        %dma_wait3A_537 = arith.constant 24 : i32
        %dma_wait3A_538 = arith.constant 0 : i32
        %dma_wait3A_539 = tpu.memref_slice %arg17[%dma_wait3A_537, %dma_wait3A_538] : memref<32x128xf32, #tpu.memory_space<vmem>> -> memref<8x128xf32, #tpu.memory_space<vmem>>
        tpu.wait_dma2 semaphore(%arg21 : memref<!tpu.dma_semaphore, #tpu.memory_space<semaphore_mem>>) src(%dma_wait3A_539 : memref<8x128xf32, #tpu.memory_space<vmem>>) dst(%dma_wait3A_536 : memref<8x128xf32, #tpu.memory_space<hbm>>)
      } else {
      }
      %get3A_339 = arith.index_cast %add3A_321 : i32 to index
      %get3A_340 = arith.constant 0 : index
      %get3A_341 = tpu.vector_load %arg10[%get3A_339, %get3A_340] {strides = array<i32>} : memref<100x128xf32, #tpu.memory_space<vmem>>, vector<16xf32>,
      %get3A_342 = arith.index_cast %add3A_321 : i32 to index
      %get3A_343 = arith.constant 16 : index
      %get3A_344 = tpu.vector_load %arg10[%get3A_342, %get3A_343] {strides = array<i32>} : memref<100x128xf32, #tpu.memory_space<vmem>>, vector<16xf32>,
      %get3A_345 = arith.index_cast %add3A_321 : i32 to index
      %get3A_346 = arith.constant 32 : index
      %get3A_347 = tpu.vector_load %arg10[%get3A_345, %get3A_346] {strides = array<i32>} : memref<100x128xf32, #tpu.memory_space<vmem>>, vector<16xf32>,
      %get3A_348 = arith.index_cast %add3A_321 : i32 to index
      %get3A_349 = arith.constant 48 : index
      %get3A_350 = tpu.vector_load %arg10[%get3A_348, %get3A_349] {strides = array<i32>} : memref<100x128xf32, #tpu.memory_space<vmem>>, vector<16xf32>,
      %get3A_351 = arith.index_cast %add3A_321 : i32 to index
      %get3A_352 = arith.constant 64 : index
      %get3A_353 = tpu.vector_load %arg10[%get3A_351, %get3A_352] {strides = array<i32>} : memref<100x128xf32, #tpu.memory_space<vmem>>, vector<16xf32>,
      %get3A_354 = arith.index_cast %add3A_321 : i32 to index
      %get3A_355 = arith.constant 80 : index
      %get3A_356 = tpu.vector_load %arg10[%get3A_354, %get3A_355] {strides = array<i32>} : memref<100x128xf32, #tpu.memory_space<vmem>>, vector<16xf32>,
      %get3A_357 = arith.index_cast %add3A_321 : i32 to index
      %get3A_358 = arith.constant 96 : index
      %get3A_359 = tpu.vector_load %arg10[%get3A_357, %get3A_358] {strides = array<i32>} : memref<100x128xf32, #tpu.memory_space<vmem>>, vector<16xf32>,
      %get3A_360 = arith.index_cast %add3A_321 : i32 to index
      %get3A_361 = arith.constant 112 : index
      %get3A_362 = tpu.vector_load %arg10[%get3A_360, %get3A_361] {strides = array<i32>} : memref<100x128xf32, #tpu.memory_space<vmem>>, vector<16xf32>,
      %get3A_363 = arith.index_cast %add3A_321 : i32 to index
      %get3A_364 = arith.constant 0 : index
      %get3A_365 = tpu.vector_load %arg11[%get3A_363, %get3A_364] {strides = array<i32>} : memref<100x128xf32, #tpu.memory_space<vmem>>, vector<16xf32>,
      %get3A_366 = arith.index_cast %add3A_321 : i32 to index
      %get3A_367 = arith.constant 16 : index
      %get3A_368 = tpu.vector_load %arg11[%get3A_366, %get3A_367] {strides = array<i32>} : memref<100x128xf32, #tpu.memory_space<vmem>>, vector<16xf32>,
      %get3A_369 = arith.index_cast %add3A_321 : i32 to index
      %get3A_370 = arith.constant 32 : index
      %get3A_371 = tpu.vector_load %arg11[%get3A_369, %get3A_370] {strides = array<i32>} : memref<100x128xf32, #tpu.memory_space<vmem>>, vector<16xf32>,
      %get3A_372 = arith.index_cast %add3A_321 : i32 to index
      %get3A_373 = arith.constant 48 : index
      %get3A_374 = tpu.vector_load %arg11[%get3A_372, %get3A_373] {strides = array<i32>} : memref<100x128xf32, #tpu.memory_space<vmem>>, vector<16xf32>,
      %get3A_375 = arith.index_cast %add3A_321 : i32 to index
      %get3A_376 = arith.constant 64 : index
      %get3A_377 = tpu.vector_load %arg11[%get3A_375, %get3A_376] {strides = array<i32>} : memref<100x128xf32, #tpu.memory_space<vmem>>, vector<16xf32>,
      %get3A_378 = arith.index_cast %add3A_321 : i32 to index
      %get3A_379 = arith.constant 80 : index
      %get3A_380 = tpu.vector_load %arg11[%get3A_378, %get3A_379] {strides = array<i32>} : memref<100x128xf32, #tpu.memory_space<vmem>>, vector<16xf32>,
      %get3A_381 = arith.index_cast %add3A_321 : i32 to index
      %get3A_382 = arith.constant 96 : index
      %get3A_383 = tpu.vector_load %arg11[%get3A_381, %get3A_382] {strides = array<i32>} : memref<100x128xf32, #tpu.memory_space<vmem>>, vector<16xf32>,
      %get3A_384 = arith.index_cast %add3A_321 : i32 to index
      %get3A_385 = arith.constant 112 : index
      %get3A_386 = tpu.vector_load %arg11[%get3A_384, %get3A_385] {strides = array<i32>} : memref<100x128xf32, #tpu.memory_space<vmem>>, vector<16xf32>,
      %iota3A_387 = tpu.iota {dimensions = array<i32: 0>} : vector<16xi32>
      %add3A_388 = arith.constant 0 : i32
      %add3A_389 = vector.broadcast %add3A_388 : i32 to vector<16xi32>
      %add3A_390 = arith.addi %iota3A_387, %add3A_389 : vector<16xi32>
      %add3A_391 = arith.constant 16 : i32
      %add3A_392 = vector.broadcast %add3A_391 : i32 to vector<16xi32>
      %add3A_393 = arith.addi %iota3A_387, %add3A_392 : vector<16xi32>
      %add3A_394 = arith.constant 32 : i32
      %add3A_395 = vector.broadcast %add3A_394 : i32 to vector<16xi32>
      %add3A_396 = arith.addi %iota3A_387, %add3A_395 : vector<16xi32>
      %add3A_397 = arith.constant 48 : i32
      %add3A_398 = vector.broadcast %add3A_397 : i32 to vector<16xi32>
      %add3A_399 = arith.addi %iota3A_387, %add3A_398 : vector<16xi32>
      %add3A_400 = arith.constant 64 : i32
      %add3A_401 = vector.broadcast %add3A_400 : i32 to vector<16xi32>
      %add3A_402 = arith.addi %iota3A_387, %add3A_401 : vector<16xi32>
      %add3A_403 = arith.constant 80 : i32
      %add3A_404 = vector.broadcast %add3A_403 : i32 to vector<16xi32>
      %add3A_405 = arith.addi %iota3A_387, %add3A_404 : vector<16xi32>
      %add3A_406 = arith.constant 96 : i32
      %add3A_407 = vector.broadcast %add3A_406 : i32 to vector<16xi32>
      %add3A_408 = arith.addi %iota3A_387, %add3A_407 : vector<16xi32>
      %add3A_409 = arith.constant 112 : i32
      %add3A_410 = vector.broadcast %add3A_409 : i32 to vector<16xi32>
      %add3A_411 = arith.addi %iota3A_387, %add3A_410 : vector<16xi32>
      %parallel_loop3A_412 = arith.constant 0 : i32
      %parallel_loop3A_413 = arith.constant 32 : i32
      %parallel_loop3A_414 = arith.constant 1 : i32
      scf.for %parallel_loop3A_480 = %parallel_loop3A_412 to %parallel_loop3A_413 step %parallel_loop3A_414  : i32 {
        %parallel_loop3A_481 = arith.constant 0 : i32
        %parallel_loop3A_482 = vector.broadcast %parallel_loop3A_481 : i32 to vector<16xi32>
        %parallel_loop3A_483 = vector.broadcast %parallel_loop3A_480 : i32 to vector<16xi32>
        %parallel_loop3A_484 = arith.addi %parallel_loop3A_482, %parallel_loop3A_483 : vector<16xi32>
        %parallel_loop3A_485 = tpu.vector_load_idx %arg13[%add3A_390, %parallel_loop3A_484] : memref<128x32xf32, #tpu.memory_space<vmem>>[vector<16xi32>, vector<16xi32>], vector<16xf32>,
        %parallel_loop3A_486 = tpu.vector_load_idx %arg15[%add3A_390, %parallel_loop3A_484] : memref<128x32xf32, #tpu.memory_space<vmem>>[vector<16xi32>, vector<16xi32>], vector<16xf32>,
        %parallel_loop3A_487 = arith.mulf %parallel_loop3A_485, %get3A_341 : vector<16xf32>
        %parallel_loop3A_488 = arith.mulf %parallel_loop3A_486, %get3A_365 : vector<16xf32>
        %parallel_loop3A_489 = arith.addf %parallel_loop3A_487, %parallel_loop3A_488 : vector<16xf32>
        %parallel_loop3A_490 = arith.index_cast %parallel_loop3A_480 : i32 to index
        %parallel_loop3A_491 = arith.constant 0 : index
        %parallel_loop3A_492 = tpu.vector_load %arg17[%parallel_loop3A_490, %parallel_loop3A_491] {strides = array<i32>} : memref<32x128xf32, #tpu.memory_space<vmem>>, vector<16xf32>,
        tpu.vector_store %arg17[%parallel_loop3A_490, %parallel_loop3A_491], %parallel_loop3A_489 {strides = array<i32>} : memref<32x128xf32, #tpu.memory_space<vmem>>, vector<16xf32>,
        %parallel_loop3A_493 = tpu.vector_load_idx %arg13[%add3A_393, %parallel_loop3A_484] : memref<128x32xf32, #tpu.memory_space<vmem>>[vector<16xi32>, vector<16xi32>], vector<16xf32>,
        %parallel_loop3A_494 = tpu.vector_load_idx %arg15[%add3A_393, %parallel_loop3A_484] : memref<128x32xf32, #tpu.memory_space<vmem>>[vector<16xi32>, vector<16xi32>], vector<16xf32>,
        %parallel_loop3A_495 = arith.mulf %parallel_loop3A_493, %get3A_344 : vector<16xf32>
        %parallel_loop3A_496 = arith.mulf %parallel_loop3A_494, %get3A_368 : vector<16xf32>
        %parallel_loop3A_497 = arith.addf %parallel_loop3A_495, %parallel_loop3A_496 : vector<16xf32>
        %parallel_loop3A_498 = arith.index_cast %parallel_loop3A_480 : i32 to index
        %parallel_loop3A_499 = arith.constant 16 : index
        %parallel_loop3A_500 = tpu.vector_load %arg17[%parallel_loop3A_498, %parallel_loop3A_499] {strides = array<i32>} : memref<32x128xf32, #tpu.memory_space<vmem>>, vector<16xf32>,
        tpu.vector_store %arg17[%parallel_loop3A_498, %parallel_loop3A_499], %parallel_loop3A_497 {strides = array<i32>} : memref<32x128xf32, #tpu.memory_space<vmem>>, vector<16xf32>,
        %parallel_loop3A_501 = tpu.vector_load_idx %arg13[%add3A_396, %parallel_loop3A_484] : memref<128x32xf32, #tpu.memory_space<vmem>>[vector<16xi32>, vector<16xi32>], vector<16xf32>,
        %parallel_loop3A_502 = tpu.vector_load_idx %arg15[%add3A_396, %parallel_loop3A_484] : memref<128x32xf32, #tpu.memory_space<vmem>>[vector<16xi32>, vector<16xi32>], vector<16xf32>,
        %parallel_loop3A_503 = arith.mulf %parallel_loop3A_501, %get3A_347 : vector<16xf32>
        %parallel_loop3A_504 = arith.mulf %parallel_loop3A_502, %get3A_371 : vector<16xf32>
        %parallel_loop3A_505 = arith.addf %parallel_loop3A_503, %parallel_loop3A_504 : vector<16xf32>
        %parallel_loop3A_506 = arith.index_cast %parallel_loop3A_480 : i32 to index
        %parallel_loop3A_507 = arith.constant 32 : index
        %parallel_loop3A_508 = tpu.vector_load %arg17[%parallel_loop3A_506, %parallel_loop3A_507] {strides = array<i32>} : memref<32x128xf32, #tpu.memory_space<vmem>>, vector<16xf32>,
        tpu.vector_store %arg17[%parallel_loop3A_506, %parallel_loop3A_507], %parallel_loop3A_505 {strides = array<i32>} : memref<32x128xf32, #tpu.memory_space<vmem>>, vector<16xf32>,
        %parallel_loop3A_509 = tpu.vector_load_idx %arg13[%add3A_399, %parallel_loop3A_484] : memref<128x32xf32, #tpu.memory_space<vmem>>[vector<16xi32>, vector<16xi32>], vector<16xf32>,
        %parallel_loop3A_510 = tpu.vector_load_idx %arg15[%add3A_399, %parallel_loop3A_484] : memref<128x32xf32, #tpu.memory_space<vmem>>[vector<16xi32>, vector<16xi32>], vector<16xf32>,
        %parallel_loop3A_511 = arith.mulf %parallel_loop3A_509, %get3A_350 : vector<16xf32>
        %parallel_loop3A_512 = arith.mulf %parallel_loop3A_510, %get3A_374 : vector<16xf32>
        %parallel_loop3A_513 = arith.addf %parallel_loop3A_511, %parallel_loop3A_512 : vector<16xf32>
        %parallel_loop3A_514 = arith.index_cast %parallel_loop3A_480 : i32 to index
        %parallel_loop3A_515 = arith.constant 48 : index
        %parallel_loop3A_516 = tpu.vector_load %arg17[%parallel_loop3A_514, %parallel_loop3A_515] {strides = array<i32>} : memref<32x128xf32, #tpu.memory_space<vmem>>, vector<16xf32>,
        tpu.vector_store %arg17[%parallel_loop3A_514, %parallel_loop3A_515], %parallel_loop3A_513 {strides = array<i32>} : memref<32x128xf32, #tpu.memory_space<vmem>>, vector<16xf32>,
        %parallel_loop3A_517 = tpu.vector_load_idx %arg13[%add3A_402, %parallel_loop3A_484] : memref<128x32xf32, #tpu.memory_space<vmem>>[vector<16xi32>, vector<16xi32>], vector<16xf32>,
        %parallel_loop3A_518 = tpu.vector_load_idx %arg15[%add3A_402, %parallel_loop3A_484] : memref<128x32xf32, #tpu.memory_space<vmem>>[vector<16xi32>, vector<16xi32>], vector<16xf32>,
        %parallel_loop3A_519 = arith.mulf %parallel_loop3A_517, %get3A_353 : vector<16xf32>
        %parallel_loop3A_520 = arith.mulf %parallel_loop3A_518, %get3A_377 : vector<16xf32>
        %parallel_loop3A_521 = arith.addf %parallel_loop3A_519, %parallel_loop3A_520 : vector<16xf32>
        %parallel_loop3A_522 = arith.index_cast %parallel_loop3A_480 : i32 to index
        %parallel_loop3A_523 = arith.constant 64 : index
        %parallel_loop3A_524 = tpu.vector_load %arg17[%parallel_loop3A_522, %parallel_loop3A_523] {strides = array<i32>} : memref<32x128xf32, #tpu.memory_space<vmem>>, vector<16xf32>,
        tpu.vector_store %arg17[%parallel_loop3A_522, %parallel_loop3A_523], %parallel_loop3A_521 {strides = array<i32>} : memref<32x128xf32, #tpu.memory_space<vmem>>, vector<16xf32>,
        %parallel_loop3A_525 = tpu.vector_load_idx %arg13[%add3A_405, %parallel_loop3A_484] : memref<128x32xf32, #tpu.memory_space<vmem>>[vector<16xi32>, vector<16xi32>], vector<16xf32>,
        %parallel_loop3A_526 = tpu.vector_load_idx %arg15[%add3A_405, %parallel_loop3A_484] : memref<128x32xf32, #tpu.memory_space<vmem>>[vector<16xi32>, vector<16xi32>], vector<16xf32>,
        %parallel_loop3A_527 = arith.mulf %parallel_loop3A_525, %get3A_356 : vector<16xf32>
        %parallel_loop3A_528 = arith.mulf %parallel_loop3A_526, %get3A_380 : vector<16xf32>
        %parallel_loop3A_529 = arith.addf %parallel_loop3A_527, %parallel_loop3A_528 : vector<16xf32>
        %parallel_loop3A_530 = arith.index_cast %parallel_loop3A_480 : i32 to index
        %parallel_loop3A_531 = arith.constant 80 : index
        %parallel_loop3A_532 = tpu.vector_load %arg17[%parallel_loop3A_530, %parallel_loop3A_531] {strides = array<i32>} : memref<32x128xf32, #tpu.memory_space<vmem>>, vector<16xf32>,
        tpu.vector_store %arg17[%parallel_loop3A_530, %parallel_loop3A_531], %parallel_loop3A_529 {strides = array<i32>} : memref<32x128xf32, #tpu.memory_space<vmem>>, vector<16xf32>,
        %parallel_loop3A_533 = tpu.vector_load_idx %arg13[%add3A_408, %parallel_loop3A_484] : memref<128x32xf32, #tpu.memory_space<vmem>>[vector<16xi32>, vector<16xi32>], vector<16xf32>,
        %parallel_loop3A_534 = tpu.vector_load_idx %arg15[%add3A_408, %parallel_loop3A_484] : memref<128x32xf32, #tpu.memory_space<vmem>>[vector<16xi32>, vector<16xi32>], vector<16xf32>,
        %parallel_loop3A_535 = arith.mulf %parallel_loop3A_533, %get3A_359 : vector<16xf32>
        %parallel_loop3A_536 = arith.mulf %parallel_loop3A_534, %get3A_383 : vector<16xf32>
        %parallel_loop3A_537 = arith.addf %parallel_loop3A_535, %parallel_loop3A_536 : vector<16xf32>
        %parallel_loop3A_538 = arith.index_cast %parallel_loop3A_480 : i32 to index
        %parallel_loop3A_539 = arith.constant 96 : index
        %parallel_loop3A_540 = tpu.vector_load %arg17[%parallel_loop3A_538, %parallel_loop3A_539] {strides = array<i32>} : memref<32x128xf32, #tpu.memory_space<vmem>>, vector<16xf32>,
        tpu.vector_store %arg17[%parallel_loop3A_538, %parallel_loop3A_539], %parallel_loop3A_537 {strides = array<i32>} : memref<32x128xf32, #tpu.memory_space<vmem>>, vector<16xf32>,
        %parallel_loop3A_541 = tpu.vector_load_idx %arg13[%add3A_411, %parallel_loop3A_484] : memref<128x32xf32, #tpu.memory_space<vmem>>[vector<16xi32>, vector<16xi32>], vector<16xf32>,
        %parallel_loop3A_542 = tpu.vector_load_idx %arg15[%add3A_411, %parallel_loop3A_484] : memref<128x32xf32, #tpu.memory_space<vmem>>[vector<16xi32>, vector<16xi32>], vector<16xf32>,
        %parallel_loop3A_543 = arith.mulf %parallel_loop3A_541, %get3A_362 : vector<16xf32>
        %parallel_loop3A_544 = arith.mulf %parallel_loop3A_542, %get3A_386 : vector<16xf32>
        %parallel_loop3A_545 = arith.addf %parallel_loop3A_543, %parallel_loop3A_544 : vector<16xf32>
        %parallel_loop3A_546 = arith.index_cast %parallel_loop3A_480 : i32 to index
        %parallel_loop3A_547 = arith.constant 112 : index
        %parallel_loop3A_548 = tpu.vector_load %arg17[%parallel_loop3A_546, %parallel_loop3A_547] {strides = array<i32>} : memref<32x128xf32, #tpu.memory_space<vmem>>, vector<16xf32>,
        tpu.vector_store %arg17[%parallel_loop3A_546, %parallel_loop3A_547], %parallel_loop3A_545 {strides = array<i32>} : memref<32x128xf32, #tpu.memory_space<vmem>>, vector<16xf32>,
      } {sc.loop_unroll_factor = 4 : i64, sc.parallel_access}
      %dma_start3A_415 = arith.constant 0 : i32
      %dma_start3A_416 = arith.constant 0 : i32
      %dma_start3A_417 = arith.constant 0 : i32
      %dma_start3A_418 = tpu.memref_slice %arg17[%dma_start3A_416, %dma_start3A_417] : memref<32x128xf32, #tpu.memory_space<vmem>> -> memref<8x128xf32, #tpu.memory_space<vmem>>
      %dma_start3A_419 = arith.constant 0 : i32
      %dma_start3A_420 = arith.constant 0 : i32
      %dma_start3A_421 = tpu.memref_slice %arg7[%add3A_321, %dma_start3A_415, %add3A, %dma_start3A_419, %dma_start3A_420] : memref<100x4x32x8x128xf32, #tpu.memory_space<hbm>> -> memref<1x1x1x8x128xf32, #tpu.memory_space<hbm>>
      %dma_start3A_422 = tpu.memref_squeeze %dma_start3A_421 : memref<1x1x1x8x128xf32, #tpu.memory_space<hbm>> -> memref<8x128xf32, #tpu.memory_space<hbm>>
      %dma_start3A_423 = arith.constant 0 : i32
      %dma_start3A_424 = arith.constant 0 : i32
      %dma_start3A_425 = tpu.memref_slice %arg7[%add3A_321, %dma_start3A_415, %add3A, %dma_start3A_423, %dma_start3A_424] : memref<100x4x32x8x128xf32, #tpu.memory_space<hbm>> -> memref<1x1x1x8x128xf32, #tpu.memory_space<hbm>>
      %dma_start3A_426 = tpu.memref_squeeze %dma_start3A_425 : memref<1x1x1x8x128xf32, #tpu.memory_space<hbm>> -> memref<8x128xf32, #tpu.memory_space<hbm>>
      %dma_start3A_427 = arith.constant 0 : i32
      %dma_start3A_428 = arith.constant 0 : i32
      %dma_start3A_429 = tpu.memref_slice %arg17[%dma_start3A_427, %dma_start3A_428] : memref<32x128xf32, #tpu.memory_space<vmem>> -> memref<8x128xf32, #tpu.memory_space<vmem>>
      tpu.enqueue_dma source(%dma_start3A_429 : memref<8x128xf32, #tpu.memory_space<vmem>>) target(%dma_start3A_426 : memref<8x128xf32, #tpu.memory_space<hbm>>) target_semaphore(%arg21 : memref<!tpu.dma_semaphore, #tpu.memory_space<semaphore_mem>>)
      %dma_start3A_430 = arith.constant 1 : i32
      %dma_start3A_431 = arith.constant 8 : i32
      %dma_start3A_432 = arith.constant 0 : i32
      %dma_start3A_433 = tpu.memref_slice %arg17[%dma_start3A_431, %dma_start3A_432] : memref<32x128xf32, #tpu.memory_space<vmem>> -> memref<8x128xf32, #tpu.memory_space<vmem>>
      %dma_start3A_434 = arith.constant 0 : i32
      %dma_start3A_435 = arith.constant 0 : i32
      %dma_start3A_436 = tpu.memref_slice %arg7[%add3A_321, %dma_start3A_430, %add3A, %dma_start3A_434, %dma_start3A_435] : memref<100x4x32x8x128xf32, #tpu.memory_space<hbm>> -> memref<1x1x1x8x128xf32, #tpu.memory_space<hbm>>
      %dma_start3A_437 = tpu.memref_squeeze %dma_start3A_436 : memref<1x1x1x8x128xf32, #tpu.memory_space<hbm>> -> memref<8x128xf32, #tpu.memory_space<hbm>>
      %dma_start3A_438 = arith.constant 0 : i32
      %dma_start3A_439 = arith.constant 0 : i32
      %dma_start3A_440 = tpu.memref_slice %arg7[%add3A_321, %dma_start3A_430, %add3A, %dma_start3A_438, %dma_start3A_439] : memref<100x4x32x8x128xf32, #tpu.memory_space<hbm>> -> memref<1x1x1x8x128xf32, #tpu.memory_space<hbm>>
      %dma_start3A_441 = tpu.memref_squeeze %dma_start3A_440 : memref<1x1x1x8x128xf32, #tpu.memory_space<hbm>> -> memref<8x128xf32, #tpu.memory_space<hbm>>
      %dma_start3A_442 = arith.constant 8 : i32
      %dma_start3A_443 = arith.constant 0 : i32
      %dma_start3A_444 = tpu.memref_slice %arg17[%dma_start3A_442, %dma_start3A_443] : memref<32x128xf32, #tpu.memory_space<vmem>> -> memref<8x128xf32, #tpu.memory_space<vmem>>
      tpu.enqueue_dma source(%dma_start3A_444 : memref<8x128xf32, #tpu.memory_space<vmem>>) target(%dma_start3A_441 : memref<8x128xf32, #tpu.memory_space<hbm>>) target_semaphore(%arg21 : memref<!tpu.dma_semaphore, #tpu.memory_space<semaphore_mem>>)
      %dma_start3A_445 = arith.constant 2 : i32
      %dma_start3A_446 = arith.constant 16 : i32
      %dma_start3A_447 = arith.constant 0 : i32
      %dma_start3A_448 = tpu.memref_slice %arg17[%dma_start3A_446, %dma_start3A_447] : memref<32x128xf32, #tpu.memory_space<vmem>> -> memref<8x128xf32, #tpu.memory_space<vmem>>
      %dma_start3A_449 = arith.constant 0 : i32
      %dma_start3A_450 = arith.constant 0 : i32
      %dma_start3A_451 = tpu.memref_slice %arg7[%add3A_321, %dma_start3A_445, %add3A, %dma_start3A_449, %dma_start3A_450] : memref<100x4x32x8x128xf32, #tpu.memory_space<hbm>> -> memref<1x1x1x8x128xf32, #tpu.memory_space<hbm>>
      %dma_start3A_452 = tpu.memref_squeeze %dma_start3A_451 : memref<1x1x1x8x128xf32, #tpu.memory_space<hbm>> -> memref<8x128xf32, #tpu.memory_space<hbm>>
      %dma_start3A_453 = arith.constant 0 : i32
      %dma_start3A_454 = arith.constant 0 : i32
      %dma_start3A_455 = tpu.memref_slice %arg7[%add3A_321, %dma_start3A_445, %add3A, %dma_start3A_453, %dma_start3A_454] : memref<100x4x32x8x128xf32, #tpu.memory_space<hbm>> -> memref<1x1x1x8x128xf32, #tpu.memory_space<hbm>>
      %dma_start3A_456 = tpu.memref_squeeze %dma_start3A_455 : memref<1x1x1x8x128xf32, #tpu.memory_space<hbm>> -> memref<8x128xf32, #tpu.memory_space<hbm>>
      %dma_start3A_457 = arith.constant 16 : i32
      %dma_start3A_458 = arith.constant 0 : i32
      %dma_start3A_459 = tpu.memref_slice %arg17[%dma_start3A_457, %dma_start3A_458] : memref<32x128xf32, #tpu.memory_space<vmem>> -> memref<8x128xf32, #tpu.memory_space<vmem>>
      tpu.enqueue_dma source(%dma_start3A_459 : memref<8x128xf32, #tpu.memory_space<vmem>>) target(%dma_start3A_456 : memref<8x128xf32, #tpu.memory_space<hbm>>) target_semaphore(%arg21 : memref<!tpu.dma_semaphore, #tpu.memory_space<semaphore_mem>>)
      %dma_start3A_460 = arith.constant 3 : i32
      %dma_start3A_461 = arith.constant 24 : i32
      %dma_start3A_462 = arith.constant 0 : i32
      %dma_start3A_463 = tpu.memref_slice %arg17[%dma_start3A_461, %dma_start3A_462] : memref<32x128xf32, #tpu.memory_space<vmem>> -> memref<8x128xf32, #tpu.memory_space<vmem>>
      %dma_start3A_464 = arith.constant 0 : i32
      %dma_start3A_465 = arith.constant 0 : i32
      %dma_start3A_466 = tpu.memref_slice %arg7[%add3A_321, %dma_start3A_460, %add3A, %dma_start3A_464, %dma_start3A_465] : memref<100x4x32x8x128xf32, #tpu.memory_space<hbm>> -> memref<1x1x1x8x128xf32, #tpu.memory_space<hbm>>
      %dma_start3A_467 = tpu.memref_squeeze %dma_start3A_466 : memref<1x1x1x8x128xf32, #tpu.memory_space<hbm>> -> memref<8x128xf32, #tpu.memory_space<hbm>>
      %dma_start3A_468 = arith.constant 0 : i32
      %dma_start3A_469 = arith.constant 0 : i32
      %dma_start3A_470 = tpu.memref_slice %arg7[%add3A_321, %dma_start3A_460, %add3A, %dma_start3A_468, %dma_start3A_469] : memref<100x4x32x8x128xf32, #tpu.memory_space<hbm>> -> memref<1x1x1x8x128xf32, #tpu.memory_space<hbm>>
      %dma_start3A_471 = tpu.memref_squeeze %dma_start3A_470 : memref<1x1x1x8x128xf32, #tpu.memory_space<hbm>> -> memref<8x128xf32, #tpu.memory_space<hbm>>
      %dma_start3A_472 = arith.constant 24 : i32
      %dma_start3A_473 = arith.constant 0 : i32
      %dma_start3A_474 = tpu.memref_slice %arg17[%dma_start3A_472, %dma_start3A_473] : memref<32x128xf32, #tpu.memory_space<vmem>> -> memref<8x128xf32, #tpu.memory_space<vmem>>
      tpu.enqueue_dma source(%dma_start3A_474 : memref<8x128xf32, #tpu.memory_space<vmem>>) target(%dma_start3A_471 : memref<8x128xf32, #tpu.memory_space<hbm>>) target_semaphore(%arg21 : memref<!tpu.dma_semaphore, #tpu.memory_space<semaphore_mem>>)
      %lt3A_475 = arith.constant 49 : i32
      %lt3A_476 = arith.cmpi slt, %scan3A_162, %lt3A_475 : i32
      %convert_element_type3A_477 = arith.extui %lt3A_476 : i1 to i32
      %cond3A_478 = arith.constant 0 : i32
      %cond3A_479 = arith.cmpi ne, %convert_element_type3A_477, %cond3A_478 : i32
      scf.if %cond3A_479 {
        %add3A_480 = arith.constant 2 : i32
        %add3A_481 = arith.addi %add3A_321, %add3A_480 : i32
        %dma_start3A_482 = arith.constant 0 : i32
        %dma_start3A_483 = tpu.memref_slice %arg8[%add3A_481, %dma_start3A_482] : memref<100x128xi32, #tpu.memory_space<vmem>> -> memref<1x128xi32, #tpu.memory_space<vmem>>
        %dma_start3A_484 = tpu.memref_squeeze %dma_start3A_483 : memref<1x128xi32, #tpu.memory_space<vmem>> -> memref<128xi32, #tpu.memory_space<vmem>>
        %dma_start3A_485 = arith.constant 0 : i32
        %dma_start3A_486 = arith.constant 0 : i32
        %dma_start3A_487 = tpu.memref_slice %arg6[%dma_start3A_485, %dma_start3A_486] : memref<1003520x32xf32, #tpu.memory_space<hbm>> -> memref<1003520x32xf32, #tpu.memory_space<hbm>>
        tpu.enqueue_indirect_dma source(%dma_start3A_487 : memref<1003520x32xf32, #tpu.memory_space<hbm>>) target(%arg13 : memref<128x32xf32, #tpu.memory_space<vmem>>) offsets(%dma_start3A_484 : memref<128xi32, #tpu.memory_space<vmem>>) semaphore(%arg19 : memref<!tpu.dma_semaphore, #tpu.memory_space<semaphore_mem>>)
        %dma_start3A_488 = arith.constant 0 : i32
        %dma_start3A_489 = tpu.memref_slice %arg9[%add3A_481, %dma_start3A_488] : memref<100x128xi32, #tpu.memory_space<vmem>> -> memref<1x128xi32, #tpu.memory_space<vmem>>
        %dma_start3A_490 = tpu.memref_squeeze %dma_start3A_489 : memref<1x128xi32, #tpu.memory_space<vmem>> -> memref<128xi32, #tpu.memory_space<vmem>>
        %dma_start3A_491 = arith.constant 0 : i32
        %dma_start3A_492 = arith.constant 0 : i32
        %dma_start3A_493 = tpu.memref_slice %arg6[%dma_start3A_491, %dma_start3A_492] : memref<1003520x32xf32, #tpu.memory_space<hbm>> -> memref<1003520x32xf32, #tpu.memory_space<hbm>>
        tpu.enqueue_indirect_dma source(%dma_start3A_493 : memref<1003520x32xf32, #tpu.memory_space<hbm>>) target(%arg15 : memref<128x32xf32, #tpu.memory_space<vmem>>) offsets(%dma_start3A_490 : memref<128xi32, #tpu.memory_space<vmem>>) semaphore(%arg19 : memref<!tpu.dma_semaphore, #tpu.memory_space<semaphore_mem>>)
      } else {
      }
    }
    %scan3A_34 = arith.constant 50 : i32
    %dma_wait3A = arith.constant 98 : i32
    %dma_wait3A_35 = arith.constant 0 : i32
    %dma_wait3A_36 = arith.constant 0 : i32
    %dma_wait3A_37 = arith.constant 0 : i32
    %dma_wait3A_38 = tpu.memref_slice %arg16[%dma_wait3A_36, %dma_wait3A_37] : memref<32x128xf32, #tpu.memory_space<vmem>> -> memref<8x128xf32, #tpu.memory_space<vmem>>
    %dma_wait3A_39 = arith.constant 0 : i32
    %dma_wait3A_40 = arith.constant 0 : i32
    %dma_wait3A_41 = tpu.memref_slice %arg7[%dma_wait3A, %dma_wait3A_35, %add3A, %dma_wait3A_39, %dma_wait3A_40] : memref<100x4x32x8x128xf32, #tpu.memory_space<hbm>> -> memref<1x1x1x8x128xf32, #tpu.memory_space<hbm>>
    %dma_wait3A_42 = tpu.memref_squeeze %dma_wait3A_41 : memref<1x1x1x8x128xf32, #tpu.memory_space<hbm>> -> memref<8x128xf32, #tpu.memory_space<hbm>>
    %dma_wait3A_43 = arith.constant 0 : i32
    %dma_wait3A_44 = arith.constant 0 : i32
    %dma_wait3A_45 = tpu.memref_slice %arg7[%dma_wait3A, %dma_wait3A_35, %add3A, %dma_wait3A_43, %dma_wait3A_44] : memref<100x4x32x8x128xf32, #tpu.memory_space<hbm>> -> memref<1x1x1x8x128xf32, #tpu.memory_space<hbm>>
    %dma_wait3A_46 = tpu.memref_squeeze %dma_wait3A_45 : memref<1x1x1x8x128xf32, #tpu.memory_space<hbm>> -> memref<8x128xf32, #tpu.memory_space<hbm>>
    %dma_wait3A_47 = arith.constant 0 : i32
    %dma_wait3A_48 = arith.constant 0 : i32
    %dma_wait3A_49 = tpu.memref_slice %arg16[%dma_wait3A_47, %dma_wait3A_48] : memref<32x128xf32, #tpu.memory_space<vmem>> -> memref<8x128xf32, #tpu.memory_space<vmem>>
    tpu.wait_dma2 semaphore(%arg20 : memref<!tpu.dma_semaphore, #tpu.memory_space<semaphore_mem>>) src(%dma_wait3A_49 : memref<8x128xf32, #tpu.memory_space<vmem>>) dst(%dma_wait3A_46 : memref<8x128xf32, #tpu.memory_space<hbm>>)
    %dma_wait3A_50 = arith.constant 98 : i32
    %dma_wait3A_51 = arith.constant 1 : i32
    %dma_wait3A_52 = arith.constant 8 : i32
    %dma_wait3A_53 = arith.constant 0 : i32
    %dma_wait3A_54 = tpu.memref_slice %arg16[%dma_wait3A_52, %dma_wait3A_53] : memref<32x128xf32, #tpu.memory_space<vmem>> -> memref<8x128xf32, #tpu.memory_space<vmem>>
    %dma_wait3A_55 = arith.constant 0 : i32
    %dma_wait3A_56 = arith.constant 0 : i32
    %dma_wait3A_57 = tpu.memref_slice %arg7[%dma_wait3A_50, %dma_wait3A_51, %add3A, %dma_wait3A_55, %dma_wait3A_56] : memref<100x4x32x8x128xf32, #tpu.memory_space<hbm>> -> memref<1x1x1x8x128xf32, #tpu.memory_space<hbm>>
    %dma_wait3A_58 = tpu.memref_squeeze %dma_wait3A_57 : memref<1x1x1x8x128xf32, #tpu.memory_space<hbm>> -> memref<8x128xf32, #tpu.memory_space<hbm>>
    %dma_wait3A_59 = arith.constant 0 : i32
    %dma_wait3A_60 = arith.constant 0 : i32
    %dma_wait3A_61 = tpu.memref_slice %arg7[%dma_wait3A_50, %dma_wait3A_51, %add3A, %dma_wait3A_59, %dma_wait3A_60] : memref<100x4x32x8x128xf32, #tpu.memory_space<hbm>> -> memref<1x1x1x8x128xf32, #tpu.memory_space<hbm>>
    %dma_wait3A_62 = tpu.memref_squeeze %dma_wait3A_61 : memref<1x1x1x8x128xf32, #tpu.memory_space<hbm>> -> memref<8x128xf32, #tpu.memory_space<hbm>>
    %dma_wait3A_63 = arith.constant 8 : i32
    %dma_wait3A_64 = arith.constant 0 : i32
    %dma_wait3A_65 = tpu.memref_slice %arg16[%dma_wait3A_63, %dma_wait3A_64] : memref<32x128xf32, #tpu.memory_space<vmem>> -> memref<8x128xf32, #tpu.memory_space<vmem>>
    tpu.wait_dma2 semaphore(%arg20 : memref<!tpu.dma_semaphore, #tpu.memory_space<semaphore_mem>>) src(%dma_wait3A_65 : memref<8x128xf32, #tpu.memory_space<vmem>>) dst(%dma_wait3A_62 : memref<8x128xf32, #tpu.memory_space<hbm>>)
    %dma_wait3A_66 = arith.constant 98 : i32
    %dma_wait3A_67 = arith.constant 2 : i32
    %dma_wait3A_68 = arith.constant 16 : i32
    %dma_wait3A_69 = arith.constant 0 : i32
    %dma_wait3A_70 = tpu.memref_slice %arg16[%dma_wait3A_68, %dma_wait3A_69] : memref<32x128xf32, #tpu.memory_space<vmem>> -> memref<8x128xf32, #tpu.memory_space<vmem>>
    %dma_wait3A_71 = arith.constant 0 : i32
    %dma_wait3A_72 = arith.constant 0 : i32
    %dma_wait3A_73 = tpu.memref_slice %arg7[%dma_wait3A_66, %dma_wait3A_67, %add3A, %dma_wait3A_71, %dma_wait3A_72] : memref<100x4x32x8x128xf32, #tpu.memory_space<hbm>> -> memref<1x1x1x8x128xf32, #tpu.memory_space<hbm>>
    %dma_wait3A_74 = tpu.memref_squeeze %dma_wait3A_73 : memref<1x1x1x8x128xf32, #tpu.memory_space<hbm>> -> memref<8x128xf32, #tpu.memory_space<hbm>>
    %dma_wait3A_75 = arith.constant 0 : i32
    %dma_wait3A_76 = arith.constant 0 : i32
    %dma_wait3A_77 = tpu.memref_slice %arg7[%dma_wait3A_66, %dma_wait3A_67, %add3A, %dma_wait3A_75, %dma_wait3A_76] : memref<100x4x32x8x128xf32, #tpu.memory_space<hbm>> -> memref<1x1x1x8x128xf32, #tpu.memory_space<hbm>>
    %dma_wait3A_78 = tpu.memref_squeeze %dma_wait3A_77 : memref<1x1x1x8x128xf32, #tpu.memory_space<hbm>> -> memref<8x128xf32, #tpu.memory_space<hbm>>
    %dma_wait3A_79 = arith.constant 16 : i32
    %dma_wait3A_80 = arith.constant 0 : i32
    %dma_wait3A_81 = tpu.memref_slice %arg16[%dma_wait3A_79, %dma_wait3A_80] : memref<32x128xf32, #tpu.memory_space<vmem>> -> memref<8x128xf32, #tpu.memory_space<vmem>>
    tpu.wait_dma2 semaphore(%arg20 : memref<!tpu.dma_semaphore, #tpu.memory_space<semaphore_mem>>) src(%dma_wait3A_81 : memref<8x128xf32, #tpu.memory_space<vmem>>) dst(%dma_wait3A_78 : memref<8x128xf32, #tpu.memory_space<hbm>>)
    %dma_wait3A_82 = arith.constant 98 : i32
    %dma_wait3A_83 = arith.constant 3 : i32
    %dma_wait3A_84 = arith.constant 24 : i32
    %dma_wait3A_85 = arith.constant 0 : i32
    %dma_wait3A_86 = tpu.memref_slice %arg16[%dma_wait3A_84, %dma_wait3A_85] : memref<32x128xf32, #tpu.memory_space<vmem>> -> memref<8x128xf32, #tpu.memory_space<vmem>>
    %dma_wait3A_87 = arith.constant 0 : i32
    %dma_wait3A_88 = arith.constant 0 : i32
    %dma_wait3A_89 = tpu.memref_slice %arg7[%dma_wait3A_82, %dma_wait3A_83, %add3A, %dma_wait3A_87, %dma_wait3A_88] : memref<100x4x32x8x128xf32, #tpu.memory_space<hbm>> -> memref<1x1x1x8x128xf32, #tpu.memory_space<hbm>>
    %dma_wait3A_90 = tpu.memref_squeeze %dma_wait3A_89 : memref<1x1x1x8x128xf32, #tpu.memory_space<hbm>> -> memref<8x128xf32, #tpu.memory_space<hbm>>
    %dma_wait3A_91 = arith.constant 0 : i32
    %dma_wait3A_92 = arith.constant 0 : i32
    %dma_wait3A_93 = tpu.memref_slice %arg7[%dma_wait3A_82, %dma_wait3A_83, %add3A, %dma_wait3A_91, %dma_wait3A_92] : memref<100x4x32x8x128xf32, #tpu.memory_space<hbm>> -> memref<1x1x1x8x128xf32, #tpu.memory_space<hbm>>
    %dma_wait3A_94 = tpu.memref_squeeze %dma_wait3A_93 : memref<1x1x1x8x128xf32, #tpu.memory_space<hbm>> -> memref<8x128xf32, #tpu.memory_space<hbm>>
    %dma_wait3A_95 = arith.constant 24 : i32
    %dma_wait3A_96 = arith.constant 0 : i32
    %dma_wait3A_97 = tpu.memref_slice %arg16[%dma_wait3A_95, %dma_wait3A_96] : memref<32x128xf32, #tpu.memory_space<vmem>> -> memref<8x128xf32, #tpu.memory_space<vmem>>
    tpu.wait_dma2 semaphore(%arg20 : memref<!tpu.dma_semaphore, #tpu.memory_space<semaphore_mem>>) src(%dma_wait3A_97 : memref<8x128xf32, #tpu.memory_space<vmem>>) dst(%dma_wait3A_94 : memref<8x128xf32, #tpu.memory_space<hbm>>)
    %dma_wait3A_98 = arith.constant 99 : i32
    %dma_wait3A_99 = arith.constant 0 : i32
    %dma_wait3A_100 = arith.constant 0 : i32
    %dma_wait3A_101 = arith.constant 0 : i32
    %dma_wait3A_102 = tpu.memref_slice %arg17[%dma_wait3A_100, %dma_wait3A_101] : memref<32x128xf32, #tpu.memory_space<vmem>> -> memref<8x128xf32, #tpu.memory_space<vmem>>
    %dma_wait3A_103 = arith.constant 0 : i32
    %dma_wait3A_104 = arith.constant 0 : i32
    %dma_wait3A_105 = tpu.memref_slice %arg7[%dma_wait3A_98, %dma_wait3A_99, %add3A, %dma_wait3A_103, %dma_wait3A_104] : memref<100x4x32x8x128xf32, #tpu.memory_space<hbm>> -> memref<1x1x1x8x128xf32, #tpu.memory_space<hbm>>
    %dma_wait3A_106 = tpu.memref_squeeze %dma_wait3A_105 : memref<1x1x1x8x128xf32, #tpu.memory_space<hbm>> -> memref<8x128xf32, #tpu.memory_space<hbm>>
    %dma_wait3A_107 = arith.constant 0 : i32
    %dma_wait3A_108 = arith.constant 0 : i32
    %dma_wait3A_109 = tpu.memref_slice %arg7[%dma_wait3A_98, %dma_wait3A_99, %add3A, %dma_wait3A_107, %dma_wait3A_108] : memref<100x4x32x8x128xf32, #tpu.memory_space<hbm>> -> memref<1x1x1x8x128xf32, #tpu.memory_space<hbm>>
    %dma_wait3A_110 = tpu.memref_squeeze %dma_wait3A_109 : memref<1x1x1x8x128xf32, #tpu.memory_space<hbm>> -> memref<8x128xf32, #tpu.memory_space<hbm>>
    %dma_wait3A_111 = arith.constant 0 : i32
    %dma_wait3A_112 = arith.constant 0 : i32
    %dma_wait3A_113 = tpu.memref_slice %arg17[%dma_wait3A_111, %dma_wait3A_112] : memref<32x128xf32, #tpu.memory_space<vmem>> -> memref<8x128xf32, #tpu.memory_space<vmem>>
    tpu.wait_dma2 semaphore(%arg21 : memref<!tpu.dma_semaphore, #tpu.memory_space<semaphore_mem>>) src(%dma_wait3A_113 : memref<8x128xf32, #tpu.memory_space<vmem>>) dst(%dma_wait3A_110 : memref<8x128xf32, #tpu.memory_space<hbm>>)
    %dma_wait3A_114 = arith.constant 99 : i32
    %dma_wait3A_115 = arith.constant 1 : i32
    %dma_wait3A_116 = arith.constant 8 : i32
    %dma_wait3A_117 = arith.constant 0 : i32
    %dma_wait3A_118 = tpu.memref_slice %arg17[%dma_wait3A_116, %dma_wait3A_117] : memref<32x128xf32, #tpu.memory_space<vmem>> -> memref<8x128xf32, #tpu.memory_space<vmem>>
    %dma_wait3A_119 = arith.constant 0 : i32
    %dma_wait3A_120 = arith.constant 0 : i32
    %dma_wait3A_121 = tpu.memref_slice %arg7[%dma_wait3A_114, %dma_wait3A_115, %add3A, %dma_wait3A_119, %dma_wait3A_120] : memref<100x4x32x8x128xf32, #tpu.memory_space<hbm>> -> memref<1x1x1x8x128xf32, #tpu.memory_space<hbm>>
    %dma_wait3A_122 = tpu.memref_squeeze %dma_wait3A_121 : memref<1x1x1x8x128xf32, #tpu.memory_space<hbm>> -> memref<8x128xf32, #tpu.memory_space<hbm>>
    %dma_wait3A_123 = arith.constant 0 : i32
    %dma_wait3A_124 = arith.constant 0 : i32
    %dma_wait3A_125 = tpu.memref_slice %arg7[%dma_wait3A_114, %dma_wait3A_115, %add3A, %dma_wait3A_123, %dma_wait3A_124] : memref<100x4x32x8x128xf32, #tpu.memory_space<hbm>> -> memref<1x1x1x8x128xf32, #tpu.memory_space<hbm>>
    %dma_wait3A_126 = tpu.memref_squeeze %dma_wait3A_125 : memref<1x1x1x8x128xf32, #tpu.memory_space<hbm>> -> memref<8x128xf32, #tpu.memory_space<hbm>>
    %dma_wait3A_127 = arith.constant 8 : i32
    %dma_wait3A_128 = arith.constant 0 : i32
    %dma_wait3A_129 = tpu.memref_slice %arg17[%dma_wait3A_127, %dma_wait3A_128] : memref<32x128xf32, #tpu.memory_space<vmem>> -> memref<8x128xf32, #tpu.memory_space<vmem>>
    tpu.wait_dma2 semaphore(%arg21 : memref<!tpu.dma_semaphore, #tpu.memory_space<semaphore_mem>>) src(%dma_wait3A_129 : memref<8x128xf32, #tpu.memory_space<vmem>>) dst(%dma_wait3A_126 : memref<8x128xf32, #tpu.memory_space<hbm>>)
    %dma_wait3A_130 = arith.constant 99 : i32
    %dma_wait3A_131 = arith.constant 2 : i32
    %dma_wait3A_132 = arith.constant 16 : i32
    %dma_wait3A_133 = arith.constant 0 : i32
    %dma_wait3A_134 = tpu.memref_slice %arg17[%dma_wait3A_132, %dma_wait3A_133] : memref<32x128xf32, #tpu.memory_space<vmem>> -> memref<8x128xf32, #tpu.memory_space<vmem>>
    %dma_wait3A_135 = arith.constant 0 : i32
    %dma_wait3A_136 = arith.constant 0 : i32
    %dma_wait3A_137 = tpu.memref_slice %arg7[%dma_wait3A_130, %dma_wait3A_131, %add3A, %dma_wait3A_135, %dma_wait3A_136] : memref<100x4x32x8x128xf32, #tpu.memory_space<hbm>> -> memref<1x1x1x8x128xf32, #tpu.memory_space<hbm>>
    %dma_wait3A_138 = tpu.memref_squeeze %dma_wait3A_137 : memref<1x1x1x8x128xf32, #tpu.memory_space<hbm>> -> memref<8x128xf32, #tpu.memory_space<hbm>>
    %dma_wait3A_139 = arith.constant 0 : i32
    %dma_wait3A_140 = arith.constant 0 : i32
    %dma_wait3A_141 = tpu.memref_slice %arg7[%dma_wait3A_130, %dma_wait3A_131, %add3A, %dma_wait3A_139, %dma_wait3A_140] : memref<100x4x32x8x128xf32, #tpu.memory_space<hbm>> -> memref<1x1x1x8x128xf32, #tpu.memory_space<hbm>>
    %dma_wait3A_142 = tpu.memref_squeeze %dma_wait3A_141 : memref<1x1x1x8x128xf32, #tpu.memory_space<hbm>> -> memref<8x128xf32, #tpu.memory_space<hbm>>
    %dma_wait3A_143 = arith.constant 16 : i32
    %dma_wait3A_144 = arith.constant 0 : i32
    %dma_wait3A_145 = tpu.memref_slice %arg17[%dma_wait3A_143, %dma_wait3A_144] : memref<32x128xf32, #tpu.memory_space<vmem>> -> memref<8x128xf32, #tpu.memory_space<vmem>>
    tpu.wait_dma2 semaphore(%arg21 : memref<!tpu.dma_semaphore, #tpu.memory_space<semaphore_mem>>) src(%dma_wait3A_145 : memref<8x128xf32, #tpu.memory_space<vmem>>) dst(%dma_wait3A_142 : memref<8x128xf32, #tpu.memory_space<hbm>>)
    %dma_wait3A_146 = arith.constant 99 : i32
    %dma_wait3A_147 = arith.constant 3 : i32
    %dma_wait3A_148 = arith.constant 24 : i32
    %dma_wait3A_149 = arith.constant 0 : i32
    %dma_wait3A_150 = tpu.memref_slice %arg17[%dma_wait3A_148, %dma_wait3A_149] : memref<32x128xf32, #tpu.memory_space<vmem>> -> memref<8x128xf32, #tpu.memory_space<vmem>>
    %dma_wait3A_151 = arith.constant 0 : i32
    %dma_wait3A_152 = arith.constant 0 : i32
    %dma_wait3A_153 = tpu.memref_slice %arg7[%dma_wait3A_146, %dma_wait3A_147, %add3A, %dma_wait3A_151, %dma_wait3A_152] : memref<100x4x32x8x128xf32, #tpu.memory_space<hbm>> -> memref<1x1x1x8x128xf32, #tpu.memory_space<hbm>>
    %dma_wait3A_154 = tpu.memref_squeeze %dma_wait3A_153 : memref<1x1x1x8x128xf32, #tpu.memory_space<hbm>> -> memref<8x128xf32, #tpu.memory_space<hbm>>
    %dma_wait3A_155 = arith.constant 0 : i32
    %dma_wait3A_156 = arith.constant 0 : i32
    %dma_wait3A_157 = tpu.memref_slice %arg7[%dma_wait3A_146, %dma_wait3A_147, %add3A, %dma_wait3A_155, %dma_wait3A_156] : memref<100x4x32x8x128xf32, #tpu.memory_space<hbm>> -> memref<1x1x1x8x128xf32, #tpu.memory_space<hbm>>
    %dma_wait3A_158 = tpu.memref_squeeze %dma_wait3A_157 : memref<1x1x1x8x128xf32, #tpu.memory_space<hbm>> -> memref<8x128xf32, #tpu.memory_space<hbm>>
    %dma_wait3A_159 = arith.constant 24 : i32
    %dma_wait3A_160 = arith.constant 0 : i32
    %dma_wait3A_161 = tpu.memref_slice %arg17[%dma_wait3A_159, %dma_wait3A_160] : memref<32x128xf32, #tpu.memory_space<vmem>> -> memref<8x128xf32, #tpu.memory_space<vmem>>
    tpu.wait_dma2 semaphore(%arg21 : memref<!tpu.dma_semaphore, #tpu.memory_space<semaphore_mem>>) src(%dma_wait3A_161 : memref<8x128xf32, #tpu.memory_space<vmem>>) dst(%dma_wait3A_158 : memref<8x128xf32, #tpu.memory_space<hbm>>)
    return
  }
}

module attributes {stable_mosaic.version = 14 : i64} {
  func.func @_prelude_body(%arg0: memref<100x4096xf32, #tpu.memory_space<vmem>>, %arg1: memref<100x1xf32, #tpu.memory_space<vmem>>, %arg2: memref<100x1xf32, #tpu.memory_space<vmem>>, %arg3: memref<104x4096xi32, #tpu.memory_space<vmem>>, %arg4: memref<104x4096xi32, #tpu.memory_space<vmem>>, %arg5: memref<104x4096xf32, #tpu.memory_space<vmem>>, %arg6: memref<104x4096xf32, #tpu.memory_space<vmem>>) attributes {dimension_semantics = [], scalar_prefetch = 0 : i64, scratch_operands = 0 : i64, tpu.core_type = #tpu.core_type<tc>} {
    %get3A = arith.constant 0 : index
    %get3A_0 = arith.constant 0 : index
    %get3A_1 = vector.load %arg0[%get3A, %get3A_0] : memref<100x4096xf32, #tpu.memory_space<vmem>>, vector<100x4096xf32>
    %reduce_sum3A = arith.constant dense<0.000000e+00> : vector<100xf32>
    %reduce_sum3A_2 = vector.multi_reduction <add>, %get3A_1, %reduce_sum3A [1] : vector<100x4096xf32> to vector<100xf32>
    %broadcast_in_dim3A = vector.shape_cast %reduce_sum3A_2 : vector<100xf32> to vector<100x1xf32>
    %div3A = arith.constant 4.096000e+03 : f32
    %div3A_3 = vector.broadcast %div3A : f32 to vector<100x1xf32>
    %div3A_4 = arith.divf %broadcast_in_dim3A, %div3A_3 : vector<100x1xf32>
    %sub3A = vector.broadcast %div3A_4 : vector<100x1xf32> to vector<100x4096xf32>
    %sub3A_5 = arith.subf %get3A_1, %sub3A : vector<100x4096xf32>
    %integer_pow3A = arith.mulf %sub3A_5, %sub3A_5 : vector<100x4096xf32>
    %reduce_sum3A_6 = arith.constant dense<0.000000e+00> : vector<100xf32>
    %reduce_sum3A_7 = vector.multi_reduction <add>, %integer_pow3A, %reduce_sum3A_6 [1] : vector<100x4096xf32> to vector<100xf32>
    %broadcast_in_dim3A_8 = vector.shape_cast %reduce_sum3A_7 : vector<100xf32> to vector<100x1xf32>
    %div3A_9 = arith.constant 4.096000e+03 : f32
    %div3A_10 = vector.broadcast %div3A_9 : f32 to vector<100x1xf32>
    %div3A_11 = arith.divf %broadcast_in_dim3A_8, %div3A_10 : vector<100x1xf32>
    %sub3A_12 = vector.broadcast %div3A_4 : vector<100x1xf32> to vector<100x4096xf32>
    %sub3A_13 = arith.subf %get3A_1, %sub3A_12 : vector<100x4096xf32>
    %add3A = arith.constant 9.99999974E-6 : f32
    %add3A_14 = vector.broadcast %add3A : f32 to vector<100x1xf32>
    %add3A_15 = arith.addf %div3A_11, %add3A_14 : vector<100x1xf32>
    %sqrt3A = math.sqrt %add3A_15 : vector<100x1xf32>
    %div3A_16 = vector.broadcast %sqrt3A : vector<100x1xf32> to vector<100x4096xf32>
    %div3A_17 = arith.divf %sub3A_13, %div3A_16 : vector<100x4096xf32>
    %get3A_18 = arith.constant 0 : index
    %get3A_19 = arith.constant 0 : index
    %get3A_20 = vector.load %arg1[%get3A_18, %get3A_19] : memref<100x1xf32, #tpu.memory_space<vmem>>, vector<100x1xf32>
    %mul3A = vector.broadcast %get3A_20 : vector<100x1xf32> to vector<100x4096xf32>
    %mul3A_21 = arith.mulf %div3A_17, %mul3A : vector<100x4096xf32>
    %get3A_22 = arith.constant 0 : index
    %get3A_23 = arith.constant 0 : index
    %get3A_24 = vector.load %arg2[%get3A_22, %get3A_23] : memref<100x1xf32, #tpu.memory_space<vmem>>, vector<100x1xf32>
    %add3A_25 = vector.broadcast %get3A_24 : vector<100x1xf32> to vector<100x4096xf32>
    %add3A_26 = arith.addf %mul3A_21, %add3A_25 : vector<100x4096xf32>
    %tanh3A = math.tanh %add3A_26 : vector<100x4096xf32>
    %jit3A = arith.constant -0.999989986 : f32
    %jit3A_27 = arith.constant 0.999989986 : f32
    %max3A = vector.broadcast %jit3A : f32 to vector<100x4096xf32>
    %max3A_28 = arith.maximumf %max3A, %tanh3A : vector<100x4096xf32>
    %min3A = vector.broadcast %jit3A_27 : f32 to vector<100x4096xf32>
    %min3A_29 = arith.minimumf %min3A, %max3A_28 : vector<100x4096xf32>
    %iota3A = tpu.iota {dimensions = array<i32: 0>} : vector<100x4096xi32>
    %mul3A_30 = arith.constant 5.000000e+03 : f32
    %mul3A_31 = vector.broadcast %mul3A_30 : f32 to vector<100x4096xf32>
    %mul3A_32 = arith.mulf %min3A_29, %mul3A_31 : vector<100x4096xf32>
    %floor3A = math.floor %mul3A_32 : vector<100x4096xf32>
    %mul3A_33 = arith.constant 5.000000e+03 : f32
    %mul3A_34 = vector.broadcast %mul3A_33 : f32 to vector<100x4096xf32>
    %mul3A_35 = arith.mulf %min3A_29, %mul3A_34 : vector<100x4096xf32>
    %add3A_36 = arith.constant 1.000000e+00 : f32
    %add3A_37 = vector.broadcast %add3A_36 : f32 to vector<100x4096xf32>
    %add3A_38 = arith.addf %mul3A_35, %add3A_37 : vector<100x4096xf32>
    %floor3A_39 = math.floor %add3A_38 : vector<100x4096xf32>
    %convert_element_type3A = arith.fptosi %floor3A : vector<100x4096xf32> to vector<100x4096xi32>
    %add3A_40 = arith.constant 5000 : i32
    %add3A_41 = vector.broadcast %add3A_40 : i32 to vector<100x4096xi32>
    %add3A_42 = arith.addi %convert_element_type3A, %add3A_41 : vector<100x4096xi32>
    %mul3A_43 = arith.constant 100 : i32
    %mul3A_44 = vector.broadcast %mul3A_43 : i32 to vector<100x4096xi32>
    %mul3A_45 = arith.muli %mul3A_44, %add3A_42 : vector<100x4096xi32>
    %add3A_46 = arith.addi %mul3A_45, %iota3A : vector<100x4096xi32>
    %shift_right_arithmetic3A = arith.constant 12 : i32
    %shift_right_arithmetic3A_47 = vector.broadcast %shift_right_arithmetic3A : i32 to vector<100x4096xi32>
    %shift_right_arithmetic3A_48 = arith.shrsi %add3A_46, %shift_right_arithmetic3A_47 : vector<100x4096xi32>
    %mul3A_49 = arith.constant 4096 : i32
    %mul3A_50 = vector.broadcast %mul3A_49 : i32 to vector<100x4096xi32>
    %mul3A_51 = arith.muli %shift_right_arithmetic3A_48, %mul3A_50 : vector<100x4096xi32>
    %and3A = arith.constant 1023 : i32
    %and3A_52 = vector.broadcast %and3A : i32 to vector<100x4096xi32>
    %and3A_53 = arith.andi %add3A_46, %and3A_52 : vector<100x4096xi32>
    %mul3A_54 = arith.constant 4 : i32
    %mul3A_55 = vector.broadcast %mul3A_54 : i32 to vector<100x4096xi32>
    %mul3A_56 = arith.muli %and3A_53, %mul3A_55 : vector<100x4096xi32>
    %add3A_57 = arith.addi %mul3A_51, %mul3A_56 : vector<100x4096xi32>
    %shift_right_arithmetic3A_58 = arith.constant 10 : i32
    %shift_right_arithmetic3A_59 = vector.broadcast %shift_right_arithmetic3A_58 : i32 to vector<100x4096xi32>
    %shift_right_arithmetic3A_60 = arith.shrsi %add3A_46, %shift_right_arithmetic3A_59 : vector<100x4096xi32>
    %and3A_61 = arith.constant 3 : i32
    %and3A_62 = vector.broadcast %and3A_61 : i32 to vector<100x4096xi32>
    %and3A_63 = arith.andi %shift_right_arithmetic3A_60, %and3A_62 : vector<100x4096xi32>
    %add3A_64 = arith.addi %add3A_57, %and3A_63 : vector<100x4096xi32>
    %convert_element_type3A_65 = arith.fptosi %floor3A_39 : vector<100x4096xf32> to vector<100x4096xi32>
    %add3A_66 = arith.constant 5000 : i32
    %add3A_67 = vector.broadcast %add3A_66 : i32 to vector<100x4096xi32>
    %add3A_68 = arith.addi %convert_element_type3A_65, %add3A_67 : vector<100x4096xi32>
    %mul3A_69 = arith.constant 100 : i32
    %mul3A_70 = vector.broadcast %mul3A_69 : i32 to vector<100x4096xi32>
    %mul3A_71 = arith.muli %mul3A_70, %add3A_68 : vector<100x4096xi32>
    %add3A_72 = arith.addi %mul3A_71, %iota3A : vector<100x4096xi32>
    %shift_right_arithmetic3A_73 = arith.constant 12 : i32
    %shift_right_arithmetic3A_74 = vector.broadcast %shift_right_arithmetic3A_73 : i32 to vector<100x4096xi32>
    %shift_right_arithmetic3A_75 = arith.shrsi %add3A_72, %shift_right_arithmetic3A_74 : vector<100x4096xi32>
    %mul3A_76 = arith.constant 4096 : i32
    %mul3A_77 = vector.broadcast %mul3A_76 : i32 to vector<100x4096xi32>
    %mul3A_78 = arith.muli %shift_right_arithmetic3A_75, %mul3A_77 : vector<100x4096xi32>
    %and3A_79 = arith.constant 1023 : i32
    %and3A_80 = vector.broadcast %and3A_79 : i32 to vector<100x4096xi32>
    %and3A_81 = arith.andi %add3A_72, %and3A_80 : vector<100x4096xi32>
    %mul3A_82 = arith.constant 4 : i32
    %mul3A_83 = vector.broadcast %mul3A_82 : i32 to vector<100x4096xi32>
    %mul3A_84 = arith.muli %and3A_81, %mul3A_83 : vector<100x4096xi32>
    %add3A_85 = arith.addi %mul3A_78, %mul3A_84 : vector<100x4096xi32>
    %shift_right_arithmetic3A_86 = arith.constant 10 : i32
    %shift_right_arithmetic3A_87 = vector.broadcast %shift_right_arithmetic3A_86 : i32 to vector<100x4096xi32>
    %shift_right_arithmetic3A_88 = arith.shrsi %add3A_72, %shift_right_arithmetic3A_87 : vector<100x4096xi32>
    %and3A_89 = arith.constant 3 : i32
    %and3A_90 = vector.broadcast %and3A_89 : i32 to vector<100x4096xi32>
    %and3A_91 = arith.andi %shift_right_arithmetic3A_88, %and3A_90 : vector<100x4096xi32>
    %add3A_92 = arith.addi %add3A_85, %and3A_91 : vector<100x4096xi32>
    %div3A_93 = arith.constant 5.000000e+03 : f32
    %div3A_94 = vector.broadcast %div3A_93 : f32 to vector<100x4096xf32>
    %div3A_95 = arith.divf %floor3A, %div3A_94 : vector<100x4096xf32>
    %sub3A_96 = arith.subf %min3A_29, %div3A_95 : vector<100x4096xf32>
    %div3A_97 = arith.constant 2.000000e-04 : f32
    %div3A_98 = vector.broadcast %div3A_97 : f32 to vector<100x4096xf32>
    %div3A_99 = arith.divf %sub3A_96, %div3A_98 : vector<100x4096xf32>
    %div3A_100 = arith.constant 5.000000e+03 : f32
    %div3A_101 = vector.broadcast %div3A_100 : f32 to vector<100x4096xf32>
    %div3A_102 = arith.divf %floor3A_39, %div3A_101 : vector<100x4096xf32>
    %sub3A_103 = arith.subf %div3A_102, %min3A_29 : vector<100x4096xf32>
    %div3A_104 = arith.constant 2.000000e-04 : f32
    %div3A_105 = vector.broadcast %div3A_104 : f32 to vector<100x4096xf32>
    %div3A_106 = arith.divf %sub3A_103, %div3A_105 : vector<100x4096xf32>
    %broadcast_in_dim3A_107 = arith.constant 0 : i32
    %broadcast_in_dim3A_108 = vector.broadcast %broadcast_in_dim3A_107 : i32 to vector<4x4096xi32>
    %broadcast_in_dim3A_109 = arith.constant 0.000000e+00 : f32
    %broadcast_in_dim3A_110 = vector.broadcast %broadcast_in_dim3A_109 : f32 to vector<4x4096xf32>
    %concatenate3A = tpu.concatenate %add3A_64, %broadcast_in_dim3A_108 in 0 : vector<100x4096xi32>, vector<4x4096xi32> -> vector<104x4096xi32>
    %swap3A = arith.constant 0 : index
    %swap3A_111 = arith.constant 0 : index
    %swap3A_112 = vector.load %arg3[%swap3A, %swap3A_111] : memref<104x4096xi32, #tpu.memory_space<vmem>>, vector<104x4096xi32>
    tpu.vector_store %arg3[%swap3A, %swap3A_111], %concatenate3A {strides = array<i32>} : memref<104x4096xi32, #tpu.memory_space<vmem>>, vector<104x4096xi32>,
    %concatenate3A_113 = tpu.concatenate %add3A_92, %broadcast_in_dim3A_108 in 0 : vector<100x4096xi32>, vector<4x4096xi32> -> vector<104x4096xi32>
    %swap3A_114 = arith.constant 0 : index
    %swap3A_115 = arith.constant 0 : index
    %swap3A_116 = vector.load %arg4[%swap3A_114, %swap3A_115] : memref<104x4096xi32, #tpu.memory_space<vmem>>, vector<104x4096xi32>
    tpu.vector_store %arg4[%swap3A_114, %swap3A_115], %concatenate3A_113 {strides = array<i32>} : memref<104x4096xi32, #tpu.memory_space<vmem>>, vector<104x4096xi32>,
    %concatenate3A_117 = tpu.concatenate %div3A_106, %broadcast_in_dim3A_110 in 0 : vector<100x4096xf32>, vector<4x4096xf32> -> vector<104x4096xf32>
    %swap3A_118 = arith.constant 0 : index
    %swap3A_119 = arith.constant 0 : index
    %swap3A_120 = vector.load %arg5[%swap3A_118, %swap3A_119] : memref<104x4096xf32, #tpu.memory_space<vmem>>, vector<104x4096xf32>
    tpu.vector_store %arg5[%swap3A_118, %swap3A_119], %concatenate3A_117 {strides = array<i32>} : memref<104x4096xf32, #tpu.memory_space<vmem>>, vector<104x4096xf32>,
    %concatenate3A_121 = tpu.concatenate %div3A_99, %broadcast_in_dim3A_110 in 0 : vector<100x4096xf32>, vector<4x4096xf32> -> vector<104x4096xf32>
    %swap3A_122 = arith.constant 0 : index
    %swap3A_123 = arith.constant 0 : index
    %swap3A_124 = vector.load %arg6[%swap3A_122, %swap3A_123] : memref<104x4096xf32, #tpu.memory_space<vmem>>, vector<104x4096xf32>
    tpu.vector_store %arg6[%swap3A_122, %swap3A_123], %concatenate3A_121 {strides = array<i32>} : memref<104x4096xf32, #tpu.memory_space<vmem>>, vector<104x4096xf32>,
    return
  }
}

module attributes {stable_mosaic.version = 14 : i64} {
  func.func @_convert_body(%arg0: i32, %arg1: memref<32x4096xf32, #tpu.memory_space<vmem>>, %arg2: memref<1024x128xf32, #tpu.memory_space<vmem>>) attributes {dimension_semantics = [#tpu.dimension_semantics<arbitrary>], iteration_bounds = array<i64: 245>, scalar_prefetch = 0 : i64, scratch_operands = 0 : i64, tpu.core_type = #tpu.core_type<tc>, window_params = [{transform_indices = @transform_0, window_bounds = array<i64: 32, 4096>}, {transform_indices = @transform_1, window_bounds = array<i64: 1024, 128>}]} {
    %get3A = arith.constant 0 : index
    %get3A_0 = arith.constant 0 : index
    %get3A_1 = vector.load %arg1[%get3A, %get3A_0] : memref<32x4096xf32, #tpu.memory_space<vmem>>, vector<32x4096xf32>
    %slice3A = vector.extract_strided_slice %get3A_1 {offsets = [0, 0], sizes = [32, 1024], strides = [1, 1]} : vector<32x4096xf32> to vector<32x1024xf32>
    %transpose3A = tpu.transpose %slice3A, [1, 0] : vector<32x1024xf32> -> vector<1024x32xf32>
    %slice3A_2 = vector.extract_strided_slice %get3A_1 {offsets = [0, 1024], sizes = [32, 1024], strides = [1, 1]} : vector<32x4096xf32> to vector<32x1024xf32>
    %transpose3A_3 = tpu.transpose %slice3A_2, [1, 0] : vector<32x1024xf32> -> vector<1024x32xf32>
    %slice3A_4 = vector.extract_strided_slice %get3A_1 {offsets = [0, 2048], sizes = [32, 1024], strides = [1, 1]} : vector<32x4096xf32> to vector<32x1024xf32>
    %transpose3A_5 = tpu.transpose %slice3A_4, [1, 0] : vector<32x1024xf32> -> vector<1024x32xf32>
    %slice3A_6 = vector.extract_strided_slice %get3A_1 {offsets = [0, 3072], sizes = [32, 1024], strides = [1, 1]} : vector<32x4096xf32> to vector<32x1024xf32>
    %transpose3A_7 = tpu.transpose %slice3A_6, [1, 0] : vector<32x1024xf32> -> vector<1024x32xf32>
    %concatenate3A = tpu.concatenate %transpose3A, %transpose3A_3, %transpose3A_5, %transpose3A_7 in 1 : vector<1024x32xf32>, vector<1024x32xf32>, vector<1024x32xf32>, vector<1024x32xf32> -> vector<1024x128xf32>
    %swap3A = arith.constant 0 : index
    %swap3A_8 = arith.constant 0 : index
    %swap3A_9 = vector.load %arg2[%swap3A, %swap3A_8] : memref<1024x128xf32, #tpu.memory_space<vmem>>, vector<1024x128xf32>
    tpu.vector_store %arg2[%swap3A, %swap3A_8], %concatenate3A {strides = array<i32>} : memref<1024x128xf32, #tpu.memory_space<vmem>>, vector<1024x128xf32>,
    return
  }
  func.func @transform_0(%arg0: i32) -> (i32, i32) {
    %c0_i32 = arith.constant 0 : i32
    %c0_i32_0 = arith.constant 0 : i32
    return %c0_i32, %arg0 : i32, i32
  }
  func.func @transform_1(%arg0: i32) -> (i32, i32) {
    %c0_i32 = arith.constant 0 : i32
    %c0_i32_0 = arith.constant 0 : i32
    return %arg0, %c0_i32 : i32, i32
  }
}

</mosaic_0001>

<sc_bundles>
// kernel: kernel.5.cloned.1.call-start
scs
__scs_entry_jumppad:
0x0: {  	(pc) =	sbr.rel $0x88, $3  }
0x1: {  	(tag) =	ssettag $0x0;
	lr =	simm.s32 $0x1  }
0x2: {  	[smem:$0x3F9D] =	sst lr;
	_ =	strace $0xD0000000  }
0x3: {  	_ = 	snop  }
0x4: {  	_ = 	snop  }
0x5: {  	_ = 	snop  }
0x6: {  	_ = 	snop  }
0x7: {  	_ = 	snop  }
__scs_overlays_trampoline_lowered:
0x8: {  	[smem:$0x3FAC] =	sst s0  }
0x9: {  	[smem:$0x3FAD] =	sst s1  }
0xa: {  	[smem:$0x3FAE] =	sst s2  }
0xb: {  	[smem:$0x3FAF] =	sst s3  }
0xc: {  	[smem:$0x3FB0] =	sst s4  }
0xd: {  	[smem:$0x3FB1] =	sst s5  }
0xe: {  	[smem:$0x3FB2] =	sst s6  }
0xf: {  	[smem:$0x3FB3] =	sst s7  }
0x10: {  	[smem:$0x3FB4] =	sst s8  }
0x11: {  	[smem:$0x3FB5] =	sst s9;
	s0 =	simm.s32 @!p0 $0x0  }
0x12: {  	s1 =	sld [smem:$0x3F9B];
	s0 =	simm.s32 @p0 $0x1  }
0x13: {  	[smem:$0x3FB6] =	sst s0;
	s0 =	simm.s32 @!p1 $0x0  }
0x14: {  	s2 =	sld [smem:$0x3F9A];
	s0 =	simm.s32 @p1 $0x1  }
0x15: {  	[smem:$0x3FB7] =	sst s0;
	s0 =	simm.s32 @!p2 $0x0  }
0x16: {  	s3 =	sld [smem:$0x3FDB];
	s0 =	simm.s32 @p2 $0x1  }
0x17: {  	s4 =	simm.s32 $0x1BF5;
	[smem:$0x3FB9] =	sst s0  }
0x18: {  	s0 =	sld [smem:$0x3F9C];
	_ =	swait.ge [sflag:s4], $0x0  }
0x19: {  	s7 =	sld [smem:$0x3F9D]  }
0x1a: {  	s8 =	sadd.s32 $0xFFFFE003, lr  }
0x1b: {  	s9 =	sadd.s32 $0xFFFFFEF7, lr;
	s5 =	simm.s32 $0xFFFFFFFF;
	p2 =	slt.u32 s8, $0xFFFFF086  }
0x1c: {  	p1 =	slt.u32 s9, $0xF7A;
	s5 =	simm.s32 @!p2 $0x0  }
0x1d: {  	s5 =	simm.s32 @p1 $0x1;
	p0 =	seq.s32 s7, s2  }
0x1e: {  	s7 =	smul.u32 @!p0 $0xF7A, s2;
	p2 =	seq.s32 @!p0 s5, $0x0  }
0x1f: {  	s9 =	smul.u32 $0xF7A, s1;
	s8 =	simm.s32 @!p0 $0x1BF5;
	p2 =	por !p2, p0  }
0x20: {  	[sflag:s8] =	ssyncset.s32 @!p0 $0xFFFFF086;
	s6 =	sadd.s32 @!p0 s3, s7;
	s7 =	simm.s32 @!p0 $0x108  }
0x21: {  	s3 =	sadd.s32 s3, s9;
	s6 =	sadd.s32 @!p0 $0x88, s6;
	s7 =	simm.s32 @p2 $0x1082  }
0x22: {  	[simem:s7], [sflag:s8] =	dma.local @!p0 [hbm:s6], $0xF7A  }
0x23: {  	s9 =	sor.u32 $0xD0000000, s2;
	s6 =	simm.s32 $0x108;
	_ =	swait.ge @!p0 [sflag:s8], $0x0  }
0x24: {  	s3 =	sadd.s32 $0x88, s3;
	s6 =	simm.s32 @!p1 $0x1082;
	[sflag:s4] =	ssyncset.s32 $0xFFFFF086  }
0x25: {  	[simem:s6], [sflag:s4] =	dma.local [hbm:s3], $0xF7A  }
0x26: {  	[smem:$0x3F9D] =	sst s1;
	(tag) =	ssettag s2;
	_ =	strace s9  }
0x27: {  	s1 =	sld [smem:$0x3FAD]  }
0x28: {  	s2 =	sld [smem:$0x3FAE]  }
0x29: {  	s4 =	sld [smem:$0x3FB0]  }
0x2a: {  	p0 =	seq.s32 s5, $0x0;
	s5 =	sld [smem:$0x3FB1]  }
0x2b: {  	s6 =	sld [smem:$0x3FB2]  }
0x2c: {  	s7 =	sld [smem:$0x3FB3]  }
0x2d: {  	s3 =	simm.s32 $0x108;
	s8 =	sld [smem:$0x3FB4]  }
0x2e: {  	s3 =	simm.s32 @!p0 $0x1082;
	s9 =	sld [smem:$0x3FB5]  }
0x2f: {  	lr =	sadd.s32 s0, s3;
	s0 =	sld [smem:$0x3FAC]  }
0x30: {  	s3 =	sld [smem:$0x3FAF]  }
0x31: {  	[smem:$0x3FB8] =	sst s10  }
0x32: {  	s10 =	sld [smem:$0x3FB6];
	_ =	sdelay $0x3  }
0x33: {  	p0 =	seq.s32 s10, $0x1;
	s10 =	sld [smem:$0x3FB8];
	_ =	sdelay $0x3  }
0x34: {  	[smem:$0x3FB8] =	sst s10  }
0x35: {  	s10 =	sld [smem:$0x3FB7];
	_ =	sdelay $0x3  }
0x36: {  	p1 =	seq.s32 s10, $0x1;
	s10 =	sld [smem:$0x3FB8];
	_ =	sdelay $0x3  }
0x37: {  	[smem:$0x3FB8] =	sst s10  }
0x38: {  	s10 =	sld [smem:$0x3FB9]  }
0x39: {  	_ = 	snop;
	(pc) =	sbr.ind lr, $3  }
0x3a: {  	_ = 	snop  }
0x3b: {  	_ = 	snop  }
0x3c: {  	p2 =	seq.s32 s10, $0x1;
	s10 =	sld [smem:$0x3FB8]  }
0x3d: {  	_ =	shalt  }
0x3e: {  	_ =	shalt  }
0x3f: {  	_ =	shalt  }
0x40: {  	_ =	shalt  }
0x41: {  	_ =	shalt  }
0x42: {  	_ =	shalt  }
0x43: {  	_ =	shalt  }
0x44: {  	_ =	shalt  }
0x45: {  	_ =	shalt  }
0x46: {  	_ =	shalt  }
0x47: {  	_ =	shalt  }
0x48: {  	_ =	shalt  }
0x49: {  	_ =	shalt  }
0x4a: {  	_ =	shalt  }
0x4b: {  	_ =	shalt  }
0x4c: {  	_ =	shalt  }
0x4d: {  	_ =	shalt  }
0x4e: {  	_ =	shalt  }
0x4f: {  	_ =	shalt  }
0x50: {  	_ =	shalt  }
0x51: {  	_ =	shalt  }
0x52: {  	_ =	shalt  }
0x53: {  	_ =	shalt  }
0x54: {  	_ =	shalt  }
0x55: {  	_ =	shalt  }
0x56: {  	_ =	shalt  }
0x57: {  	_ =	shalt  }
0x58: {  	_ =	shalt  }
0x59: {  	_ =	shalt  }
0x5a: {  	_ =	shalt  }
0x5b: {  	_ =	shalt  }
0x5c: {  	_ =	shalt  }
0x5d: {  	_ =	shalt  }
0x5e: {  	_ =	shalt  }
0x5f: {  	_ =	shalt  }
0x60: {  	_ =	shalt  }
0x61: {  	_ =	shalt  }
0x62: {  	_ =	shalt  }
0x63: {  	_ =	shalt  }
0x64: {  	_ =	shalt  }
0x65: {  	_ =	shalt  }
0x66: {  	_ =	shalt  }
0x67: {  	_ =	shalt  }
0x68: {  	_ =	shalt  }
0x69: {  	_ =	shalt  }
0x6a: {  	_ =	shalt  }
0x6b: {  	_ =	shalt  }
0x6c: {  	_ =	shalt  }
0x6d: {  	_ =	shalt  }
0x6e: {  	_ =	shalt  }
0x6f: {  	_ =	shalt  }
0x70: {  	_ =	shalt  }
0x71: {  	_ =	shalt  }
0x72: {  	_ =	shalt  }
0x73: {  	_ =	shalt  }
0x74: {  	_ =	shalt  }
0x75: {  	_ =	shalt  }
0x76: {  	_ =	shalt  }
0x77: {  	_ =	shalt  }
0x78: {  	_ =	shalt  }
0x79: {  	_ =	shalt  }
0x7a: {  	_ =	shalt  }
0x7b: {  	_ =	shalt  }
0x7c: {  	_ =	shalt  }
0x7d: {  	_ =	shalt  }
0x7e: {  	_ =	shalt  }
0x7f: {  	_ =	shalt  }
0x80: {  	_ =	shalt  }
0x81: {  	_ =	shalt  }
0x82: {  	_ =	shalt  }
0x83: {  	_ =	shalt  }
0x84: {  	_ =	shalt  }
0x85: {  	_ =	shalt  }
0x86: {  	_ =	shalt  }
0x87: {  	_ =	shalt  }
.Lfunc_end0:
.L_simem_size_0:
called_computation_lowered:
.L_overlay_start_0:
0x88: {  	s2 =	sld [smem:$0x3FD9]  }
0x89: {  	s3 =	sld [smem:$0x3FFE];
	_ =	sdelay $0x1  }
0x8a: {  	s1 =	srdreg.scid  }
0x8b: {  	s0 =	sand.u32 $0x1, s1  }
0x8c: {  	s17 =	sshll.u32 s0, $0xA;
	s2 =	sadd.s32 s3, s2  }
0x8d: {  	s2 =	sadd.s32 s2, s17  }
0x8e: {  	[smem:$0x3FC4] =	sst s2  }
0x8f: {  	_ = 	snop  }
0x90: {  	s2 =	sld [smem:$0x3FD0];
	(tm) =	ssettm $0x1  }
0x91: {  	s18 =	sld [smem:$0x3FFB];
	_ =	sdelay $0x3  }
0x92: {  	_ =	strace s18  }
0x93: {  	s3 =	sld [smem:$0x3FFC];
	_ =	sdelay $0x3  }
0x94: {  	_ =	strace s3  }
0x95: {  	s3 =	sld [smem:$0x3FFD];
	_ =	sdelay $0x3  }
0x96: {  	_ =	strace s3  }
0x97: {  	_ =	strace $0x8FFFFFFF  }
0x98: {  	s19 =	sld [smem:$0x3FDB];
	_ =	sdelay $0x1  }
0x99: {  	s4 =	simm.s32 $_scs_section_size  }
0x9a: {  	s5 =	simm.s32 $_size__tile_overlayer_lowered;
	s6 =	simm.s32 $_tile_overlayer_lowered  }
0x9b: {  	s22 =	simm.s32 $0x1BFF;
	s21 =	sshll.u32 s6, $0x1;
	s3 =	sadd.s32 s4, s19  }
0x9c: {  	s7 =	simm.s32 $0x0;
	s20 =	sshll.u32 s5, $0x1;
	s5 =	sadd.s32 s21, s3  }
0x9d: {  	[timem:s7], [sflag:s22] =	dma.local [hbm:s5], s20  }
0x9e: {  	_ =	swait.ge [sflag:s22], s20  }
0x9f: {  	s4 =	ssub.s32 $0x0, s20;
	[sflag:s22] =	ssyncset.done $0x0  }
0xa0: {  	[sflag:s22] =	ssyncadd.s32 s4;
	_ =	sdelay $0x1  }
0xa1: {  	s23 =	simm.s32 $0x1B8B  }
0xa2: {  	_ =	swait.ge [sflag:s23], $0x1  }
0xa3: {  	[sflag:s23] =	ssyncset.done $0x0  }
0xa4: {  	s25 =	simm.s32 $0x1B8E;
	s24 =	sld [smem:$0x3FFE];
	[sflag:s23] =	ssyncadd.s32 $0xFFFFFFFF  }
0xa5: {  	s26 =	simm.s32 $execute0_lowered;
	[smem:$0x3FD2] =	sst s25  }
0xa6: {  	s5 =	sshll.u32 s26, $0x1;
	_ =	strace $0x80000046;
	[dreg:$0x1] =	wrdreg $0xFFFFFFFF  }
0xa7: {  	s28 =	simm.s32 $_size_execute0_lowered;
	s3 =	sadd.s32 s3, s5;
	[dreg:$0x0] =	wrdreg $0x0  }
0xa8: {  	s5 =	sshll.u32 s28, $0x1;
	[dreg:$0x2] =	wrdreg s3  }
0xa9: {  	[dreg:$0x3] =	wrdreg s5  }
0xaa: {  	[dreg:$0x4] =	wrdreg $0xC0  }
0xab: {  	_ =	task [dreg:s7], $0x5FFFF  }
0xac: {  	[dreg:$0x1] =	wrdreg $0xFFFFFFFF  }
0xad: {  	[dreg:$0x0] =	wrdreg $0x60  }
0xae: {  	[dreg:$0x2] =	wrdreg s24  }
0xaf: {  	[dreg:$0x3] =	wrdreg s2  }
0xb0: {  	[dreg:$0x4] =	wrdreg $0x9  }
0xb1: {  	_ =	task.clear_ibuf [dreg:s7], $0x5FFFF;
	_ =	strace $0x90000046  }
0xb2: {  	s29 =	simm.s32 $0x9;
	_ =	strace $0x80000048  }
0xb3: {  	_ =	swait.ge [sflag:s29], $0x1  }
0xb4: {  	[sflag:s29] =	ssyncadd.s32 $0xFFFFFFFF  }
0xb5: {  	_ =	strace $0x90000048  }
0xb6: {  	_ =	sfence  }
0xb7: {  	s30 =	sld [smem:$0x0];
	_ =	sdelay $0x2  }
0xb8: {  	s31 =	sshll.u32 s1, $0xD;
	s1 =	sshrl.u32 s1, $0x2  }
0xb9: {  	s3 =	sand.u32 $0x4000, s31;
	s1 =	sadd.s32 s1, s30  }
0xba: {  	s0 =	sor.u32 s3, s0;
	s1 =	sshll.u32 s1, $0x11  }
0xbb: {  	s0 =	sor.u32 s1, s0  }
0xbc: {  	s0 =	sadd.s32 $0x8F2B, s0  }
0xbd: {  	[sflag:s0] =	ssyncadd.remote.s32 $0x1  }
0xbe: {  	_ =	sfence.sel $0xFFFF  }
0xbf: {  	[dreg:$0x0] =	wrdreg $0xFFFFFFFF;
	(pc) =	sbr.abs _section_cstart, $3  }
0xc0: {  	[dreg:$0x1] =	wrdreg $0xFFFFFFFF  }
0xc1: {  	_ =	task.clear_ibuf [dreg:s7], $0x2FFFF;
	_ =	strace $0x9FFFFFFF  }
0xc2: {  	(tm) =	ssettm $0x7FFFFFFF  }
0xc3: {  	_ =	shalt  }
tec
execute0_lowered:
.L_overlay_start_1:
0x0: {  	(tag) =	ssettag $0x1  }
0x1: {  	s0 =	rddreg [dreg:$0x0]  }
0x2: {  	s2 =	rddreg [dreg:$0x1]  }
0x3: {  	s1 =	srdreg.scid;
	s4 =	stileid.u32;
	s3 =	simm.s32 $0x0  }
0x4: {  	s14 =	simm.s32 $0x80;
	s20 =	simm.s32 $0xC800;
	s21 =	simm.s32 $0xE800  }
0x5: {  	s28 =	simm.s32 $0x10C00;
	s29 =	simm.s32 $0x11000;
	s30 =	simm.s32 $0x11400  }
0x6: {  	s31 =	simm.s32 $0x2;
	s18 =	simm.s32 $0x12000;
	s19 =	simm.s32 $0x12400  }
0x7: {  	s1 =	sand.u32 $0x1, s1;
	s4 =	sshll.u32 s4, $0x1;
	[smem:$0x7FF] =	sst s3  }
0x8: {  	s10 =	sadd.s32 $0x1000, s2;
	s11 =	sadd.s32 $0x2000, s2;
	s5 =	sor.u32 s1, s4  }
0x9: {  	s12 =	sadd.s32 $0x3000, s2;
	s1 =	ssub.s32 $0x2, s1;
	s4 =	sshll.u32 s5, $0x4  }
0xa: {  	_ =	strace $0x80000047;
	s6 =	sshrl.u32 s1, $0x1;
	s7 =	sadd.s32 s4, s0  }
0xb: {  	s9 =	sshll.u32 s5, $0xA;
	s4 =	sadd.s32 $0x34800, s0;
	s23 =	sadd.s32 $0x800, s7  }
0xc: {  	v0 =	vlaneseq.u32;
	s22 =	ssub.s32 s1, s6;
	s24 =	sadd.s32 $0xD800, s7;
	[dreg:$0x3] =	wrdreg s23  }
.Ltmp0:
0xd: {  	v0 =	vmul.u32 $0x20, v0;
	s25 =	sadd.s32 $0x1A800, s7;
	[dreg:$0x4] =	wrdreg s24;
	(pc) =	sbr.rel .LBB2_1-.Ltmp0, $4  }
0xe: {  	s1 =	simm.s32 $0x11C00;
	s26 =	sadd.s32 $0x27800, s7;
	[dreg:$0x5] =	wrdreg s25  }
0xf: {  	v1 =	vor.u32 $0x200, v0;
	s0 =	smax.u32 s22, $0x1;
	s22 =	simm.s32 $0xD800;
	[dreg:$0x6] =	wrdreg s26  }
0x10: {  	v2 =	vor.u32 $0x400, v0;
	v3 =	vor.u32 $0x600, v0;
	v4 =	vor.u32 $0x800, v0;
	s7 =	simm.s32 $0x0;
	[dreg:$0x7] =	wrdreg s0;
	s24 =	simm.s32 $0xF800  }
0x11: {  	v5 =	vor.u32 $0xA00, v0;
	v6 =	vor.u32 $0xC00, v0;
	v7 =	vor.u32 $0xE00, v0;
	s25 =	simm.s32 $0x1;
	s26 =	simm.s32 $0x10800;
	s0 =	simm.s32 $0x11800  }
.LBB2_8:
0x12: {  	s5 =	simm.s32 $0x3  }
0x13: {  	_ =	swait.ge [sflag:s5], $0x400  }
0x14: {  	[sflag:s5] =	ssyncset.done $0x0  }
0x15: {  	[sflag:s5] =	ssyncadd.s32 $0xFFFFFC00  }
0x16: {  	_ =	swait.ge [sflag:s5], $0x400  }
0x17: {  	[sflag:s5] =	ssyncset.done $0x0  }
0x18: {  	[sflag:s5] =	ssyncadd.s32 $0xFFFFFC00  }
0x19: {  	_ =	swait.ge [sflag:s5], $0x400  }
0x1a: {  	[sflag:s5] =	ssyncset.done $0x0  }
0x1b: {  	[sflag:s5] =	ssyncadd.s32 $0xFFFFFC00  }
0x1c: {  	_ =	swait.ge [sflag:s5], $0x400  }
0x1d: {  	[sflag:s5] =	ssyncset.done $0x0  }
0x1e: {  	s6 =	simm.s32 $0x4;
	[sflag:s5] =	ssyncadd.s32 $0xFFFFFC00  }
0x1f: {  	_ =	swait.ge [sflag:s6], $0x400  }
0x20: {  	[sflag:s6] =	ssyncset.done $0x0  }
0x21: {  	[sflag:s6] =	ssyncadd.s32 $0xFFFFFC00  }
0x22: {  	_ =	swait.ge [sflag:s6], $0x400  }
0x23: {  	[sflag:s6] =	ssyncset.done $0x0  }
0x24: {  	[sflag:s6] =	ssyncadd.s32 $0xFFFFFC00  }
0x25: {  	_ =	swait.ge [sflag:s6], $0x400  }
0x26: {  	[sflag:s6] =	ssyncset.done $0x0  }
0x27: {  	[sflag:s6] =	ssyncadd.s32 $0xFFFFFC00  }
0x28: {  	_ =	swait.ge [sflag:s6], $0x400  }
0x29: {  	s7 =	rddreg [dreg:$0x8]  }
0x2a: {  	s23 =	rddreg [dreg:$0x7];
	s7 =	sadd.s32 $0x1, s7  }
0x2b: {  	p0 =	sne.s32 s7, s23  }
.Ltmp1:
0x2c: {  	_ = 	snop;
	(pc) =	sbr.rel @!p0 .LBB2_9-.Ltmp1, $3  }
0x2d: {  	_ =	sdelay $0x1  }
0x2e: {  	[sflag:s6] =	ssyncset.done $0x0  }
0x2f: {  	[sflag:s6] =	ssyncadd.s32 $0xFFFFFC00  }
.LBB2_1:
0x30: {  	[dreg:$0x8] =	wrdreg s7  }
0x31: {  	s5 =	rddreg [dreg:$0x3];
	s6 =	simm.s32 $0x1000;
	s23 =	simm.s32 $0x5  }
0x32: {  	[tilespmem:s3], [sflag:$0x5] =	stream.strided.gather [hbm4b:s5+s14], $0x3200, s6, s14, $0x38;
	[tilespmem:$0x12800] =	vst v63  }
0x33: {  	_ =	swait.ge [sflag:s23], $0x3200  }
0x34: {  	[sflag:s23] =	ssyncset.done $0x0  }
0x35: {  	s8 =	simm.s32 $0x3200;
	s13 =	rddreg [dreg:$0x4];
	[sflag:s23] =	ssyncadd.s32 $0xFFFFCE00  }
0x36: {  	[tilespmem:s8], [sflag:$0x5] =	stream.strided.gather [hbm4b:s13+s14], $0x3200, s6, s14, $0x38;
	[tilespmem:$0x12800] =	vst v63  }
0x37: {  	_ =	swait.ge [sflag:s23], $0x3200  }
0x38: {  	[sflag:s23] =	ssyncset.done $0x0  }
0x39: {  	s13 =	simm.s32 $0x6400;
	s15 =	rddreg [dreg:$0x5];
	[sflag:s23] =	ssyncadd.s32 $0xFFFFCE00  }
0x3a: {  	[tilespmem:s13], [sflag:$0x5] =	stream.strided.gather [hbm4b:s15+s14], $0x3200, s6, s14, $0x38;
	[tilespmem:$0x12800] =	vst v63  }
0x3b: {  	_ =	swait.ge [sflag:s23], $0x3200  }
0x3c: {  	[sflag:s23] =	ssyncset.done $0x0  }
0x3d: {  	s17 =	simm.s32 $0x9600;
	s16 =	rddreg [dreg:$0x6];
	[sflag:s23] =	ssyncadd.s32 $0xFFFFCE00  }
0x3e: {  	[tilespmem:s17], [sflag:$0x5] =	stream.strided.gather [hbm4b:s16+s14], $0x3200, s6, s14, $0x38;
	[tilespmem:$0x12800] =	vst v63  }
0x3f: {  	_ =	swait.ge [sflag:s23], $0x3200  }
0x40: {  	[sflag:s23] =	ssyncset.done $0x0  }
0x41: {  	[sflag:s23] =	ssyncadd.s32 $0xFFFFCE00  }
0x42: {  	[tilespmem:s20], [sflag:$0x1] =	stream.indirect.gather [hbm4b:s4+s14], $0x20, s3, s14, $0xb8;
	[tilespmem:$0x12800] =	vst v63  }
0x43: {  	_ = 	snop  }
0x44: {  	[tilespmem:s21], [sflag:$0x1] =	stream.indirect.gather [hbm4b:s4+s14], $0x20, s8, s14, $0xb8;
	[tilespmem:$0x12800] =	vst v63  }
0x45: {  	_ = 	snop  }
0x46: {  	[tilespmem:s22], [sflag:$0x2] =	stream.indirect.gather [hbm4b:s4+s14], $0x20, s14, s14, $0xb8;
	[tilespmem:$0x12800] =	vst v63  }
0x47: {  	s6 =	simm.s32 $0x0;
	s23 =	simm.s32 $0x3280  }
0x48: {  	[tilespmem:s24], [sflag:$0x2] =	stream.indirect.gather [hbm4b:s4+s14], $0x20, s23, s14, $0xb8;
	[tilespmem:$0x12800] =	vst v63  }
.LBB2_2:
0x49: {  	_ =	swait.ge [sflag:s25], $0x1000  }
0x4a: {  	[sflag:s25] =	ssyncset.done $0x0  }
0x4b: {  	[sflag:s25] =	ssyncadd.s32 $0xFFFFF000  }
0x4c: {  	_ =	swait.ge [sflag:s25], $0x1000  }
0x4d: {  	p0 =	seq.s32 s6, $0x0;
	[sflag:s25] =	ssyncset.done $0x0  }
0x4e: {  	s7 =	simm.s32 @!p0 $0x3;
	[sflag:s25] =	ssyncadd.s32 $0xFFFFF000  }
0x4f: {  	_ =	swait.ge @!p0 [sflag:s7], $0x400  }
0x50: {  	[sflag:s7] =	ssyncset.done @!p0 $0x0  }
0x51: {  	[sflag:s7] =	ssyncadd.s32 @!p0 $0xFFFFFC00  }
0x52: {  	_ =	swait.ge @!p0 [sflag:s7], $0x400  }
0x53: {  	[sflag:s7] =	ssyncset.done @!p0 $0x0  }
0x54: {  	[sflag:s7] =	ssyncadd.s32 @!p0 $0xFFFFFC00  }
0x55: {  	_ =	swait.ge @!p0 [sflag:s7], $0x400  }
0x56: {  	[sflag:s7] =	ssyncset.done @!p0 $0x0  }
0x57: {  	[sflag:s7] =	ssyncadd.s32 @!p0 $0xFFFFFC00  }
0x58: {  	_ =	swait.ge @!p0 [sflag:s7], $0x400  }
0x59: {  	[sflag:s7] =	ssyncset.done @!p0 $0x0  }
0x5a: {  	[sflag:s7] =	ssyncadd.s32 @!p0 $0xFFFFFC00;
	s7 =	sshll.u32 s6, $0x8  }
0x5b: {  	v17 =	vld [tilespmem:s7+$0x6400]  }
0x5c: {  	v18 =	vld [tilespmem:s7+$0x6410]  }
0x5d: {  	v19 =	vld [tilespmem:s7+$0x6420]  }
0x5e: {  	s8 =	simm.s32 $0x3;
	v16 =	vld [tilespmem:s7+$0x6430]  }
0x5f: {  	v8 =	vmov s8;
	v14 =	vld [tilespmem:s7+$0x6440]  }
0x60: {  	v9 =	vand.u32 $0x1F, v8;
	v12 =	vld [tilespmem:s7+$0x6450]  }
0x61: {  	s13 =	simm.s32 $0x2;
	v29 =	vbroadcast v9, $0x0;
	v10 =	vld [tilespmem:s7+$0x6460]  }
0x62: {  	v9 =	vmov s13;
	v8 =	vld [tilespmem:s7+$0x6470]  }
0x63: {  	v9 =	vand.u32 $0x1E, v9;
	v11 =	vor.u32 v0, v29;
	v20 =	vld [tilespmem:s7+$0x9600]  }
0x64: {  	s15 =	simm.s32 $0x1;
	v30 =	vbroadcast v9, $0x0;
	v22 =	vld [tilespmem:s7+$0x9610]  }
0x65: {  	v13 =	vmov s15;
	v23 =	vld [tilespmem:s7+$0x9620]  }
0x66: {  	s16 =	simm.s32 $0x0;
	v9 =	vand.u32 $0x1D, v13;
	v25 =	vor.u32 v0, v30;
	v21 =	vld [tilespmem:s7+$0x9630]  }
0x67: {  	v24 =	vmov s16;
	v31 =	vbroadcast v9, $0x0;
	v15 =	vld [tilespmem:s7+$0x9640]  }
0x68: {  	v9 =	vand.u32 $0x1C, v24;
	v24 =	vld.idx.msk [tilespmem:v11+s20+$0x0], $0xffff  }
0x69: {  	v26 =	vor.u32 v0, v31;
	v27 =	vld.idx.msk [tilespmem:v11+s21+$0x0], $0xffff  }
0x6a: {  	v32 =	vbroadcast v9, $0x0;
	v13 =	vld [tilespmem:s7+$0x9650]  }
0x6b: {  	v33 =	vld.idx.msk [tilespmem:v25+s21+$0x0], $0xffff  }
0x6c: {  	v28 =	vor.u32 v0, v32;
	v25 =	vld.idx.msk [tilespmem:v25+s20+$0x0], $0xffff  }
0x6d: {  	v11 =	vld [tilespmem:s7+$0x9660]  }
0x6e: {  	v35 =	vor.u32 v1, v29;
	v34 =	vld.idx.msk [tilespmem:v26+s21+$0x0], $0xffff;
	v24 =	vmul.f32 v24, v17;
	v27 =	vmul.f32 v27, v20  }
0x6f: {  	v26 =	vld.idx.msk [tilespmem:v26+s20+$0x0], $0xffff  }
0x70: {  	v9 =	vld [tilespmem:s7+$0x9670];
	v24 =	vadd.f32 v27, v24  }
0x71: {  	s8 =	simm.s32 $0x10900;
	v36 =	vld.idx.msk [tilespmem:v28+s20+$0x0], $0xffff;
	v25 =	vmul.f32 v25, v17  }
0x72: {  	v27 =	vld.idx.msk [tilespmem:v28+s21+$0x0], $0xffff;
	v28 =	vmul.f32 v33, v20;
	[tilespmem:s8+$0x80] =	vst v24;
	v24 =	vor.u32 v1, v30  }
0x73: {  	v41 =	vld.idx.msk [tilespmem:v35+s20+$0x0], $0xffff  }
0x74: {  	v34 =	vmul.f32 v34, v20;
	v26 =	vmul.f32 v26, v17;
	v25 =	vadd.f32 v28, v25;
	v28 =	vld.idx.msk [tilespmem:v35+s21+$0x0], $0xffff  }
0x75: {  	v42 =	vor.u32 v1, v31  }
0x76: {  	[tilespmem:s8+$0x0] =	vst v25;
	v25 =	vadd.f32 v34, v26  }
0x77: {  	v36 =	vmul.f32 v36, v17;
	v27 =	vmul.f32 v27, v20;
	v43 =	vld.idx.msk [tilespmem:v24+s21+$0x0], $0xffff  }
0x78: {  	v26 =	vor.u32 v1, v32;
	[tilespmem:s8+$0xFFFFFF80] =	vst v25;
	v25 =	vor.u32 v2, v29;
	v24 =	vld.idx.msk [tilespmem:v24+s20+$0x0], $0xffff  }
0x79: {  	v27 =	vadd.f32 v27, v36;
	v33 =	vmul.f32 v41, v18;
	v28 =	vmul.f32 v28, v22  }
0x7a: {  	v44 =	vld.idx.msk [tilespmem:v42+s20+$0x0], $0xffff  }
0x7b: {  	[tilespmem:s8+$0xFFFFFF00] =	vst v27;
	v27 =	vld.idx.msk [tilespmem:v42+s21+$0x0], $0xffff;
	v28 =	vadd.f32 v28, v33  }
0x7c: {  	v46 =	vor.u32 v2, v30  }
0x7d: {  	v45 =	vld.idx.msk [tilespmem:v26+s21+$0x0], $0xffff;
	[tilespmem:s8+$0x90] =	vst v28;
	v28 =	vmul.f32 v43, v22;
	v24 =	vmul.f32 v24, v18  }
0x7e: {  	v47 =	vld.idx.msk [tilespmem:v25+s20+$0x0], $0xffff  }
0x7f: {  	v25 =	vld.idx.msk [tilespmem:v25+s21+$0x0], $0xffff;
	v24 =	vadd.f32 v28, v24  }
0x80: {  	v48 =	vor.u32 v2, v31;
	v26 =	vld.idx.msk [tilespmem:v26+s20+$0x0], $0xffff;
	v28 =	vmul.f32 v44, v18;
	v27 =	vmul.f32 v27, v22  }
0x81: {  	[tilespmem:s8+$0x10] =	vst v24  }
0x82: {  	v27 =	vadd.f32 v27, v28;
	v24 =	vld.idx.msk [tilespmem:v46+s20+$0x0], $0xffff  }
0x83: {  	v28 =	vld.idx.msk [tilespmem:v46+s21+$0x0], $0xffff  }
0x84: {  	v49 =	vor.u32 v3, v29;
	v35 =	vmul.f32 v47, v19;
	v25 =	vmul.f32 v25, v23;
	[tilespmem:s8+$0xFFFFFF90] =	vst v27  }
0x85: {  	v26 =	vmul.f32 v26, v18;
	v33 =	vmul.f32 v45, v22;
	v27 =	vor.u32 v2, v32;
	v37 =	vld.idx.msk [tilespmem:v48+s21+$0x0], $0xffff  }
0x86: {  	v50 =	vld.idx.msk [tilespmem:v48+s20+$0x0], $0xffff;
	v25 =	vadd.f32 v25, v35  }
0x87: {  	v26 =	vadd.f32 v33, v26  }
0x88: {  	[tilespmem:s8+$0xA0] =	vst v25;
	v25 =	vor.u32 v3, v30;
	v24 =	vmul.f32 v24, v19;
	v28 =	vmul.f32 v28, v23  }
0x89: {  	[tilespmem:s8+$0xFFFFFF10] =	vst v26;
	v26 =	vld.idx.msk [tilespmem:v49+s20+$0x0], $0xffff  }
0x8a: {  	v51 =	vld.idx.msk [tilespmem:v27+s20+$0x0], $0xffff;
	v24 =	vadd.f32 v28, v24  }
0x8b: {  	v52 =	vor.u32 v3, v31;
	v27 =	vld.idx.msk [tilespmem:v27+s21+$0x0], $0xffff;
	v35 =	vmul.f32 v50, v19;
	v53 =	vmul.f32 v37, v23  }
0x8c: {  	v28 =	vld.idx.msk [tilespmem:v49+s21+$0x0], $0xffff;
	[tilespmem:s8+$0x20] =	vst v24  }
0x8d: {  	v35 =	vadd.f32 v53, v35;
	v24 =	vld.idx.msk [tilespmem:v25+s20+$0x0], $0xffff  }
0x8e: {  	s15 =	simm.s32 $0x5;
	v25 =	vld.idx.msk [tilespmem:v25+s21+$0x0], $0xffff  }
0x8f: {  	v39 =	vmov s15;
	[tilespmem:s8+$0xFFFFFFA0] =	vst v35  }
0x90: {  	v55 =	vor.u32 v3, v32;
	v27 =	vmul.f32 v27, v23;
	v33 =	vmul.f32 v51, v19;
	v56 =	vld.idx.msk [tilespmem:v52+s21+$0x0], $0xffff  }
0x91: {  	v57 =	vor.u32 v4, v29;
	v54 =	vor.u32 v4, v30;
	v62 =	vor.u32 v4, v31;
	v34 =	vld.idx.msk [tilespmem:v52+s20+$0x0], $0xffff  }
0x92: {  	s13 =	simm.s32 $0x7;
	v38 =	vmul.f32 v26, v16;
	v28 =	vmul.f32 v28, v21;
	v26 =	vadd.f32 v27, v33  }
0x93: {  	v27 =	vmov s13;
	v24 =	vmul.f32 v24, v16;
	v25 =	vmul.f32 v25, v21  }
0x94: {  	v27 =	vand.u32 $0x1F, v27;
	v28 =	vadd.f32 v28, v38;
	[tilespmem:s8+$0xFFFFFF20] =	vst v26;
	v26 =	vand.u32 $0x1D, v39  }
0x95: {  	v26 =	vbroadcast v26, $0x0;
	v36 =	vld.idx.msk [tilespmem:v55+s21+$0x0], $0xffff;
	v24 =	vadd.f32 v25, v24;
	v25 =	vbroadcast v27, $0x0  }
0x96: {  	s17 =	simm.s32 $0x6;
	[tilespmem:s8+$0xB0] =	vst v28;
	v27 =	vld.idx.msk [tilespmem:v55+s20+$0x0], $0xffff;
	v33 =	vmul.f32 v56, v21;
	v34 =	vmul.f32 v34, v16  }
0x97: {  	v58 =	vmov s17;
	v41 =	vld.idx.msk [tilespmem:v57+s21+$0x0], $0xffff;
	v40 =	vor.u32 v0, v26  }
0x98: {  	v35 =	vld.idx.msk [tilespmem:v57+s20+$0x0], $0xffff;
	[tilespmem:s8+$0x30] =	vst v24;
	v24 =	vand.u32 $0x1E, v58;
	v33 =	vadd.f32 v33, v34  }
0x99: {  	v59 =	vor.u32 v0, v25;
	v60 =	vld.idx.msk [tilespmem:v54+s20+$0x0], $0xffff;
	v24 =	vbroadcast v24, $0x0  }
0x9a: {  	v28 =	vld.idx.msk [tilespmem:v54+s21+$0x0], $0xffff;
	[tilespmem:s8+$0xFFFFFFB0] =	vst v33  }
0x9b: {  	s23 =	simm.s32 $0x4;
	v61 =	vor.u32 v0, v24;
	v56 =	vld.idx.msk [tilespmem:v62+s20+$0x0], $0xffff  }
0x9c: {  	v42 =	vmov s23;
	v46 =	vld.idx.msk [tilespmem:v40+s21+$0x0], $0xffff  }
0x9d: {  	v44 =	vor.u32 v4, v32;
	v36 =	vmul.f32 v36, v21;
	v45 =	vmul.f32 v27, v16;
	v40 =	vld.idx.msk [tilespmem:v40+s20+$0x0], $0xffff  }
0x9e: {  	v42 =	vand.u32 $0x1C, v42;
	v47 =	vor.u32 v5, v29;
	v43 =	vld.idx.msk [tilespmem:v59+s20+$0x0], $0xffff  }
0x9f: {  	v52 =	vmul.f32 v41, v15;
	v35 =	vmul.f32 v35, v14;
	v36 =	vadd.f32 v36, v45;
	v38 =	vld.idx.msk [tilespmem:v59+s21+$0x0], $0xffff  }
0xa0: {  	v27 =	vbroadcast v42, $0x0;
	v42 =	vld.idx.msk [tilespmem:v61+s21+$0x0], $0xffff  }
0xa1: {  	v35 =	vadd.f32 v52, v35;
	[tilespmem:s8+$0xFFFFFF30] =	vst v36;
	v37 =	vld.idx.msk [tilespmem:v61+s20+$0x0], $0xffff  }
0xa2: {  	v63 =	vor.u32 v0, v27;
	v53 =	vld.idx.msk [tilespmem:v44+s20+$0x0], $0xffff  }
0xa3: {  	v48 =	vor.u32 v5, v30;
	[tilespmem:s8+$0xC0] =	vst v35;
	v54 =	vld.idx.msk [tilespmem:v44+s21+$0x0], $0xffff  }
0xa4: {  	v49 =	vor.u32 v1, v26;
	v55 =	vmul.f32 v60, v14;
	v28 =	vmul.f32 v28, v15;
	v60 =	vld.idx.msk [tilespmem:v47+s21+$0x0], $0xffff  }
0xa5: {  	v59 =	vor.u32 v1, v25;
	v47 =	vld.idx.msk [tilespmem:v47+s20+$0x0], $0xffff;
	v46 =	vmul.f32 v46, v20;
	v40 =	vmul.f32 v40, v17  }
0xa6: {  	v28 =	vadd.f32 v28, v55;
	v61 =	vld.idx.msk [tilespmem:v62+s21+$0x0], $0xffff;
	v58 =	vmul.f32 v43, v17;
	v38 =	vmul.f32 v38, v20  }
0xa7: {  	v57 =	vld.idx.msk [tilespmem:v63+s20+$0x0], $0xffff;
	v40 =	vadd.f32 v46, v40  }
0xa8: {  	s13 =	simm.s32 $0x10B00;
	v34 =	vld.idx.msk [tilespmem:v63+s21+$0x0], $0xffff;
	[tilespmem:s8+$0x40] =	vst v28;
	v28 =	vor.u32 v5, v32;
	v35 =	vadd.f32 v38, v58  }
0xa9: {  	v45 =	vld.idx.msk [tilespmem:v48+s20+$0x0], $0xffff;
	v41 =	vmul.f32 v53, v14;
	v33 =	vmul.f32 v54, v15;
	[tilespmem:s13+$0xFFFFFF80] =	vst v40  }
0xaa: {  	v52 =	vor.u32 v1, v24;
	v39 =	vmul.f32 v56, v14;
	[tilespmem:s13+$0x80] =	vst v35;
	v53 =	vld.idx.msk [tilespmem:v49+s20+$0x0], $0xffff  }
0xab: {  	v62 =	vmul.f32 v37, v17;
	v63 =	vmul.f32 v42, v20;
	v33 =	vadd.f32 v33, v41;
	v50 =	vld.idx.msk [tilespmem:v59+s20+$0x0], $0xffff  }
0xac: {  	v44 =	vor.u32 v6, v29;
	v54 =	vmul.f32 v47, v12;
	v36 =	vmul.f32 v60, v13;
	v43 =	vld.idx.msk [tilespmem:v59+s21+$0x0], $0xffff  }
0xad: {  	v51 =	vmul.f32 v57, v17;
	v35 =	vadd.f32 v63, v62;
	v57 =	vld.idx.msk [tilespmem:v49+s21+$0x0], $0xffff;
	[tilespmem:s8+$0xFFFFFF40] =	vst v33  }
0xae: {  	v56 =	vor.u32 v5, v31;
	v38 =	vmul.f32 v61, v15;
	v36 =	vadd.f32 v36, v54;
	v55 =	vld.idx.msk [tilespmem:v28+s20+$0x0], $0xffff  }
0xaf: {  	v58 =	vor.u32 v1, v27;
	[tilespmem:s13+$0x0] =	vst v35;
	v28 =	vld.idx.msk [tilespmem:v28+s21+$0x0], $0xffff  }
0xb0: {  	v34 =	vmul.f32 v34, v20;
	v38 =	vadd.f32 v38, v39;
	[tilespmem:s8+$0xD0] =	vst v36;
	v59 =	vld.idx.msk [tilespmem:v52+s21+$0x0], $0xffff  }
0xb1: {  	v46 =	vld.idx.msk [tilespmem:v44+s21+$0x0], $0xffff  }
0xb2: {  	v34 =	vadd.f32 v34, v51;
	[tilespmem:s8+$0xFFFFFFC0] =	vst v38;
	v61 =	vld.idx.msk [tilespmem:v52+s20+$0x0], $0xffff  }
0xb3: {  	v60 =	vor.u32 v2, v25;
	v63 =	vld.idx.msk [tilespmem:v56+s20+$0x0], $0xffff;
	v40 =	vmul.f32 v50, v18;
	v43 =	vmul.f32 v43, v22  }
0xb4: {  	v54 =	vor.u32 v2, v26;
	v52 =	vld.idx.msk [tilespmem:v56+s21+$0x0], $0xffff;
	[tilespmem:s13+$0xFFFFFF00] =	vst v34  }
0xb5: {  	v33 =	vmul.f32 v53, v18;
	v47 =	vld.idx.msk [tilespmem:v58+s21+$0x0], $0xffff;
	v53 =	vmul.f32 v57, v22;
	v62 =	vadd.f32 v43, v40  }
0xb6: {  	v42 =	vor.u32 v6, v32;
	v35 =	vld.idx.msk [tilespmem:v58+s20+$0x0], $0xffff;
	v37 =	vmul.f32 v55, v12;
	v28 =	vmul.f32 v28, v13  }
0xb7: {  	v33 =	vadd.f32 v53, v33;
	v56 =	vmul.f32 v59, v22;
	v59 =	vld.idx.msk [tilespmem:v48+s21+$0x0], $0xffff;
	[tilespmem:s13+$0x90] =	vst v62  }
0xb8: {  	v57 =	vor.u32 v2, v24;
	v58 =	vmul.f32 v61, v18;
	v55 =	vld.idx.msk [tilespmem:v60+s20+$0x0], $0xffff;
	v28 =	vadd.f32 v28, v37  }
0xb9: {  	[tilespmem:s13+$0xFFFFFF90] =	vst v33;
	v36 =	vld.idx.msk [tilespmem:v60+s21+$0x0], $0xffff  }
0xba: {  	v40 =	vld.idx.msk [tilespmem:v54+s21+$0x0], $0xffff;
	[tilespmem:s8+$0xFFFFFF50] =	vst v28;
	v28 =	vadd.f32 v56, v58  }
0xbb: {  	v41 =	vld.idx.msk [tilespmem:v54+s20+$0x0], $0xffff;
	v54 =	vor.u32 v2, v27;
	v35 =	vmul.f32 v35, v18;
	v47 =	vmul.f32 v47, v22  }
0xbc: {  	v61 =	vmul.f32 v52, v13;
	v60 =	vmul.f32 v63, v12;
	v38 =	vld.idx.msk [tilespmem:v42+s20+$0x0], $0xffff;
	[tilespmem:s13+$0x10] =	vst v28  }
0xbd: {  	v62 =	vor.u32 v6, v31;
	v35 =	vadd.f32 v47, v35;
	v52 =	vld.idx.msk [tilespmem:v57+s20+$0x0], $0xffff  }
0xbe: {  	v63 =	vor.u32 v3, v25;
	v28 =	vadd.f32 v61, v60;
	v39 =	vld.idx.msk [tilespmem:v57+s21+$0x0], $0xffff  }
0xbf: {  	[tilespmem:s13+$0xFFFFFF10] =	vst v35;
	v53 =	vmul.f32 v55, v19;
	v36 =	vmul.f32 v36, v23;
	v55 =	vld.idx.msk [tilespmem:v42+s21+$0x0], $0xffff  }
0xc0: {  	v60 =	vld.idx.msk [tilespmem:v54+s20+$0x0], $0xffff  }
0xc1: {  	v49 =	vld.idx.msk [tilespmem:v54+s21+$0x0], $0xffff;
	[tilespmem:s8+$0xFFFFFFD0] =	vst v28;
	v28 =	vadd.f32 v36, v53  }
0xc2: {  	v33 =	vmul.f32 v59, v13;
	v59 =	vor.u32 v6, v30;
	v57 =	vmul.f32 v45, v12;
	v56 =	vld.idx.msk [tilespmem:v62+s20+$0x0], $0xffff  }
0xc3: {  	v43 =	vld.idx.msk [tilespmem:v62+s21+$0x0], $0xffff;
	[tilespmem:s13+$0xA0] =	vst v28  }
0xc4: {  	v61 =	vor.u32 v3, v24;
	v40 =	vmul.f32 v40, v23;
	v33 =	vadd.f32 v33, v57;
	v58 =	vld.idx.msk [tilespmem:v63+s20+$0x0], $0xffff  }
0xc5: {  	v62 =	vor.u32 v7, v32;
	v34 =	vmul.f32 v52, v19;
	v39 =	vmul.f32 v39, v23;
	v48 =	vld.idx.msk [tilespmem:v63+s21+$0x0], $0xffff  }
0xc6: {  	v53 =	vmul.f32 v41, v19;
	v38 =	vmul.f32 v38, v10;
	[tilespmem:s8+$0x50] =	vst v33;
	v63 =	vld.idx.msk [tilespmem:v44+s20+$0x0], $0xffff  }
0xc7: {  	v33 =	vor.u32 v7, v31;
	v36 =	vmul.f32 v55, v11;
	v54 =	vld.idx.msk [tilespmem:v59+s20+$0x0], $0xffff;
	v31 =	vadd.f32 v39, v34  }
0xc8: {  	v40 =	vadd.f32 v40, v53;
	v52 =	vor.u32 v3, v26;
	v55 =	vld.idx.msk [tilespmem:v59+s21+$0x0], $0xffff;
	v59 =	vor.u32 v3, v27  }
0xc9: {  	v42 =	vmul.f32 v60, v19;
	v36 =	vadd.f32 v36, v38;
	[tilespmem:s13+$0x20] =	vst v31;
	v31 =	vmul.f32 v56, v10  }
0xca: {  	[tilespmem:s13+$0xFFFFFFA0] =	vst v40;
	v56 =	vmul.f32 v43, v11;
	v57 =	vld.idx.msk [tilespmem:v61+s20+$0x0], $0xffff;
	v35 =	vmul.f32 v58, v16  }
0xcb: {  	[tilespmem:s8+$0xFFFFFF60] =	vst v36;
	v58 =	vmul.f32 v49, v23;
	v47 =	vld.idx.msk [tilespmem:v61+s21+$0x0], $0xffff;
	v48 =	vmul.f32 v48, v21  }
0xcc: {  	v32 =	vld.idx.msk [tilespmem:v62+s21+$0x0], $0xffff;
	v60 =	vmul.f32 v63, v10;
	v61 =	vmul.f32 v46, v11;
	v37 =	vadd.f32 v56, v31  }
0xcd: {  	v39 =	vld.idx.msk [tilespmem:v52+s21+$0x0], $0xffff;
	v63 =	vmul.f32 v55, v11;
	v36 =	vadd.f32 v58, v42  }
0xce: {  	v31 =	vld.idx.msk [tilespmem:v62+s20+$0x0], $0xffff;
	v62 =	vadd.f32 v48, v35;
	v40 =	vadd.f32 v61, v60;
	[tilespmem:s8+$0xFFFFFFE0] =	vst v37  }
0xcf: {  	v35 =	vor.u32 v7, v29;
	v29 =	vmul.f32 v54, v10;
	v37 =	vld.idx.msk [tilespmem:v52+s20+$0x0], $0xffff;
	[tilespmem:s13+$0xFFFFFF20] =	vst v36  }
0xd0: {  	v28 =	vor.u32 v4, v24;
	v34 =	vld.idx.msk [tilespmem:v33+s20+$0x0], $0xffff;
	[tilespmem:s8+$0xE0] =	vst v40  }
0xd1: {  	v36 =	vor.u32 v7, v30;
	v29 =	vadd.f32 v63, v29;
	[tilespmem:s13+$0xB0] =	vst v62;
	v38 =	vld.idx.msk [tilespmem:v59+s20+$0x0], $0xffff  }
0xd2: {  	s16 =	simm.s32 $0x8;
	s15 =	sshll.u32 s6, $0x1;
	v40 =	vor.u32 v4, v25;
	v42 =	vmul.f32 v57, v16;
	v43 =	vmul.f32 v47, v21;
	v41 =	vld.idx.msk [tilespmem:v59+s21+$0x0], $0xffff  }
.LBB2_3:
0xd3: {  	s23 =	sadd.s32 $0x3, s16  }
0xd4: {  	v30 =	vmov s16;
	p1 =	slt.u32 s16, $0x1C;
	v42 =	vadd.f32 v43, v42;
	v32 =	vmul.f32 v32, v9;
	[tilespmem:s8+$0x60] =	vst v29;
	v43 =	vld.idx.msk [tilespmem:v35+s21+$0x0], $0xffff;
	s17 =	smov.u32 s16;
	s16 =	sadd.s32 $0x4, s16  }
0xd5: {  	v39 =	vmul.f32 v39, v21;
	v44 =	vand.u32 $0x1C, v30;
	s5 =	sadd.s32 $0x1, s17;
	v29 =	vmov s23;
	v33 =	vld.idx.msk [tilespmem:v33+s21+$0x0], $0xffff  }
0xd6: {  	v30 =	vmov s5;
	s5 =	sadd.s32 $0x2, s17;
	v29 =	vand.u32 $0x1F, v29;
	[tilespmem:s13+$0x30] =	vst v42;
	v42 =	vmul.f32 v31, v8;
	v45 =	vld.idx.msk [tilespmem:v36+s21+$0x0], $0xffff  }
0xd7: {  	v34 =	vmul.f32 v34, v8;
	v30 =	vand.u32 $0x1D, v30;
	v29 =	vbroadcast v29, $0x0;
	v35 =	vld.idx.msk [tilespmem:v35+s20+$0x0], $0xffff  }
0xd8: {  	v37 =	vmul.f32 v37, v16;
	v31 =	vbroadcast v30, $0x0;
	v30 =	vmov s5;
	v36 =	vld.idx.msk [tilespmem:v36+s20+$0x0], $0xffff  }
0xd9: {  	v32 =	vadd.f32 v32, v42;
	v30 =	vand.u32 $0x1E, v30;
	v46 =	vor.u32 v0, v29;
	v47 =	vld.idx.msk [tilespmem:v28+s20+$0x0], $0xffff  }
0xda: {  	v48 =	vor.u32 v4, v27;
	v42 =	vor.u32 v0, v31;
	v30 =	vbroadcast v30, $0x0;
	v49 =	vld.idx.msk [tilespmem:v28+s21+$0x0], $0xffff  }
0xdb: {  	v37 =	vadd.f32 v39, v37;
	v41 =	vmul.f32 v41, v21;
	v33 =	vmul.f32 v33, v9  }
0xdc: {  	v38 =	vmul.f32 v38, v16;
	v39 =	vor.u32 v0, v30;
	v28 =	vor.u32 v4, v30;
	v50 =	vld.idx.msk [tilespmem:v40+s21+$0x0], $0xffff  }
0xdd: {  	v33 =	vadd.f32 v33, v34;
	v34 =	vmul.f32 v35, v8;
	v35 =	vmul.f32 v43, v9;
	v40 =	vld.idx.msk [tilespmem:v40+s20+$0x0], $0xffff  }
0xde: {  	v45 =	vmul.f32 v45, v9;
	v36 =	vmul.f32 v36, v8;
	v43 =	vld.idx.msk [tilespmem:v46+s20+$0x0], $0xffff;
	[tilespmem:s8+$0xFFFFFF70] =	vst v32  }
0xdf: {  	v38 =	vadd.f32 v41, v38;
	v41 =	vmul.f32 v47, v14;
	v51 =	vld.idx.msk [tilespmem:v42+s21+$0x0], $0xffff;
	[tilespmem:s8+$0xFFFFFFF0] =	vst v33  }
0xe0: {  	v32 =	vbroadcast v44, $0x0;
	v34 =	vadd.f32 v35, v34;
	v36 =	vadd.f32 v45, v36;
	v33 =	vld.idx.msk [tilespmem:v42+s20+$0x0], $0xffff;
	[tilespmem:s13+$0xFFFFFFB0] =	vst v37  }
0xe1: {  	v37 =	vor.u32 v4, v26;
	v35 =	vld.idx.msk [tilespmem:v39+s21+$0x0], $0xffff;
	[tilespmem:s13+$0xFFFFFF30] =	vst v38;
	v38 =	vmul.f32 v49, v15  }
0xe2: {  	v42 =	vor.u32 v0, v32;
	v44 =	vmul.f32 v50, v15;
	v39 =	vld.idx.msk [tilespmem:v39+s20+$0x0], $0xffff;
	[tilespmem:s8+$0x70] =	vst v36  }
0xe3: {  	v40 =	vmul.f32 v40, v14;
	v36 =	vld.idx.msk [tilespmem:v46+s21+$0x0], $0xffff;
	v38 =	vadd.f32 v38, v41;
	[tilespmem:s8+$0xF0] =	vst v34;
	s8 =	smov.u32 s13  }
0xe4: {  	v41 =	vor.u32 v5, v25;
	v34 =	vld.idx.msk [tilespmem:v48+s20+$0x0], $0xffff  }
0xe5: {  	v45 =	vld.idx.msk [tilespmem:v48+s21+$0x0], $0xffff;
	[tilespmem:s13+$0x40] =	vst v38;
	v38 =	vadd.f32 v44, v40  }
0xe6: {  	v40 =	vld.idx.msk [tilespmem:v37+s20+$0x0], $0xffff  }
0xe7: {  	v46 =	vor.u32 v5, v24;
	v44 =	vld.idx.msk [tilespmem:v42+s20+$0x0], $0xffff;
	[tilespmem:s13+$0xC0] =	vst v38  }
0xe8: {  	v38 =	vld.idx.msk [tilespmem:v42+s21+$0x0], $0xffff;
	v42 =	vmul.f32 v43, v17;
	v43 =	vor.u32 v1, v29  }
0xe9: {  	v47 =	vmul.f32 v51, v20;
	s13 =	sadd.s32 $0x200, s13;
	v36 =	vmul.f32 v36, v20;
	v48 =	vld.idx.msk [tilespmem:v41+s21+$0x0], $0xffff  }
0xea: {  	v49 =	vor.u32 v5, v27;
	v33 =	vmul.f32 v33, v17;
	v34 =	vmul.f32 v34, v14;
	v41 =	vld.idx.msk [tilespmem:v41+s20+$0x0], $0xffff  }
0xeb: {  	v50 =	vor.u32 v1, v31;
	v36 =	vadd.f32 v36, v42;
	v42 =	vmul.f32 v45, v15;
	v37 =	vld.idx.msk [tilespmem:v37+s21+$0x0], $0xffff  }
0xec: {  	v35 =	vmul.f32 v35, v20;
	v33 =	vadd.f32 v47, v33;
	v39 =	vmul.f32 v39, v17;
	v45 =	vld.idx.msk [tilespmem:v46+s20+$0x0], $0xffff  }
0xed: {  	v44 =	vmul.f32 v44, v17;
	v34 =	vadd.f32 v42, v34;
	[tilespmem:s13+$0x80] =	vst v36;
	v36 =	vmul.f32 v40, v14  }
0xee: {  	v38 =	vmul.f32 v38, v20;
	[tilespmem:s13+$0xFFFFFF80] =	vst v33;
	v33 =	vadd.f32 v35, v39;
	v35 =	vld.idx.msk [tilespmem:v43+s20+$0x0], $0xffff  }
0xef: {  	v39 =	vor.u32 v1, v30;
	v40 =	vld.idx.msk [tilespmem:v43+s21+$0x0], $0xffff;
	[tilespmem:s8+$0xFFFFFF40] =	vst v34;
	v34 =	vor.u32 v6, v25  }
0xf0: {  	v38 =	vadd.f32 v38, v44;
	v41 =	vmul.f32 v41, v12;
	v43 =	vmul.f32 v48, v13;
	v42 =	vld.idx.msk [tilespmem:v50+s20+$0x0], $0xffff  }
0xf1: {  	v44 =	vor.u32 v1, v32;
	v37 =	vmul.f32 v37, v15;
	v47 =	vld.idx.msk [tilespmem:v49+s20+$0x0], $0xffff  }
0xf2: {  	v48 =	vor.u32 v5, v26;
	v41 =	vadd.f32 v43, v41;
	[tilespmem:s13+$0xFFFFFF00] =	vst v38;
	v38 =	vld.idx.msk [tilespmem:v49+s21+$0x0], $0xffff  }
0xf3: {  	v43 =	vld.idx.msk [tilespmem:v50+s21+$0x0], $0xffff;
	[tilespmem:s13+$0x0] =	vst v33;
	v33 =	vadd.f32 v37, v36  }
0xf4: {  	v37 =	vor.u32 v2, v29;
	v36 =	vld.idx.msk [tilespmem:v39+s21+$0x0], $0xffff;
	[tilespmem:s8+$0xD0] =	vst v41  }
0xf5: {  	v35 =	vmul.f32 v35, v18;
	v40 =	vmul.f32 v40, v22;
	[tilespmem:s8+$0xFFFFFFC0] =	vst v33;
	v41 =	vld.idx.msk [tilespmem:v34+s21+$0x0], $0xffff  }
0xf6: {  	v33 =	vld.idx.msk [tilespmem:v39+s20+$0x0], $0xffff  }
0xf7: {  	v35 =	vadd.f32 v40, v35;
	v39 =	vmul.f32 v47, v12;
	v40 =	vld.idx.msk [tilespmem:v48+s20+$0x0], $0xffff  }
0xf8: {  	v42 =	vmul.f32 v42, v18;
	v47 =	vor.u32 v6, v27;
	v38 =	vmul.f32 v38, v13;
	v48 =	vld.idx.msk [tilespmem:v48+s21+$0x0], $0xffff  }
0xf9: {  	v49 =	vld.idx.msk [tilespmem:v44+s21+$0x0], $0xffff;
	[tilespmem:s13+$0x90] =	vst v35  }
0xfa: {  	v35 =	vmul.f32 v43, v22;
	v43 =	vor.u32 v2, v31;
	v38 =	vadd.f32 v38, v39;
	v50 =	vld.idx.msk [tilespmem:v37+s20+$0x0], $0xffff  }
0xfb: {  	v36 =	vmul.f32 v36, v22;
	v39 =	vor.u32 v2, v30;
	v37 =	vld.idx.msk [tilespmem:v37+s21+$0x0], $0xffff  }
0xfc: {  	v35 =	vadd.f32 v35, v42;
	v33 =	vmul.f32 v33, v18;
	v44 =	vld.idx.msk [tilespmem:v44+s20+$0x0], $0xffff;
	[tilespmem:s8+$0xFFFFFF50] =	vst v38  }
0xfd: {  	v40 =	vmul.f32 v40, v12;
	v38 =	vld.idx.msk [tilespmem:v47+s20+$0x0], $0xffff  }
0xfe: {  	v33 =	vadd.f32 v36, v33;
	[tilespmem:s13+$0xFFFFFF90] =	vst v35;
	v35 =	vmul.f32 v48, v13;
	v36 =	vld.idx.msk [tilespmem:v46+s21+$0x0], $0xffff  }
0xff: {  	v46 =	vor.u32 v6, v26;
	v42 =	vld.idx.msk [tilespmem:v43+s21+$0x0], $0xffff  }
0x100: {  	v43 =	vld.idx.msk [tilespmem:v43+s20+$0x0], $0xffff;
	[tilespmem:s13+$0x10] =	vst v33;
	v33 =	vor.u32 v3, v29;
	v35 =	vadd.f32 v35, v40  }
0x101: {  	v50 =	vmul.f32 v50, v19;
	v40 =	vor.u32 v2, v32;
	v37 =	vmul.f32 v37, v23;
	v48 =	vld.idx.msk [tilespmem:v39+s20+$0x0], $0xffff  }
0x102: {  	v49 =	vmul.f32 v49, v22;
	v44 =	vmul.f32 v44, v18;
	v39 =	vld.idx.msk [tilespmem:v39+s21+$0x0], $0xffff;
	[tilespmem:s8+$0xFFFFFFD0] =	vst v35  }
0x103: {  	v35 =	vadd.f32 v37, v50;
	v37 =	vld.idx.msk [tilespmem:v47+s21+$0x0], $0xffff  }
0x104: {  	v45 =	vmul.f32 v45, v12;
	v44 =	vadd.f32 v49, v44;
	v36 =	vmul.f32 v36, v13;
	v47 =	vld.idx.msk [tilespmem:v46+s20+$0x0], $0xffff  }
0x105: {  	[tilespmem:s13+$0xA0] =	vst v35;
	v35 =	vld.idx.msk [tilespmem:v46+s21+$0x0], $0xffff  }
0x106: {  	v36 =	vadd.f32 v36, v45;
	v45 =	vor.u32 v6, v24;
	[tilespmem:s13+$0xFFFFFF10] =	vst v44;
	v44 =	vld.idx.msk [tilespmem:v33+s20+$0x0], $0xffff  }
0x107: {  	v49 =	vor.u32 v3, v30;
	v46 =	vld.idx.msk [tilespmem:v40+s20+$0x0], $0xffff  }
0x108: {  	v48 =	vmul.f32 v48, v19;
	v39 =	vmul.f32 v39, v23;
	v40 =	vld.idx.msk [tilespmem:v40+s21+$0x0], $0xffff;
	[tilespmem:s8+$0x50] =	vst v36  }
0x109: {  	v38 =	vmul.f32 v38, v10;
	v37 =	vmul.f32 v37, v11;
	v36 =	vld.idx.msk [tilespmem:v33+s21+$0x0], $0xffff;
	v33 =	vor.u32 v7, v26  }
0x10a: {  	v50 =	vor.u32 v3, v31;
	v48 =	vadd.f32 v39, v48;
	v39 =	vor.u32 v7, v27;
	v34 =	vld.idx.msk [tilespmem:v34+s20+$0x0], $0xffff  }
0x10b: {  	v42 =	vmul.f32 v42, v23;
	v51 =	vmul.f32 v43, v19;
	v37 =	vadd.f32 v37, v38;
	v38 =	vld.idx.msk [tilespmem:v45+s20+$0x0], $0xffff  }
0x10c: {  	v43 =	vmul.f32 v47, v10;
	v26 =	vmov v31;
	v35 =	vmul.f32 v35, v11;
	[tilespmem:s13+$0x20] =	vst v48;
	v45 =	vld.idx.msk [tilespmem:v45+s21+$0x0], $0xffff  }
0x10d: {  	v31 =	vadd.f32 v42, v51;
	v27 =	vmov v32;
	v44 =	vmul.f32 v44, v16;
	v42 =	vld.idx.msk [tilespmem:v49+s20+$0x0], $0xffff;
	[tilespmem:s8+$0xFFFFFF60] =	vst v37  }
0x10e: {  	v35 =	vadd.f32 v35, v43;
	v37 =	vmul.f32 v40, v23;
	v40 =	vor.u32 v3, v27;
	v47 =	vld.idx.msk [tilespmem:v49+s21+$0x0], $0xffff  }
0x10f: {  	v43 =	vmul.f32 v46, v19;
	v36 =	vmul.f32 v36, v21;
	[tilespmem:s13+$0xFFFFFFA0] =	vst v31;
	v32 =	vld.idx.msk [tilespmem:v39+s21+$0x0], $0xffff  }
0x110: {  	v41 =	vmul.f32 v41, v11;
	v34 =	vmul.f32 v34, v10;
	v31 =	vld.idx.msk [tilespmem:v39+s20+$0x0], $0xffff;
	[tilespmem:s8+$0xFFFFFFE0] =	vst v35  }
.Ltmp2:
0x111: {  	v43 =	vadd.f32 v37, v43;
	v44 =	vadd.f32 v36, v44;
	v35 =	vor.u32 v7, v25;
	v39 =	vld.idx.msk [tilespmem:v50+s21+$0x0], $0xffff;
	(pc) =	sbr.rel @p1 .LBB2_3-.Ltmp2, $4  }
0x112: {  	v46 =	vmul.f32 v38, v10;
	v45 =	vmul.f32 v45, v11;
	v41 =	vadd.f32 v41, v34;
	v37 =	vld.idx.msk [tilespmem:v50+s20+$0x0], $0xffff  }
0x113: {  	v36 =	vor.u32 v7, v24;
	v25 =	vmov v29;
	v42 =	vmul.f32 v42, v16;
	[tilespmem:s13+$0xFFFFFF20] =	vst v43;
	v34 =	vld.idx.msk [tilespmem:v33+s20+$0x0], $0xffff  }
0x114: {  	v24 =	vmov v30;
	v43 =	vmul.f32 v47, v21;
	v29 =	vadd.f32 v45, v46;
	v38 =	vld.idx.msk [tilespmem:v40+s20+$0x0], $0xffff;
	[tilespmem:s8+$0xE0] =	vst v41  }
0x115: {  	v41 =	vld.idx.msk [tilespmem:v40+s21+$0x0], $0xffff;
	[tilespmem:s13+$0xB0] =	vst v44;
	v40 =	vor.u32 v4, v25  }
0x116: {  	_ =	sdelay $0x3  }
0x117: {  	v17 =	vor.u32 v4, v27;
	v19 =	vmul.f32 v38, v16;
	v18 =	vmul.f32 v41, v21;
	_ =	sdelay $0x1  }
0x118: {  	v20 =	vld.idx.msk [tilespmem:v40+s21+$0x0], $0xffff;
	v18 =	vadd.f32 v18, v19  }
0x119: {  	v22 =	vor.u32 v4, v26;
	v16 =	vmul.f32 v37, v16;
	v19 =	vmul.f32 v39, v21;
	v21 =	vld.idx.msk [tilespmem:v40+s20+$0x0], $0xffff  }
0x11a: {  	[tilespmem:s13+$0xFFFFFF30] =	vst v18  }
0x11b: {  	v16 =	vadd.f32 v19, v16;
	v18 =	vld.idx.msk [tilespmem:v17+s20+$0x0], $0xffff  }
0x11c: {  	v17 =	vld.idx.msk [tilespmem:v17+s21+$0x0], $0xffff  }
0x11d: {  	[tilespmem:s13+$0xFFFFFFB0] =	vst v16  }
0x11e: {  	v19 =	vmul.f32 v20, v15;
	v16 =	vadd.f32 v43, v42;
	v20 =	vmul.f32 v21, v14;
	v21 =	vld.idx.msk [tilespmem:v22+s20+$0x0], $0xffff  }
0x11f: {  	v23 =	vor.u32 v5, v25;
	v22 =	vld.idx.msk [tilespmem:v22+s21+$0x0], $0xffff  }
0x120: {  	[tilespmem:s13+$0x30] =	vst v16;
	v16 =	vadd.f32 v19, v20  }
0x121: {  	v19 =	vld.idx.msk [tilespmem:v28+s20+$0x0], $0xffff;
	v20 =	vor.u32 v5, v27;
	v18 =	vmul.f32 v18, v14;
	v17 =	vmul.f32 v17, v15  }
0x122: {  	v28 =	vld.idx.msk [tilespmem:v28+s21+$0x0], $0xffff  }
0x123: {  	[tilespmem:s13+$0xC0] =	vst v16;
	v16 =	vadd.f32 v17, v18  }
0x124: {  	v17 =	vld.idx.msk [tilespmem:v23+s21+$0x0], $0xffff;
	v18 =	vmul.f32 v21, v14;
	v21 =	vmul.f32 v22, v15;
	v22 =	vor.u32 v5, v26  }
0x125: {  	v23 =	vld.idx.msk [tilespmem:v23+s20+$0x0], $0xffff;
	[tilespmem:s13+$0xFFFFFF40] =	vst v16  }
0x126: {  	v18 =	vadd.f32 v21, v18;
	v16 =	vld.idx.msk [tilespmem:v20+s20+$0x0], $0xffff  }
0x127: {  	v14 =	vmul.f32 v19, v14;
	v15 =	vmul.f32 v28, v15;
	v19 =	vor.u32 v5, v24;
	v20 =	vld.idx.msk [tilespmem:v20+s21+$0x0], $0xffff  }
0x128: {  	[tilespmem:s13+$0xFFFFFFC0] =	vst v18  }
0x129: {  	v14 =	vadd.f32 v15, v14;
	v15 =	vld.idx.msk [tilespmem:v22+s20+$0x0], $0xffff  }
0x12a: {  	v18 =	vld.idx.msk [tilespmem:v22+s21+$0x0], $0xffff  }
0x12b: {  	v17 =	vmul.f32 v17, v13;
	[tilespmem:s13+$0x40] =	vst v14;
	v14 =	vmul.f32 v23, v12  }
0x12c: {  	v22 =	vor.u32 v6, v25;
	v21 =	vld.idx.msk [tilespmem:v19+s20+$0x0], $0xffff;
	v16 =	vmul.f32 v16, v12;
	v20 =	vmul.f32 v20, v13  }
0x12d: {  	v23 =	vor.u32 v6, v27;
	v19 =	vld.idx.msk [tilespmem:v19+s21+$0x0], $0xffff  }
0x12e: {  	v14 =	vadd.f32 v17, v14;
	v16 =	vadd.f32 v20, v16  }
0x12f: {  	v15 =	vmul.f32 v15, v12;
	v17 =	vmul.f32 v18, v13;
	v18 =	vor.u32 v6, v26  }
0x130: {  	v20 =	vld.idx.msk [tilespmem:v35+s21+$0x0], $0xffff;
	[tilespmem:s13+$0xD0] =	vst v14  }
0x131: {  	v14 =	vld.idx.msk [tilespmem:v22+s21+$0x0], $0xffff;
	[tilespmem:s13+$0xFFFFFF50] =	vst v16;
	v15 =	vadd.f32 v17, v15  }
0x132: {  	v12 =	vmul.f32 v21, v12;
	v13 =	vmul.f32 v19, v13;
	v17 =	vor.u32 v6, v24;
	v16 =	vld.idx.msk [tilespmem:v23+s20+$0x0], $0xffff  }
0x133: {  	[tilespmem:s13+$0xFFFFFFD0] =	vst v15;
	v15 =	vld.idx.msk [tilespmem:v23+s21+$0x0], $0xffff  }
0x134: {  	v12 =	vadd.f32 v13, v12;
	v19 =	vld.idx.msk [tilespmem:v18+s20+$0x0], $0xffff  }
0x135: {  	v13 =	vld.idx.msk [tilespmem:v18+s21+$0x0], $0xffff  }
0x136: {  	[tilespmem:s13+$0x50] =	vst v12;
	v12 =	vld.idx.msk [tilespmem:v22+s20+$0x0], $0xffff  }
0x137: {  	[tilespmem:s8+$0x60] =	vst v29;
	v18 =	vld.idx.msk [tilespmem:v17+s20+$0x0], $0xffff  }
0x138: {  	v21 =	vor.u32 v7, v27;
	v17 =	vld.idx.msk [tilespmem:v17+s21+$0x0], $0xffff;
	v16 =	vmul.f32 v16, v10;
	v15 =	vmul.f32 v15, v11  }
0x139: {  	v27 =	vld.idx.msk [tilespmem:v36+s20+$0x0], $0xffff;
	v23 =	vor.u32 v7, v26  }
0x13a: {  	v26 =	vld.idx.msk [tilespmem:v36+s21+$0x0], $0xffff;
	v13 =	vmul.f32 v13, v11;
	v15 =	vadd.f32 v15, v16;
	v16 =	vmul.f32 v19, v10  }
0x13b: {  	v25 =	vor.u32 v7, v25;
	v22 =	vld.idx.msk [tilespmem:v33+s21+$0x0], $0xffff;
	v14 =	vmul.f32 v14, v11;
	v12 =	vmul.f32 v12, v10  }
0x13c: {  	v19 =	vld.idx.msk [tilespmem:v35+s20+$0x0], $0xffff;
	v10 =	vmul.f32 v18, v10;
	[tilespmem:s13+$0xFFFFFF60] =	vst v15;
	v13 =	vadd.f32 v13, v16  }
0x13d: {  	v11 =	vmul.f32 v17, v11;
	v12 =	vadd.f32 v14, v12;
	v14 =	vor.u32 v7, v24;
	v15 =	vld.idx.msk [tilespmem:v21+s21+$0x0], $0xffff  }
0x13e: {  	v16 =	vld.idx.msk [tilespmem:v21+s20+$0x0], $0xffff;
	[tilespmem:s13+$0xFFFFFFE0] =	vst v13  }
0x13f: {  	v10 =	vadd.f32 v11, v10;
	[tilespmem:s13+$0xE0] =	vst v12;
	v13 =	vld.idx.msk [tilespmem:v23+s20+$0x0], $0xffff  }
0x140: {  	v11 =	vld.idx.msk [tilespmem:v25+s21+$0x0], $0xffff  }
0x141: {  	[tilespmem:s13+$0x60] =	vst v10;
	v10 =	vld.idx.msk [tilespmem:v23+s21+$0x0], $0xffff  }
0x142: {  	v17 =	vmul.f32 v31, v8;
	v12 =	vmul.f32 v32, v9;
	v18 =	vld.idx.msk [tilespmem:v14+s21+$0x0], $0xffff  }
0x143: {  	v22 =	vmul.f32 v22, v9;
	v21 =	vmul.f32 v34, v8;
	v14 =	vld.idx.msk [tilespmem:v14+s20+$0x0], $0xffff  }
0x144: {  	v23 =	vmul.f32 v26, v9;
	v24 =	vld.idx.msk [tilespmem:v25+s20+$0x0], $0xffff;
	v12 =	vadd.f32 v12, v17;
	v17 =	vmul.f32 v27, v8  }
0x145: {  	v20 =	vmul.f32 v20, v9;
	v21 =	vadd.f32 v22, v21;
	v19 =	vmul.f32 v19, v8  }
0x146: {  	[tilespmem:s8+$0xFFFFFF70] =	vst v12;
	v12 =	vadd.f32 v23, v17;
	v15 =	vmul.f32 v15, v9;
	v16 =	vmul.f32 v16, v8  }
0x147: {  	[tilespmem:s8+$0xFFFFFFF0] =	vst v21;
	v17 =	vadd.f32 v20, v19;
	v13 =	vmul.f32 v13, v8;
	v10 =	vmul.f32 v10, v9  }
0x148: {  	[tilespmem:s8+$0x70] =	vst v12;
	v12 =	vadd.f32 v15, v16;
	v14 =	vmul.f32 v14, v8;
	v15 =	vmul.f32 v18, v9  }
0x149: {  	[tilespmem:s8+$0xF0] =	vst v17;
	v10 =	vadd.f32 v10, v13;
	v8 =	vmul.f32 v24, v8;
	v9 =	vmul.f32 v11, v9  }
0x14a: {  	s5 =	sshll.u32 s6, $0x12;
	[tilespmem:s13+$0xFFFFFF70] =	vst v12;
	v11 =	vadd.f32 v15, v14  }
0x14b: {  	s5 =	sor.u32 s9, s5;
	[tilespmem:s13+$0xFFFFFFF0] =	vst v10;
	v8 =	vadd.f32 v9, v8  }
0x14c: {  	s5 =	sshrl.u32 s5, $0x3;
	[tilespmem:s13+$0x70] =	vst v11  }
0x14d: {  	s17 =	sadd.s32 s2, s5;
	[tilespmem:s13+$0xF0] =	vst v8  }
0x14e: {  	[hbm4b:s17+s3] =	stream.linear.scatter [tilespmem:s26], [sflag:$0x3], $0x400, $0x38;
	[tilespmem:$0x12800] =	vst v63  }
0x14f: {  	s23 =	sadd.s32 s5, s10  }
0x150: {  	[hbm4b:s23+s3] =	stream.linear.scatter [tilespmem:s28], [sflag:$0x3], $0x400, $0x38;
	[tilespmem:$0x12800] =	vst v63  }
0x151: {  	s13 =	sadd.s32 s5, s11  }
0x152: {  	[hbm4b:s13+s3] =	stream.linear.scatter [tilespmem:s29], [sflag:$0x3], $0x400, $0x38;
	[tilespmem:$0x12800] =	vst v63  }
0x153: {  	p1 =	seq.s32 s6, $0x31;
	s5 =	sadd.s32 s5, s12  }
0x154: {  	[hbm4b:s5+s3] =	stream.linear.scatter [tilespmem:s30], [sflag:$0x3], $0x400, $0x38;
	[tilespmem:$0x12800] =	vst v63  }
0x155: {  	s8 =	simm.s32 @!p1 $0x80;
	s13 =	simm.s32 @!p1 $0xC800;
	s5 =	sadd.s32 @!p1 $0x100, s7  }
0x156: {  	[tilespmem:s13], [sflag:$0x1] =	stream.indirect.gather @!p1 [hbm4b:s4+s8], $0x20, s5, s8, $0xb8;
	[tilespmem:$0x12800] =	vst v63  }
0x157: {  	s5 =	sadd.s32 @!p1 $0x3300, s7;
	s13 =	simm.s32 @!p1 $0xE800  }
0x158: {  	[tilespmem:s13], [sflag:$0x1] =	stream.indirect.gather @!p1 [hbm4b:s4+s8], $0x20, s5, s8, $0xb8;
	[tilespmem:$0x12800] =	vst v63  }
0x159: {  	_ =	swait.ge [sflag:s31], $0x1000  }
0x15a: {  	[sflag:s31] =	ssyncset.done $0x0  }
0x15b: {  	[sflag:s31] =	ssyncadd.s32 $0xFFFFF000  }
0x15c: {  	_ =	swait.ge [sflag:s31], $0x1000  }
0x15d: {  	[sflag:s31] =	ssyncset.done $0x0  }
0x15e: {  	s5 =	simm.s32 @!p0 $0x4;
	[sflag:s31] =	ssyncadd.s32 $0xFFFFF000  }
0x15f: {  	_ =	swait.ge @!p0 [sflag:s5], $0x400  }
0x160: {  	[sflag:s5] =	ssyncset.done @!p0 $0x0  }
0x161: {  	[sflag:s5] =	ssyncadd.s32 @!p0 $0xFFFFFC00  }
0x162: {  	_ =	swait.ge @!p0 [sflag:s5], $0x400  }
0x163: {  	[sflag:s5] =	ssyncset.done @!p0 $0x0  }
0x164: {  	[sflag:s5] =	ssyncadd.s32 @!p0 $0xFFFFFC00  }
0x165: {  	_ =	swait.ge @!p0 [sflag:s5], $0x400  }
0x166: {  	[sflag:s5] =	ssyncset.done @!p0 $0x0  }
0x167: {  	[sflag:s5] =	ssyncadd.s32 @!p0 $0xFFFFFC00  }
0x168: {  	_ =	swait.ge @!p0 [sflag:s5], $0x400  }
0x169: {  	s8 =	sor.u32 $0x1, s15;
	[sflag:s5] =	ssyncset.done @!p0 $0x0  }
0x16a: {  	[sflag:s5] =	ssyncadd.s32 @!p0 $0xFFFFFC00;
	s5 =	sshll.u32 s8, $0x7  }
0x16b: {  	v17 =	vld [tilespmem:s5+$0x6400]  }
0x16c: {  	v18 =	vld [tilespmem:s5+$0x6410]  }
0x16d: {  	v19 =	vld [tilespmem:s5+$0x6420]  }
0x16e: {  	s15 =	simm.s32 $0x3;
	v16 =	vld [tilespmem:s5+$0x6430]  }
0x16f: {  	v8 =	vmov s15;
	v14 =	vld [tilespmem:s5+$0x6440]  }
0x170: {  	v9 =	vand.u32 $0x1F, v8;
	v12 =	vld [tilespmem:s5+$0x6450]  }
0x171: {  	s16 =	simm.s32 $0x2;
	v29 =	vbroadcast v9, $0x0;
	v10 =	vld [tilespmem:s5+$0x6460]  }
0x172: {  	v9 =	vmov s16;
	v8 =	vld [tilespmem:s5+$0x6470]  }
0x173: {  	v9 =	vand.u32 $0x1E, v9;
	v11 =	vor.u32 v0, v29;
	v20 =	vld [tilespmem:s5+$0x9600]  }
0x174: {  	s17 =	simm.s32 $0x1;
	v30 =	vbroadcast v9, $0x0;
	v22 =	vld [tilespmem:s5+$0x9610]  }
0x175: {  	v13 =	vmov s17;
	v23 =	vld [tilespmem:s5+$0x9620]  }
0x176: {  	s23 =	simm.s32 $0x0;
	v9 =	vand.u32 $0x1D, v13;
	v25 =	vor.u32 v0, v30;
	v21 =	vld [tilespmem:s5+$0x9630]  }
0x177: {  	v24 =	vmov s23;
	v31 =	vbroadcast v9, $0x0;
	v15 =	vld [tilespmem:s5+$0x9640]  }
0x178: {  	v9 =	vand.u32 $0x1C, v24;
	v24 =	vld.idx.msk [tilespmem:v11+s22+$0x0], $0xffff  }
0x179: {  	v26 =	vor.u32 v0, v31;
	v27 =	vld.idx.msk [tilespmem:v11+s24+$0x0], $0xffff  }
0x17a: {  	v32 =	vbroadcast v9, $0x0;
	v13 =	vld [tilespmem:s5+$0x9650]  }
0x17b: {  	v54 =	vld.idx.msk [tilespmem:v25+s24+$0x0], $0xffff  }
0x17c: {  	v28 =	vor.u32 v0, v32;
	v25 =	vld.idx.msk [tilespmem:v25+s22+$0x0], $0xffff  }
0x17d: {  	v11 =	vld [tilespmem:s5+$0x9660]  }
0x17e: {  	v56 =	vor.u32 v1, v29;
	v55 =	vld.idx.msk [tilespmem:v26+s24+$0x0], $0xffff;
	v24 =	vmul.f32 v24, v17;
	v27 =	vmul.f32 v27, v20  }
0x17f: {  	v26 =	vld.idx.msk [tilespmem:v26+s22+$0x0], $0xffff  }
0x180: {  	v9 =	vld [tilespmem:s5+$0x9670];
	v24 =	vadd.f32 v27, v24  }
0x181: {  	s13 =	simm.s32 $0x11900;
	v57 =	vld.idx.msk [tilespmem:v28+s22+$0x0], $0xffff;
	v25 =	vmul.f32 v25, v17  }
0x182: {  	v27 =	vld.idx.msk [tilespmem:v28+s24+$0x0], $0xffff;
	v28 =	vmul.f32 v54, v20;
	[tilespmem:s13+$0x80] =	vst v24;
	v24 =	vor.u32 v1, v30  }
0x183: {  	v58 =	vld.idx.msk [tilespmem:v56+s22+$0x0], $0xffff  }
0x184: {  	v34 =	vmul.f32 v55, v20;
	v26 =	vmul.f32 v26, v17;
	v25 =	vadd.f32 v28, v25;
	v28 =	vld.idx.msk [tilespmem:v56+s24+$0x0], $0xffff  }
0x185: {  	v59 =	vor.u32 v1, v31  }
0x186: {  	[tilespmem:s13+$0x0] =	vst v25;
	v25 =	vadd.f32 v34, v26  }
0x187: {  	v36 =	vmul.f32 v57, v17;
	v26 =	vor.u32 v1, v32;
	v27 =	vmul.f32 v27, v20;
	v60 =	vld.idx.msk [tilespmem:v24+s24+$0x0], $0xffff  }
0x188: {  	[tilespmem:s13+$0xFFFFFF80] =	vst v25;
	v25 =	vor.u32 v2, v29;
	v24 =	vld.idx.msk [tilespmem:v24+s22+$0x0], $0xffff  }
0x189: {  	v27 =	vadd.f32 v27, v36;
	v33 =	vmul.f32 v58, v18;
	v28 =	vmul.f32 v28, v22  }
0x18a: {  	v61 =	vld.idx.msk [tilespmem:v59+s22+$0x0], $0xffff  }
0x18b: {  	[tilespmem:s13+$0xFFFFFF00] =	vst v27;
	v27 =	vld.idx.msk [tilespmem:v59+s24+$0x0], $0xffff;
	v28 =	vadd.f32 v28, v33  }
0x18c: {  	v63 =	vor.u32 v2, v30;
	v62 =	vld.idx.msk [tilespmem:v26+s24+$0x0], $0xffff  }
0x18d: {  	v26 =	vld.idx.msk [tilespmem:v26+s22+$0x0], $0xffff;
	[tilespmem:s13+$0x90] =	vst v28;
	v28 =	vmul.f32 v60, v22;
	v24 =	vmul.f32 v24, v18  }
0x18e: {  	v40 =	vld.idx.msk [tilespmem:v25+s22+$0x0], $0xffff  }
0x18f: {  	v25 =	vld.idx.msk [tilespmem:v25+s24+$0x0], $0xffff;
	v24 =	vadd.f32 v28, v24  }
0x190: {  	v28 =	vmul.f32 v61, v18;
	v27 =	vmul.f32 v27, v22  }
0x191: {  	[tilespmem:s13+$0x10] =	vst v24  }
0x192: {  	v41 =	vor.u32 v2, v31;
	v27 =	vadd.f32 v27, v28;
	v24 =	vld.idx.msk [tilespmem:v63+s22+$0x0], $0xffff  }
0x193: {  	v26 =	vmul.f32 v26, v18;
	v33 =	vmul.f32 v62, v22;
	v28 =	vld.idx.msk [tilespmem:v63+s24+$0x0], $0xffff  }
0x194: {  	v35 =	vmul.f32 v40, v19;
	v25 =	vmul.f32 v25, v23;
	[tilespmem:s13+$0xFFFFFF90] =	vst v27;
	v27 =	vor.u32 v2, v32  }
0x195: {  	v26 =	vadd.f32 v33, v26  }
0x196: {  	v25 =	vadd.f32 v25, v35  }
0x197: {  	v42 =	vor.u32 v3, v29;
	v43 =	vld.idx.msk [tilespmem:v41+s24+$0x0], $0xffff;
	[tilespmem:s13+$0xFFFFFF10] =	vst v26  }
0x198: {  	v44 =	vld.idx.msk [tilespmem:v41+s22+$0x0], $0xffff;
	[tilespmem:s13+$0xA0] =	vst v25  }
0x199: {  	v25 =	vor.u32 v3, v30;
	v24 =	vmul.f32 v24, v19;
	v28 =	vmul.f32 v28, v23;
	v45 =	vld.idx.msk [tilespmem:v27+s22+$0x0], $0xffff  }
0x19a: {  	v27 =	vld.idx.msk [tilespmem:v27+s24+$0x0], $0xffff  }
0x19b: {  	v24 =	vadd.f32 v28, v24  }
0x19c: {  	v26 =	vld.idx.msk [tilespmem:v42+s22+$0x0], $0xffff  }
0x19d: {  	v28 =	vld.idx.msk [tilespmem:v42+s24+$0x0], $0xffff;
	[tilespmem:s13+$0x20] =	vst v24  }
0x19e: {  	v46 =	vor.u32 v3, v31;
	v35 =	vmul.f32 v44, v19;
	v47 =	vmul.f32 v43, v23;
	v24 =	vld.idx.msk [tilespmem:v25+s22+$0x0], $0xffff  }
0x19f: {  	v25 =	vld.idx.msk [tilespmem:v25+s24+$0x0], $0xffff;
	v27 =	vmul.f32 v27, v23;
	v33 =	vmul.f32 v45, v19  }
0x1a0: {  	s16 =	simm.s32 $0x5;
	v49 =	vor.u32 v3, v32;
	v35 =	vadd.f32 v47, v35  }
0x1a1: {  	v53 =	vmov s16;
	v50 =	vmul.f32 v26, v16;
	v26 =	vadd.f32 v27, v33  }
0x1a2: {  	s15 =	simm.s32 $0x7;
	v52 =	vor.u32 v4, v29;
	v48 =	vor.u32 v4, v30;
	[tilespmem:s13+$0xFFFFFFA0] =	vst v35;
	v28 =	vmul.f32 v28, v21  }
0x1a3: {  	v51 =	vld.idx.msk [tilespmem:v46+s24+$0x0], $0xffff;
	v27 =	vmov s15;
	v24 =	vmul.f32 v24, v16;
	[tilespmem:s13+$0xFFFFFF20] =	vst v26;
	v26 =	vand.u32 $0x1D, v53  }
0x1a4: {  	v34 =	vld.idx.msk [tilespmem:v46+s22+$0x0], $0xffff;
	v28 =	vadd.f32 v28, v50;
	v25 =	vmul.f32 v25, v21;
	v26 =	vbroadcast v26, $0x0  }
0x1a5: {  	v27 =	vand.u32 $0x1F, v27;
	v36 =	vld.idx.msk [tilespmem:v49+s24+$0x0], $0xffff  }
0x1a6: {  	s17 =	simm.s32 $0x6;
	[tilespmem:s13+$0xB0] =	vst v28;
	v24 =	vadd.f32 v25, v24;
	v25 =	vbroadcast v27, $0x0;
	v27 =	vld.idx.msk [tilespmem:v49+s22+$0x0], $0xffff;
	v57 =	vor.u32 v0, v26  }
0x1a7: {  	v54 =	vmov s17;
	v59 =	vld.idx.msk [tilespmem:v52+s24+$0x0], $0xffff  }
0x1a8: {  	v35 =	vld.idx.msk [tilespmem:v52+s22+$0x0], $0xffff;
	[tilespmem:s13+$0x30] =	vst v24;
	v24 =	vand.u32 $0x1E, v54;
	v55 =	vor.u32 v0, v25  }
0x1a9: {  	v56 =	vld.idx.msk [tilespmem:v48+s22+$0x0], $0xffff;
	v24 =	vbroadcast v24, $0x0  }
0x1aa: {  	s23 =	simm.s32 $0x4;
	v62 =	vor.u32 v4, v31;
	v33 =	vmul.f32 v51, v21;
	v34 =	vmul.f32 v34, v16;
	v28 =	vld.idx.msk [tilespmem:v48+s24+$0x0], $0xffff  }
0x1ab: {  	v60 =	vmov s23;
	v58 =	vor.u32 v0, v24;
	v46 =	vld.idx.msk [tilespmem:v57+s24+$0x0], $0xffff  }
0x1ac: {  	v42 =	vand.u32 $0x1C, v60;
	v33 =	vadd.f32 v33, v34;
	v40 =	vld.idx.msk [tilespmem:v57+s22+$0x0], $0xffff  }
0x1ad: {  	v44 =	vor.u32 v4, v32;
	v36 =	vmul.f32 v36, v21;
	v45 =	vmul.f32 v27, v16;
	v61 =	vld.idx.msk [tilespmem:v55+s22+$0x0], $0xffff  }
0x1ae: {  	v47 =	vor.u32 v5, v29;
	[tilespmem:s13+$0xFFFFFFB0] =	vst v33;
	v27 =	vbroadcast v42, $0x0;
	v52 =	vmul.f32 v59, v15;
	v38 =	vld.idx.msk [tilespmem:v55+s24+$0x0], $0xffff  }
0x1af: {  	v35 =	vmul.f32 v35, v14;
	v36 =	vadd.f32 v36, v45;
	v55 =	vmul.f32 v56, v14;
	v56 =	vld.idx.msk [tilespmem:v62+s22+$0x0], $0xffff  }
0x1b0: {  	v42 =	vld.idx.msk [tilespmem:v58+s24+$0x0], $0xffff  }
0x1b1: {  	v63 =	vor.u32 v0, v27;
	v35 =	vadd.f32 v52, v35;
	[tilespmem:s13+$0xFFFFFF30] =	vst v36;
	v37 =	vld.idx.msk [tilespmem:v58+s22+$0x0], $0xffff  }
0x1b2: {  	v53 =	vld.idx.msk [tilespmem:v44+s22+$0x0], $0xffff  }
0x1b3: {  	[tilespmem:s13+$0xC0] =	vst v35;
	v54 =	vld.idx.msk [tilespmem:v44+s24+$0x0], $0xffff  }
0x1b4: {  	v49 =	vor.u32 v1, v26;
	v48 =	vor.u32 v5, v30;
	v28 =	vmul.f32 v28, v15;
	v60 =	vld.idx.msk [tilespmem:v47+s24+$0x0], $0xffff  }
0x1b5: {  	v59 =	vor.u32 v1, v25;
	v47 =	vld.idx.msk [tilespmem:v47+s22+$0x0], $0xffff;
	v46 =	vmul.f32 v46, v20;
	v40 =	vmul.f32 v40, v17  }
0x1b6: {  	v28 =	vadd.f32 v28, v55;
	v57 =	vld.idx.msk [tilespmem:v63+s22+$0x0], $0xffff;
	v58 =	vmul.f32 v61, v17;
	v38 =	vmul.f32 v38, v20  }
0x1b7: {  	v34 =	vld.idx.msk [tilespmem:v63+s24+$0x0], $0xffff;
	v40 =	vadd.f32 v46, v40  }
0x1b8: {  	s15 =	simm.s32 $0x11B00;
	[tilespmem:s13+$0x40] =	vst v28;
	v28 =	vor.u32 v5, v32;
	v61 =	vld.idx.msk [tilespmem:v62+s24+$0x0], $0xffff;
	v35 =	vadd.f32 v38, v58  }
0x1b9: {  	v45 =	vld.idx.msk [tilespmem:v48+s22+$0x0], $0xffff;
	v41 =	vmul.f32 v53, v14;
	v33 =	vmul.f32 v54, v15;
	[tilespmem:s15+$0xFFFFFF80] =	vst v40  }
0x1ba: {  	v52 =	vor.u32 v1, v24;
	v39 =	vmul.f32 v56, v14;
	[tilespmem:s15+$0x80] =	vst v35;
	v53 =	vld.idx.msk [tilespmem:v49+s22+$0x0], $0xffff  }
0x1bb: {  	v62 =	vmul.f32 v37, v17;
	v63 =	vmul.f32 v42, v20;
	v33 =	vadd.f32 v33, v41;
	v50 =	vld.idx.msk [tilespmem:v59+s22+$0x0], $0xffff  }
0x1bc: {  	v44 =	vor.u32 v6, v29;
	v54 =	vmul.f32 v47, v12;
	v36 =	vmul.f32 v60, v13;
	v43 =	vld.idx.msk [tilespmem:v59+s24+$0x0], $0xffff  }
0x1bd: {  	v51 =	vmul.f32 v57, v17;
	v35 =	vadd.f32 v63, v62;
	v57 =	vld.idx.msk [tilespmem:v49+s24+$0x0], $0xffff;
	[tilespmem:s13+$0xFFFFFF40] =	vst v33  }
0x1be: {  	v56 =	vor.u32 v5, v31;
	v38 =	vmul.f32 v61, v15;
	v36 =	vadd.f32 v36, v54;
	v55 =	vld.idx.msk [tilespmem:v28+s22+$0x0], $0xffff  }
0x1bf: {  	v58 =	vor.u32 v1, v27;
	[tilespmem:s15+$0x0] =	vst v35;
	v28 =	vld.idx.msk [tilespmem:v28+s24+$0x0], $0xffff  }
0x1c0: {  	v34 =	vmul.f32 v34, v20;
	v38 =	vadd.f32 v38, v39;
	[tilespmem:s13+$0xD0] =	vst v36;
	v59 =	vld.idx.msk [tilespmem:v52+s24+$0x0], $0xffff  }
0x1c1: {  	v46 =	vld.idx.msk [tilespmem:v44+s24+$0x0], $0xffff  }
0x1c2: {  	v34 =	vadd.f32 v34, v51;
	v61 =	vld.idx.msk [tilespmem:v52+s22+$0x0], $0xffff;
	[tilespmem:s13+$0xFFFFFFC0] =	vst v38  }
0x1c3: {  	v60 =	vor.u32 v2, v25;
	v40 =	vmul.f32 v50, v18;
	v43 =	vmul.f32 v43, v22;
	v63 =	vld.idx.msk [tilespmem:v56+s22+$0x0], $0xffff  }
0x1c4: {  	v54 =	vor.u32 v2, v26;
	[tilespmem:s15+$0xFFFFFF00] =	vst v34;
	v52 =	vld.idx.msk [tilespmem:v56+s24+$0x0], $0xffff  }
0x1c5: {  	v33 =	vmul.f32 v53, v18;
	v47 =	vld.idx.msk [tilespmem:v58+s24+$0x0], $0xffff;
	v53 =	vmul.f32 v57, v22;
	v62 =	vadd.f32 v43, v40  }
0x1c6: {  	v42 =	vor.u32 v6, v32;
	v35 =	vld.idx.msk [tilespmem:v58+s22+$0x0], $0xffff;
	v37 =	vmul.f32 v55, v12;
	v28 =	vmul.f32 v28, v13  }
0x1c7: {  	v33 =	vadd.f32 v53, v33;
	v56 =	vmul.f32 v59, v22;
	v59 =	vld.idx.msk [tilespmem:v48+s24+$0x0], $0xffff;
	[tilespmem:s15+$0x90] =	vst v62  }
0x1c8: {  	v57 =	vor.u32 v2, v24;
	v58 =	vmul.f32 v61, v18;
	v55 =	vld.idx.msk [tilespmem:v60+s22+$0x0], $0xffff;
	v28 =	vadd.f32 v28, v37  }
0x1c9: {  	[tilespmem:s15+$0xFFFFFF90] =	vst v33;
	v36 =	vld.idx.msk [tilespmem:v60+s24+$0x0], $0xffff  }
0x1ca: {  	v40 =	vld.idx.msk [tilespmem:v54+s24+$0x0], $0xffff;
	[tilespmem:s13+$0xFFFFFF50] =	vst v28;
	v28 =	vadd.f32 v56, v58  }
0x1cb: {  	v41 =	vld.idx.msk [tilespmem:v54+s22+$0x0], $0xffff;
	v54 =	vor.u32 v2, v27;
	v35 =	vmul.f32 v35, v18;
	v47 =	vmul.f32 v47, v22  }
0x1cc: {  	v60 =	vmul.f32 v63, v12;
	v61 =	vmul.f32 v52, v13;
	v38 =	vld.idx.msk [tilespmem:v42+s22+$0x0], $0xffff;
	[tilespmem:s15+$0x10] =	vst v28  }
0x1cd: {  	v62 =	vor.u32 v6, v31;
	v35 =	vadd.f32 v47, v35;
	v52 =	vld.idx.msk [tilespmem:v57+s22+$0x0], $0xffff  }
0x1ce: {  	v63 =	vor.u32 v3, v25;
	v28 =	vadd.f32 v61, v60;
	v39 =	vld.idx.msk [tilespmem:v57+s24+$0x0], $0xffff  }
0x1cf: {  	[tilespmem:s15+$0xFFFFFF10] =	vst v35;
	v53 =	vmul.f32 v55, v19;
	v36 =	vmul.f32 v36, v23;
	v55 =	vld.idx.msk [tilespmem:v42+s24+$0x0], $0xffff  }
0x1d0: {  	v60 =	vld.idx.msk [tilespmem:v54+s22+$0x0], $0xffff  }
0x1d1: {  	v49 =	vld.idx.msk [tilespmem:v54+s24+$0x0], $0xffff;
	[tilespmem:s13+$0xFFFFFFD0] =	vst v28;
	v28 =	vadd.f32 v36, v53  }
0x1d2: {  	v33 =	vmul.f32 v59, v13;
	v59 =	vor.u32 v6, v30;
	v57 =	vmul.f32 v45, v12;
	v56 =	vld.idx.msk [tilespmem:v62+s22+$0x0], $0xffff  }
0x1d3: {  	v43 =	vld.idx.msk [tilespmem:v62+s24+$0x0], $0xffff;
	[tilespmem:s15+$0xA0] =	vst v28  }
0x1d4: {  	v61 =	vor.u32 v3, v24;
	v40 =	vmul.f32 v40, v23;
	v33 =	vadd.f32 v33, v57;
	v58 =	vld.idx.msk [tilespmem:v63+s22+$0x0], $0xffff  }
0x1d5: {  	v62 =	vor.u32 v7, v32;
	v34 =	vmul.f32 v52, v19;
	v39 =	vmul.f32 v39, v23;
	v48 =	vld.idx.msk [tilespmem:v63+s24+$0x0], $0xffff  }
0x1d6: {  	v53 =	vmul.f32 v41, v19;
	v38 =	vmul.f32 v38, v10;
	[tilespmem:s13+$0x50] =	vst v33;
	v63 =	vld.idx.msk [tilespmem:v44+s22+$0x0], $0xffff  }
0x1d7: {  	v33 =	vor.u32 v7, v31;
	v36 =	vmul.f32 v55, v11;
	v54 =	vld.idx.msk [tilespmem:v59+s22+$0x0], $0xffff;
	v31 =	vadd.f32 v39, v34  }
0x1d8: {  	v40 =	vadd.f32 v40, v53;
	v52 =	vor.u32 v3, v26;
	v55 =	vld.idx.msk [tilespmem:v59+s24+$0x0], $0xffff;
	v59 =	vor.u32 v3, v27  }
0x1d9: {  	v42 =	vmul.f32 v60, v19;
	v36 =	vadd.f32 v36, v38;
	[tilespmem:s15+$0x20] =	vst v31;
	v31 =	vmul.f32 v56, v10  }
0x1da: {  	[tilespmem:s15+$0xFFFFFFA0] =	vst v40;
	v56 =	vmul.f32 v43, v11;
	v57 =	vld.idx.msk [tilespmem:v61+s22+$0x0], $0xffff;
	v35 =	vmul.f32 v58, v16  }
0x1db: {  	[tilespmem:s13+$0xFFFFFF60] =	vst v36;
	v58 =	vmul.f32 v49, v23;
	v47 =	vld.idx.msk [tilespmem:v61+s24+$0x0], $0xffff;
	v48 =	vmul.f32 v48, v21  }
0x1dc: {  	v32 =	vld.idx.msk [tilespmem:v62+s24+$0x0], $0xffff;
	v60 =	vmul.f32 v63, v10;
	v61 =	vmul.f32 v46, v11;
	v37 =	vadd.f32 v56, v31  }
0x1dd: {  	v39 =	vld.idx.msk [tilespmem:v52+s24+$0x0], $0xffff;
	v63 =	vmul.f32 v55, v11;
	v36 =	vadd.f32 v58, v42  }
0x1de: {  	v31 =	vld.idx.msk [tilespmem:v62+s22+$0x0], $0xffff;
	v62 =	vadd.f32 v48, v35;
	v40 =	vadd.f32 v61, v60;
	[tilespmem:s13+$0xFFFFFFE0] =	vst v37  }
0x1df: {  	v35 =	vor.u32 v7, v29;
	v29 =	vmul.f32 v54, v10;
	v37 =	vld.idx.msk [tilespmem:v52+s22+$0x0], $0xffff;
	[tilespmem:s15+$0xFFFFFF20] =	vst v36  }
0x1e0: {  	v28 =	vor.u32 v4, v24;
	v34 =	vld.idx.msk [tilespmem:v33+s22+$0x0], $0xffff;
	[tilespmem:s13+$0xE0] =	vst v40  }
0x1e1: {  	v36 =	vor.u32 v7, v30;
	v29 =	vadd.f32 v63, v29;
	[tilespmem:s15+$0xB0] =	vst v62;
	v38 =	vld.idx.msk [tilespmem:v59+s22+$0x0], $0xffff  }
0x1e2: {  	s16 =	simm.s32 $0x8;
	v40 =	vor.u32 v4, v25;
	v42 =	vmul.f32 v57, v16;
	v43 =	vmul.f32 v47, v21;
	v41 =	vld.idx.msk [tilespmem:v59+s24+$0x0], $0xffff  }
.LBB2_5:
0x1e3: {  	s5 =	sadd.s32 $0x3, s16  }
0x1e4: {  	v30 =	vmov s16;
	p0 =	slt.u32 s16, $0x1C;
	v42 =	vadd.f32 v43, v42;
	v32 =	vmul.f32 v32, v9;
	[tilespmem:s13+$0x60] =	vst v29;
	v43 =	vld.idx.msk [tilespmem:v35+s24+$0x0], $0xffff;
	s17 =	smov.u32 s16;
	s16 =	sadd.s32 $0x4, s16  }
0x1e5: {  	v39 =	vmul.f32 v39, v21;
	v44 =	vand.u32 $0x1C, v30;
	s23 =	sadd.s32 $0x1, s17;
	v29 =	vmov s5;
	v33 =	vld.idx.msk [tilespmem:v33+s24+$0x0], $0xffff  }
0x1e6: {  	s5 =	sadd.s32 $0x2, s17;
	v30 =	vmov s23;
	v29 =	vand.u32 $0x1F, v29;
	[tilespmem:s15+$0x30] =	vst v42;
	v42 =	vmul.f32 v31, v8;
	v45 =	vld.idx.msk [tilespmem:v36+s24+$0x0], $0xffff  }
0x1e7: {  	v34 =	vmul.f32 v34, v8;
	v30 =	vand.u32 $0x1D, v30;
	v29 =	vbroadcast v29, $0x0;
	v35 =	vld.idx.msk [tilespmem:v35+s22+$0x0], $0xffff  }
0x1e8: {  	v37 =	vmul.f32 v37, v16;
	v31 =	vbroadcast v30, $0x0;
	v30 =	vmov s5;
	v36 =	vld.idx.msk [tilespmem:v36+s22+$0x0], $0xffff  }
0x1e9: {  	v32 =	vadd.f32 v32, v42;
	v30 =	vand.u32 $0x1E, v30;
	v46 =	vor.u32 v0, v29;
	v47 =	vld.idx.msk [tilespmem:v28+s22+$0x0], $0xffff  }
0x1ea: {  	v48 =	vor.u32 v4, v27;
	v42 =	vor.u32 v0, v31;
	v30 =	vbroadcast v30, $0x0;
	v49 =	vld.idx.msk [tilespmem:v28+s24+$0x0], $0xffff  }
0x1eb: {  	v37 =	vadd.f32 v39, v37;
	v41 =	vmul.f32 v41, v21;
	v33 =	vmul.f32 v33, v9  }
0x1ec: {  	v38 =	vmul.f32 v38, v16;
	v39 =	vor.u32 v0, v30;
	v28 =	vor.u32 v4, v30;
	v50 =	vld.idx.msk [tilespmem:v40+s24+$0x0], $0xffff  }
0x1ed: {  	v33 =	vadd.f32 v33, v34;
	v34 =	vmul.f32 v35, v8;
	v35 =	vmul.f32 v43, v9;
	v40 =	vld.idx.msk [tilespmem:v40+s22+$0x0], $0xffff  }
0x1ee: {  	v45 =	vmul.f32 v45, v9;
	v36 =	vmul.f32 v36, v8;
	v43 =	vld.idx.msk [tilespmem:v46+s22+$0x0], $0xffff;
	[tilespmem:s13+$0xFFFFFF70] =	vst v32  }
0x1ef: {  	v38 =	vadd.f32 v41, v38;
	v41 =	vmul.f32 v47, v14;
	v51 =	vld.idx.msk [tilespmem:v42+s24+$0x0], $0xffff;
	[tilespmem:s13+$0xFFFFFFF0] =	vst v33  }
0x1f0: {  	v32 =	vbroadcast v44, $0x0;
	v34 =	vadd.f32 v35, v34;
	v36 =	vadd.f32 v45, v36;
	v33 =	vld.idx.msk [tilespmem:v42+s22+$0x0], $0xffff;
	[tilespmem:s15+$0xFFFFFFB0] =	vst v37  }
0x1f1: {  	v37 =	vor.u32 v4, v26;
	v35 =	vld.idx.msk [tilespmem:v39+s24+$0x0], $0xffff;
	[tilespmem:s15+$0xFFFFFF30] =	vst v38;
	v38 =	vmul.f32 v49, v15  }
0x1f2: {  	v42 =	vor.u32 v0, v32;
	v44 =	vmul.f32 v50, v15;
	v39 =	vld.idx.msk [tilespmem:v39+s22+$0x0], $0xffff;
	[tilespmem:s13+$0x70] =	vst v36  }
0x1f3: {  	v40 =	vmul.f32 v40, v14;
	v36 =	vld.idx.msk [tilespmem:v46+s24+$0x0], $0xffff;
	v38 =	vadd.f32 v38, v41;
	[tilespmem:s13+$0xF0] =	vst v34;
	s13 =	smov.u32 s15  }
0x1f4: {  	v41 =	vor.u32 v5, v25;
	v34 =	vld.idx.msk [tilespmem:v48+s22+$0x0], $0xffff  }
0x1f5: {  	v45 =	vld.idx.msk [tilespmem:v48+s24+$0x0], $0xffff;
	[tilespmem:s15+$0x40] =	vst v38;
	v38 =	vadd.f32 v44, v40  }
0x1f6: {  	v40 =	vld.idx.msk [tilespmem:v37+s22+$0x0], $0xffff  }
0x1f7: {  	v46 =	vor.u32 v5, v24;
	v44 =	vld.idx.msk [tilespmem:v42+s22+$0x0], $0xffff;
	[tilespmem:s15+$0xC0] =	vst v38  }
0x1f8: {  	v38 =	vld.idx.msk [tilespmem:v42+s24+$0x0], $0xffff;
	v42 =	vmul.f32 v43, v17;
	v43 =	vor.u32 v1, v29  }
0x1f9: {  	v47 =	vmul.f32 v51, v20;
	s15 =	sadd.s32 $0x200, s15;
	v36 =	vmul.f32 v36, v20;
	v48 =	vld.idx.msk [tilespmem:v41+s24+$0x0], $0xffff  }
0x1fa: {  	v49 =	vor.u32 v5, v27;
	v33 =	vmul.f32 v33, v17;
	v34 =	vmul.f32 v34, v14;
	v41 =	vld.idx.msk [tilespmem:v41+s22+$0x0], $0xffff  }
0x1fb: {  	v50 =	vor.u32 v1, v31;
	v36 =	vadd.f32 v36, v42;
	v42 =	vmul.f32 v45, v15;
	v37 =	vld.idx.msk [tilespmem:v37+s24+$0x0], $0xffff  }
0x1fc: {  	v35 =	vmul.f32 v35, v20;
	v33 =	vadd.f32 v47, v33;
	v39 =	vmul.f32 v39, v17;
	v45 =	vld.idx.msk [tilespmem:v46+s22+$0x0], $0xffff  }
0x1fd: {  	v44 =	vmul.f32 v44, v17;
	v34 =	vadd.f32 v42, v34;
	[tilespmem:s15+$0x80] =	vst v36;
	v36 =	vmul.f32 v40, v14  }
0x1fe: {  	v38 =	vmul.f32 v38, v20;
	[tilespmem:s15+$0xFFFFFF80] =	vst v33;
	v33 =	vadd.f32 v35, v39;
	v35 =	vld.idx.msk [tilespmem:v43+s22+$0x0], $0xffff  }
0x1ff: {  	v39 =	vor.u32 v1, v30;
	v40 =	vld.idx.msk [tilespmem:v43+s24+$0x0], $0xffff;
	[tilespmem:s13+$0xFFFFFF40] =	vst v34;
	v34 =	vor.u32 v6, v25  }
0x200: {  	v38 =	vadd.f32 v38, v44;
	v41 =	vmul.f32 v41, v12;
	v43 =	vmul.f32 v48, v13;
	v42 =	vld.idx.msk [tilespmem:v50+s22+$0x0], $0xffff  }
0x201: {  	v44 =	vor.u32 v1, v32;
	v37 =	vmul.f32 v37, v15;
	v47 =	vld.idx.msk [tilespmem:v49+s22+$0x0], $0xffff  }
0x202: {  	v48 =	vor.u32 v5, v26;
	v41 =	vadd.f32 v43, v41;
	[tilespmem:s15+$0xFFFFFF00] =	vst v38;
	v38 =	vld.idx.msk [tilespmem:v49+s24+$0x0], $0xffff  }
0x203: {  	v43 =	vld.idx.msk [tilespmem:v50+s24+$0x0], $0xffff;
	[tilespmem:s15+$0x0] =	vst v33;
	v33 =	vadd.f32 v37, v36  }
0x204: {  	v37 =	vor.u32 v2, v29;
	v36 =	vld.idx.msk [tilespmem:v39+s24+$0x0], $0xffff;
	[tilespmem:s13+$0xD0] =	vst v41  }
0x205: {  	v35 =	vmul.f32 v35, v18;
	v40 =	vmul.f32 v40, v22;
	[tilespmem:s13+$0xFFFFFFC0] =	vst v33;
	v41 =	vld.idx.msk [tilespmem:v34+s24+$0x0], $0xffff  }
0x206: {  	v33 =	vld.idx.msk [tilespmem:v39+s22+$0x0], $0xffff  }
0x207: {  	v35 =	vadd.f32 v40, v35;
	v39 =	vmul.f32 v47, v12;
	v40 =	vld.idx.msk [tilespmem:v48+s22+$0x0], $0xffff  }
0x208: {  	v42 =	vmul.f32 v42, v18;
	v47 =	vor.u32 v6, v27;
	v38 =	vmul.f32 v38, v13;
	v48 =	vld.idx.msk [tilespmem:v48+s24+$0x0], $0xffff  }
0x209: {  	v49 =	vld.idx.msk [tilespmem:v44+s24+$0x0], $0xffff;
	[tilespmem:s15+$0x90] =	vst v35  }
0x20a: {  	v35 =	vmul.f32 v43, v22;
	v43 =	vor.u32 v2, v31;
	v38 =	vadd.f32 v38, v39;
	v50 =	vld.idx.msk [tilespmem:v37+s22+$0x0], $0xffff  }
0x20b: {  	v36 =	vmul.f32 v36, v22;
	v39 =	vor.u32 v2, v30;
	v37 =	vld.idx.msk [tilespmem:v37+s24+$0x0], $0xffff  }
0x20c: {  	v35 =	vadd.f32 v35, v42;
	v33 =	vmul.f32 v33, v18;
	v44 =	vld.idx.msk [tilespmem:v44+s22+$0x0], $0xffff;
	[tilespmem:s13+$0xFFFFFF50] =	vst v38  }
0x20d: {  	v40 =	vmul.f32 v40, v12;
	v38 =	vld.idx.msk [tilespmem:v47+s22+$0x0], $0xffff  }
0x20e: {  	v33 =	vadd.f32 v36, v33;
	[tilespmem:s15+$0xFFFFFF90] =	vst v35;
	v35 =	vmul.f32 v48, v13;
	v36 =	vld.idx.msk [tilespmem:v46+s24+$0x0], $0xffff  }
0x20f: {  	v46 =	vor.u32 v6, v26;
	v42 =	vld.idx.msk [tilespmem:v43+s24+$0x0], $0xffff  }
0x210: {  	v43 =	vld.idx.msk [tilespmem:v43+s22+$0x0], $0xffff;
	[tilespmem:s15+$0x10] =	vst v33;
	v33 =	vor.u32 v3, v29;
	v35 =	vadd.f32 v35, v40  }
0x211: {  	v50 =	vmul.f32 v50, v19;
	v40 =	vor.u32 v2, v32;
	v37 =	vmul.f32 v37, v23;
	v48 =	vld.idx.msk [tilespmem:v39+s22+$0x0], $0xffff  }
0x212: {  	v49 =	vmul.f32 v49, v22;
	v44 =	vmul.f32 v44, v18;
	v39 =	vld.idx.msk [tilespmem:v39+s24+$0x0], $0xffff;
	[tilespmem:s13+$0xFFFFFFD0] =	vst v35  }
0x213: {  	v35 =	vadd.f32 v37, v50;
	v37 =	vld.idx.msk [tilespmem:v47+s24+$0x0], $0xffff  }
0x214: {  	v45 =	vmul.f32 v45, v12;
	v44 =	vadd.f32 v49, v44;
	v36 =	vmul.f32 v36, v13;
	v47 =	vld.idx.msk [tilespmem:v46+s22+$0x0], $0xffff  }
0x215: {  	[tilespmem:s15+$0xA0] =	vst v35;
	v35 =	vld.idx.msk [tilespmem:v46+s24+$0x0], $0xffff  }
0x216: {  	v36 =	vadd.f32 v36, v45;
	v45 =	vor.u32 v6, v24;
	[tilespmem:s15+$0xFFFFFF10] =	vst v44;
	v44 =	vld.idx.msk [tilespmem:v33+s22+$0x0], $0xffff  }
0x217: {  	v49 =	vor.u32 v3, v30;
	v46 =	vld.idx.msk [tilespmem:v40+s22+$0x0], $0xffff  }
0x218: {  	v48 =	vmul.f32 v48, v19;
	v39 =	vmul.f32 v39, v23;
	v40 =	vld.idx.msk [tilespmem:v40+s24+$0x0], $0xffff;
	[tilespmem:s13+$0x50] =	vst v36  }
0x219: {  	v38 =	vmul.f32 v38, v10;
	v37 =	vmul.f32 v37, v11;
	v36 =	vld.idx.msk [tilespmem:v33+s24+$0x0], $0xffff;
	v33 =	vor.u32 v7, v26  }
0x21a: {  	v50 =	vor.u32 v3, v31;
	v48 =	vadd.f32 v39, v48;
	v39 =	vor.u32 v7, v27;
	v34 =	vld.idx.msk [tilespmem:v34+s22+$0x0], $0xffff  }
0x21b: {  	v42 =	vmul.f32 v42, v23;
	v51 =	vmul.f32 v43, v19;
	v37 =	vadd.f32 v37, v38;
	v38 =	vld.idx.msk [tilespmem:v45+s22+$0x0], $0xffff  }
0x21c: {  	v43 =	vmul.f32 v47, v10;
	v26 =	vmov v31;
	v35 =	vmul.f32 v35, v11;
	[tilespmem:s15+$0x20] =	vst v48;
	v45 =	vld.idx.msk [tilespmem:v45+s24+$0x0], $0xffff  }
0x21d: {  	v31 =	vadd.f32 v42, v51;
	v27 =	vmov v32;
	v44 =	vmul.f32 v44, v16;
	v42 =	vld.idx.msk [tilespmem:v49+s22+$0x0], $0xffff;
	[tilespmem:s13+$0xFFFFFF60] =	vst v37  }
0x21e: {  	v35 =	vadd.f32 v35, v43;
	v37 =	vmul.f32 v40, v23;
	v40 =	vor.u32 v3, v27;
	v47 =	vld.idx.msk [tilespmem:v49+s24+$0x0], $0xffff  }
0x21f: {  	v43 =	vmul.f32 v46, v19;
	v36 =	vmul.f32 v36, v21;
	[tilespmem:s15+$0xFFFFFFA0] =	vst v31;
	v32 =	vld.idx.msk [tilespmem:v39+s24+$0x0], $0xffff  }
0x220: {  	v41 =	vmul.f32 v41, v11;
	v34 =	vmul.f32 v34, v10;
	v31 =	vld.idx.msk [tilespmem:v39+s22+$0x0], $0xffff;
	[tilespmem:s13+$0xFFFFFFE0] =	vst v35  }
.Ltmp3:
0x221: {  	v43 =	vadd.f32 v37, v43;
	v44 =	vadd.f32 v36, v44;
	v35 =	vor.u32 v7, v25;
	v39 =	vld.idx.msk [tilespmem:v50+s24+$0x0], $0xffff;
	(pc) =	sbr.rel @p0 .LBB2_5-.Ltmp3, $4  }
0x222: {  	v46 =	vmul.f32 v38, v10;
	v45 =	vmul.f32 v45, v11;
	v41 =	vadd.f32 v41, v34;
	v37 =	vld.idx.msk [tilespmem:v50+s22+$0x0], $0xffff  }
0x223: {  	v36 =	vor.u32 v7, v24;
	v25 =	vmov v29;
	v42 =	vmul.f32 v42, v16;
	[tilespmem:s15+$0xFFFFFF20] =	vst v43;
	v34 =	vld.idx.msk [tilespmem:v33+s22+$0x0], $0xffff  }
0x224: {  	v24 =	vmov v30;
	v43 =	vmul.f32 v47, v21;
	v29 =	vadd.f32 v45, v46;
	v38 =	vld.idx.msk [tilespmem:v40+s22+$0x0], $0xffff;
	[tilespmem:s13+$0xE0] =	vst v41  }
0x225: {  	v41 =	vld.idx.msk [tilespmem:v40+s24+$0x0], $0xffff;
	[tilespmem:s15+$0xB0] =	vst v44;
	v40 =	vor.u32 v4, v25  }
0x226: {  	_ =	sdelay $0x1  }
0x227: {  	v20 =	vmul.f32 v39, v21  }
0x228: {  	v22 =	vor.u32 v4, v26;
	v30 =	vadd.f32 v43, v42;
	v62 =	vmul.f32 v37, v16  }
0x229: {  	v17 =	vor.u32 v4, v27;
	v61 =	vld.idx.msk [tilespmem:v40+s24+$0x0], $0xffff;
	v19 =	vmul.f32 v38, v16;
	v18 =	vmul.f32 v41, v21  }
0x22a: {  	v63 =	vld.idx.msk [tilespmem:v40+s22+$0x0], $0xffff;
	[tilespmem:s15+$0x30] =	vst v30;
	v16 =	vadd.f32 v20, v62  }
0x22b: {  	v40 =	vld.idx.msk [tilespmem:v28+s22+$0x0], $0xffff;
	v18 =	vadd.f32 v18, v19  }
0x22c: {  	v42 =	vld.idx.msk [tilespmem:v28+s24+$0x0], $0xffff;
	[tilespmem:s15+$0xFFFFFFB0] =	vst v16  }
0x22d: {  	v38 =	vld.idx.msk [tilespmem:v22+s22+$0x0], $0xffff;
	[tilespmem:s15+$0xFFFFFF30] =	vst v18  }
0x22e: {  	v18 =	vld.idx.msk [tilespmem:v17+s22+$0x0], $0xffff  }
0x22f: {  	v17 =	vld.idx.msk [tilespmem:v17+s24+$0x0], $0xffff  }
0x230: {  	v23 =	vor.u32 v5, v25;
	v37 =	vmul.f32 v63, v14;
	v19 =	vmul.f32 v61, v15  }
0x231: {  	v50 =	vor.u32 v5, v24;
	v22 =	vld.idx.msk [tilespmem:v22+s24+$0x0], $0xffff  }
0x232: {  	v39 =	vadd.f32 v19, v37;
	v48 =	vmul.f32 v40, v14;
	v49 =	vmul.f32 v42, v15  }
0x233: {  	v41 =	vor.u32 v5, v27;
	v45 =	vmul.f32 v38, v14  }
0x234: {  	[tilespmem:s15+$0xC0] =	vst v39;
	v18 =	vmul.f32 v18, v14;
	v17 =	vmul.f32 v17, v15;
	v14 =	vadd.f32 v49, v48  }
0x235: {  	v47 =	vor.u32 v5, v26;
	v44 =	vld.idx.msk [tilespmem:v23+s24+$0x0], $0xffff  }
0x236: {  	v46 =	vmul.f32 v22, v15;
	v23 =	vld.idx.msk [tilespmem:v23+s22+$0x0], $0xffff;
	v43 =	vadd.f32 v17, v18;
	[tilespmem:s15+$0x40] =	vst v14  }
0x237: {  	v53 =	vld.idx.msk [tilespmem:v50+s22+$0x0], $0xffff  }
0x238: {  	v18 =	vadd.f32 v46, v45;
	v19 =	vld.idx.msk [tilespmem:v50+s24+$0x0], $0xffff;
	[tilespmem:s15+$0xFFFFFF40] =	vst v43  }
0x239: {  	v16 =	vld.idx.msk [tilespmem:v41+s22+$0x0], $0xffff  }
0x23a: {  	[tilespmem:s15+$0xFFFFFFC0] =	vst v18;
	v20 =	vld.idx.msk [tilespmem:v41+s24+$0x0], $0xffff  }
0x23b: {  	v51 =	vld.idx.msk [tilespmem:v47+s22+$0x0], $0xffff  }
0x23c: {  	v54 =	vor.u32 v6, v25;
	v52 =	vmul.f32 v23, v12;
	v17 =	vmul.f32 v44, v13  }
0x23d: {  	v60 =	vor.u32 v6, v24;
	v18 =	vld.idx.msk [tilespmem:v47+s24+$0x0], $0xffff  }
0x23e: {  	v14 =	vadd.f32 v17, v52;
	v58 =	vmul.f32 v53, v12;
	v59 =	vmul.f32 v19, v13  }
0x23f: {  	v55 =	vor.u32 v6, v27;
	v16 =	vmul.f32 v16, v12  }
0x240: {  	[tilespmem:s15+$0xD0] =	vst v14;
	v20 =	vmul.f32 v20, v13;
	v15 =	vmul.f32 v51, v12;
	v12 =	vadd.f32 v59, v58  }
0x241: {  	v57 =	vor.u32 v6, v26;
	v14 =	vld.idx.msk [tilespmem:v54+s24+$0x0], $0xffff  }
0x242: {  	v28 =	vld.idx.msk [tilespmem:v54+s22+$0x0], $0xffff;
	v56 =	vmul.f32 v18, v13;
	v16 =	vadd.f32 v20, v16;
	[tilespmem:s15+$0x50] =	vst v12  }
0x243: {  	v30 =	vld.idx.msk [tilespmem:v60+s22+$0x0], $0xffff  }
0x244: {  	v15 =	vadd.f32 v56, v15;
	v17 =	vld.idx.msk [tilespmem:v60+s24+$0x0], $0xffff;
	[tilespmem:s15+$0xFFFFFF50] =	vst v16  }
0x245: {  	v16 =	vld.idx.msk [tilespmem:v55+s22+$0x0], $0xffff  }
0x246: {  	[tilespmem:s15+$0xFFFFFFD0] =	vst v15;
	v61 =	vld.idx.msk [tilespmem:v55+s24+$0x0], $0xffff  }
0x247: {  	[tilespmem:s13+$0x60] =	vst v29;
	v62 =	vld.idx.msk [tilespmem:v57+s22+$0x0], $0xffff  }
0x248: {  	v40 =	vld.idx.msk [tilespmem:v36+s24+$0x0], $0xffff  }
0x249: {  	v43 =	vor.u32 v7, v25;
	v12 =	vmul.f32 v28, v10;
	v14 =	vmul.f32 v14, v11;
	v63 =	vld.idx.msk [tilespmem:v57+s24+$0x0], $0xffff  }
0x24a: {  	v42 =	vld.idx.msk [tilespmem:v35+s22+$0x0], $0xffff;
	v47 =	vor.u32 v7, v24;
	v45 =	vmul.f32 v30, v10;
	v46 =	vmul.f32 v17, v11  }
0x24b: {  	v37 =	vor.u32 v7, v27;
	v38 =	vld.idx.msk [tilespmem:v33+s24+$0x0], $0xffff;
	v12 =	vadd.f32 v14, v12;
	v16 =	vmul.f32 v16, v10  }
0x24c: {  	v44 =	vld.idx.msk [tilespmem:v36+s22+$0x0], $0xffff;
	v15 =	vmul.f32 v61, v11;
	v41 =	vmul.f32 v62, v10;
	v10 =	vadd.f32 v46, v45  }
0x24d: {  	v39 =	vor.u32 v7, v26;
	v20 =	vld.idx.msk [tilespmem:v35+s24+$0x0], $0xffff;
	[tilespmem:s15+$0xE0] =	vst v12  }
0x24e: {  	v49 =	vld.idx.msk [tilespmem:v43+s24+$0x0], $0xffff;
	v13 =	vmul.f32 v63, v11;
	v15 =	vadd.f32 v15, v16;
	[tilespmem:s15+$0x60] =	vst v10  }
0x24f: {  	v53 =	vld.idx.msk [tilespmem:v47+s24+$0x0], $0xffff  }
0x250: {  	v13 =	vadd.f32 v13, v41;
	v14 =	vld.idx.msk [tilespmem:v47+s22+$0x0], $0xffff;
	[tilespmem:s15+$0xFFFFFF60] =	vst v15  }
0x251: {  	v15 =	vld.idx.msk [tilespmem:v37+s24+$0x0], $0xffff  }
0x252: {  	[tilespmem:s15+$0xFFFFFFE0] =	vst v13;
	v48 =	vld.idx.msk [tilespmem:v37+s22+$0x0], $0xffff  }
0x253: {  	v22 =	vmul.f32 v38, v9;
	v54 =	vmul.f32 v34, v8;
	v13 =	vld.idx.msk [tilespmem:v39+s22+$0x0], $0xffff  }
0x254: {  	v52 =	vmul.f32 v31, v8;
	v51 =	vmul.f32 v32, v9;
	v50 =	vld.idx.msk [tilespmem:v39+s24+$0x0], $0xffff  }
0x255: {  	v21 =	vadd.f32 v22, v54;
	v56 =	vmul.f32 v40, v9;
	v55 =	vmul.f32 v44, v8;
	v57 =	vld.idx.msk [tilespmem:v43+s22+$0x0], $0xffff  }
0x256: {  	v19 =	vmul.f32 v42, v8;
	v12 =	vadd.f32 v51, v52;
	v20 =	vmul.f32 v20, v9  }
0x257: {  	[tilespmem:s13+$0xFFFFFFF0] =	vst v21;
	v58 =	vadd.f32 v56, v55;
	v14 =	vmul.f32 v14, v8;
	v61 =	vmul.f32 v53, v9  }
0x258: {  	[tilespmem:s13+$0xFFFFFF70] =	vst v12;
	v59 =	vadd.f32 v20, v19;
	v15 =	vmul.f32 v15, v9;
	v16 =	vmul.f32 v48, v8  }
0x259: {  	[tilespmem:s13+$0x70] =	vst v58;
	v13 =	vmul.f32 v13, v8;
	v10 =	vmul.f32 v50, v9;
	v63 =	vadd.f32 v61, v14  }
0x25a: {  	[tilespmem:s13+$0xF0] =	vst v59;
	v62 =	vmul.f32 v49, v9;
	v8 =	vmul.f32 v57, v8;
	v60 =	vadd.f32 v15, v16  }
0x25b: {  	s5 =	sshll.u32 s8, $0x11;
	v10 =	vadd.f32 v10, v13;
	[tilespmem:s15+$0x70] =	vst v63  }
0x25c: {  	s5 =	sor.u32 s9, s5;
	v8 =	vadd.f32 v62, v8;
	[tilespmem:s15+$0xFFFFFF70] =	vst v60  }
0x25d: {  	s5 =	sshrl.u32 s5, $0x3;
	[tilespmem:s15+$0xFFFFFFF0] =	vst v10  }
0x25e: {  	s16 =	sadd.s32 s2, s5;
	[tilespmem:s15+$0xF0] =	vst v8  }
0x25f: {  	[hbm4b:s16+s3] =	stream.linear.scatter [tilespmem:s0], [sflag:$0x4], $0x400, $0x38;
	[tilespmem:$0x12800] =	vst v63  }
0x260: {  	s17 =	sadd.s32 s5, s10  }
0x261: {  	[hbm4b:s17+s3] =	stream.linear.scatter [tilespmem:s1], [sflag:$0x4], $0x400, $0x38;
	[tilespmem:$0x12800] =	vst v63  }
.Ltmp4:
0x262: {  	_ = 	snop;
	(pc) =	sbr.rel @p1 .LBB2_8-.Ltmp4, $4  }
0x263: {  	s23 =	sadd.s32 s5, s11  }
0x264: {  	[hbm4b:s23+s3] =	stream.linear.scatter [tilespmem:s18], [sflag:$0x4], $0x400, $0x38;
	[tilespmem:$0x12800] =	vst v63  }
0x265: {  	s5 =	sadd.s32 s5, s12  }
0x266: {  	[hbm4b:s5+s3] =	stream.linear.scatter [tilespmem:s19], [sflag:$0x4], $0x400, $0x38;
	[tilespmem:$0x12800] =	vst v63  }
.Ltmp5:
0x267: {  	(pc) =	sbr.rel .LBB2_2-.Ltmp5, $4  }
0x268: {  	s5 =	sadd.s32 $0x180, s7  }
0x269: {  	[tilespmem:s22], [sflag:$0x2] =	stream.indirect.gather [hbm4b:s4+s14], $0x20, s5, s14, $0xb8;
	[tilespmem:$0x12800] =	vst v63  }
0x26a: {  	s23 =	sadd.s32 $0x3380, s7;
	s6 =	sadd.s32 $0x1, s6  }
0x26b: {  	[tilespmem:s24], [sflag:$0x2] =	stream.indirect.gather [hbm4b:s4+s14], $0x20, s23, s14, $0xb8;
	[tilespmem:$0x12800] =	vst v63  }
.LBB2_9:
0x26c: {  	_ =	sfence.sel $0x180000  }
0x26d: {  	[bflag:$0x0] =	sbarrier.arrive $0xFFFF  }
0x26e: {  	_ =	strace $0x90000047  }
0x26f: {  	s0 =	stileid.u32;
	[bflag:$0x2] =	sbarrier.arrive $0xFFFF  }
0x270: {  	p0 =	sne.s32 s0, $0x0;
	s0 =	rddreg [dreg:$0x2]  }
0x271: {  	s0 =	sadd.s32 @!p0 $0x100000, s0  }
0x272: {  	[sflag:s0] =	ssyncadd.tile.s32 @!p0 $0x1;
	_ =	shalt  }
.Lfunc_end2:
_tile_overlayer_lowered:
.L_overlay_start_2:
0x273: {  	(tag) =	ssettag $0x2  }
0x274: {  	s0 =	rddreg [dreg:$0x0];
	s2 =	stileid.u32  }
0x275: {  	s1 =	rddreg [dreg:$0x1];
	p0 =	sne.s32 s2, $0x0  }
0x276: {  	s3 =	rddreg [dreg:$0x2];
	[bflag:$0x3] =	sbarrier.arrive $0xFFFF;
	s2 =	simm.s32 @!p0 $0x1C05  }
0x277: {  	[timem:s3], [sflag:s2] =	dma.local @!p0 [hbm:s0], s1  }
0x278: {  	s0 =	simm.s32 @!p0 $0x5  }
0x279: {  	_ =	swait.ge @!p0 [sflag:s0], s1  }
0x27a: {  	s1 =	ssub.s32 @!p0 $0x0, s1;
	[sflag:s0] =	ssyncset.done @!p0 $0x0  }
0x27b: {  	[sflag:s0] =	ssyncadd.s32 @!p0 s1  }
0x27c: {  	[bflag:$0x3] =	sbarrier.arrive $0xFFFF  }
0x27d: {  	_ =	shalt  }

</sc_bundles>
